<compile_context>
chip_gen: v7x
topology: tpu7x:2x2x1
jax: 0.10.2.dev20260603
libtpu: 0.0.44.dev20260713+nightly
codegen_flags: <defaults>
</compile_context>

<pallas_src>
import functools

import jax
import jax.numpy as jnp
import numpy as np
from jax.experimental import pallas as pl
from jax.experimental.pallas import tpu as pltpu
from jax.experimental.pallas import tpu_sc as plsc
from jax._src.pallas import mpmd as _pl_mpmd

_B = 4096
_HID = 128
_HEADS = 4
_DH = 32
_K = 8
_R1 = 512
_R2 = 512
_C3 = 256


def _fused_body(f0, f1, f2, w0t, w1t, w2t, pb0, pb1, pb2, g0, b0, g1, b1,
                g2, b2, wiT, bi, woT, bo, e1T, eb1, e2T, eb2, S, ST,
                fused_o, fusedT_o, ew_o):
    def proj(f, wt, pb, g, b):
        x = jnp.dot(f[...], wt[...], preferred_element_type=jnp.float32)
        x = jnp.maximum(x + pb[...], 0.0)
        m = jnp.sum(x, axis=1, keepdims=True) * (1.0 / _HID)
        d = x - m
        v = jnp.sum(d * d, axis=1, keepdims=True) * (1.0 / _HID)
        return d * jax.lax.rsqrt(v + 1e-5) * g[...] + b[...]

    p = [proj(f0, w0t, pb0, g0, b0),
         proj(f1, w1t, pb1, g1, b1),
         proj(f2, w2t, pb2, g2, b2)]
    wi = wiT[...]
    bi_ = bi[...]
    q = [jnp.dot(pm, wi[:, 0:_HID], preferred_element_type=jnp.float32)
         + bi_[:, 0:_HID] for pm in p]
    k = [jnp.dot(pm, wi[:, _HID:2 * _HID], preferred_element_type=jnp.float32)
         + bi_[:, _HID:2 * _HID] for pm in p]
    v = [jnp.dot(pm, wi[:, 2 * _HID:3 * _HID], preferred_element_type=jnp.float32)
         + bi_[:, 2 * _HID:3 * _HID] for pm in p]
    Sm = S[...]
    STm = ST[...]
    scale = 1.0 / np.sqrt(float(_DH))
    osum = None
    for m in range(3):
        s = [jnp.dot(q[m] * k[n], Sm, preferred_element_type=jnp.float32) * scale
             for n in range(3)]
        mx = jnp.maximum(jnp.maximum(s[0], s[1]), s[2])
        e = [jnp.exp(sn - mx) for sn in s]
        den = e[0] + e[1] + e[2]
        o = None
        for n in range(3):
            a = jnp.dot(e[n] / den, STm, preferred_element_type=jnp.float32)
            o = a * v[n] if o is None else o + a * v[n]
        osum = o if osum is None else osum + o
    obar = osum * (1.0 / 3.0)
    fused = jnp.dot(obar, woT[...], preferred_element_type=jnp.float32) + bo[...]
    fused_o[...] = fused
    fusedT_o[...] = fused.T
    h1 = jnp.maximum(
        jnp.dot(fused, e1T[...], preferred_element_type=jnp.float32) + eb1[...],
        0.0)
    z = jnp.dot(h1, e2T[...], preferred_element_type=jnp.float32) + eb2[...]
    ew = 1.0 / (1.0 + jnp.exp(-z))
    ew_o[...] = jnp.maximum(ew, 1e-8)


def _topk_body(fb, ftT, tiT_o, tvT_o):
    l = jnp.dot(fb[...], ftT[...], preferred_element_type=jnp.float32)
    rowmax = jnp.max(l, axis=1, keepdims=True)
    ex = jnp.exp(l - rowmax)
    sumexp = jnp.sum(ex, axis=1, keepdims=True)
    rev = (_B - 1) - jax.lax.broadcasted_iota(jnp.int32, l.shape, 1)
    bits = jax.lax.bitcast_convert_type(ex, jnp.int32)
    keys = jax.lax.bitcast_convert_type(
        ((bits + 0x800) & jnp.int32(~0xFFF)) | rev, jnp.float32)
    j8 = jax.lax.broadcasted_iota(jnp.int32, (l.shape[0], _K), 1)
    topi = jnp.zeros((l.shape[0], _K), jnp.int32)
    topb = jnp.zeros((l.shape[0], _K), jnp.int32)
    for j in range(_K):
        cur = jnp.max(keys, axis=1, keepdims=True)
        if j < _K - 1:
            keys = jnp.where(keys == cur, 0.0, keys)
        curb = jax.lax.bitcast_convert_type(cur, jnp.int32)
        topi = jnp.where(j8 == j, (_B - 1) - (curb & 0xFFF), topi)
        topb = jnp.where(j8 == j, curb & jnp.int32(~0xFFF), topb)
    topv = jax.lax.bitcast_convert_type(topb, jnp.float32) / sumexp
    base = pl.program_id(0) * _R2
    growid = base + jax.lax.broadcasted_iota(jnp.int32, (l.shape[0], 1), 0)
    is_diag = topi == growid
    any_diag = jnp.max(jnp.where(is_diag, 1, 0), axis=1, keepdims=True) > 0
    v_ji = jnp.sum(jnp.where(is_diag, topv, 0.0), axis=1, keepdims=True)
    sumv = jnp.sum(topv, axis=1, keepdims=True)
    diag = jnp.where(any_diag, jnp.where(sumv == 0.0, 1.0, v_ji), 1.0)
    vals = jnp.where(is_diag, diag, topv)
    fill_i = jnp.full((l.shape[0], 16 - (_K + 1)), -1, jnp.int32)
    fill_v = jnp.zeros((l.shape[0], 16 - (_K + 1)), jnp.float32)
    tiT_o[...] = jnp.concatenate([topi, growid, fill_i], axis=1).T
    tvT_o[...] = jnp.concatenate([vals, diag, fill_v], axis=1).T


def _sc_scatter_body(h_hbm, tiT_hbm, tvT_hbm, h_out, ti_v, tv_v, idx_v, sem):
    del h_hbm
    wid = jax.lax.axis_index("s") * 2 + jax.lax.axis_index("c")
    base = wid * 128
    pltpu.sync_copy(tiT_hbm.at[:, pl.ds(base, 128)], ti_v)
    pltpu.sync_copy(tvT_hbm.at[:, pl.ds(base, 128)], tv_v)
    for j in range(_K + 1):
        for c8 in range(8):
            rows = ti_v[j, pl.ds(c8 * 16, 16)]
            cols = base + c8 * 16 + jax.lax.iota(jnp.int32, 16)
            idx_v[j, pl.ds(c8 * 16, 16)] = rows * _B + cols
    copies = [
        pltpu.async_copy(tv_v.at[j], h_out.at[idx_v.at[j]], sem)
        for j in range(_K + 1)
    ]
    for c in copies:
        c.wait()


def kernel(feat0, feat1, feat2, proj_w0, proj_b0, ln_g0, ln_b0, proj_w1,
           proj_b1, ln_g1, ln_b1, proj_w2, proj_b2, ln_g2, ln_b2, in_proj_w,
           in_proj_b, out_proj_w, out_proj_b, ew_w1, ew_b1, ew_w2, ew_b2):
    f32 = jnp.float32
    row = lambda x: x.reshape(1, -1)
    S = (jnp.arange(_HID)[:, None] // _DH ==
         jnp.arange(_HEADS)[None, :]).astype(f32)
    ST = S.T

    grid1 = _B // _R1
    full = lambda shp: pl.BlockSpec(shp, lambda i: (0, 0))
    fused, fusedT, ew = pl.pallas_call(
        _fused_body,
        grid=(grid1,),
        in_specs=[
            pl.BlockSpec((_R1, 512), lambda i: (i, 0)),
            pl.BlockSpec((_R1, 256), lambda i: (i, 0)),
            pl.BlockSpec((_R1, 128), lambda i: (i, 0)),
            full((512, _HID)), full((256, _HID)), full((128, _HID)),
            full((1, _HID)), full((1, _HID)), full((1, _HID)),
            full((1, _HID)), full((1, _HID)), full((1, _HID)),
            full((1, _HID)), full((1, _HID)), full((1, _HID)),
            full((_HID, 3 * _HID)), full((1, 3 * _HID)),
            full((_HID, _HID)), full((1, _HID)),
            full((_HID, _HID // 2)), full((1, _HID // 2)),
            full((_HID // 2, 1)), full((1, 1)),
            full((_HID, _HEADS)), full((_HEADS, _HID)),
        ],
        out_specs=[
            pl.BlockSpec((_R1, _HID), lambda i: (i, 0)),
            pl.BlockSpec((_HID, _R1), lambda i: (0, i)),
            pl.BlockSpec((_R1, 1), lambda i: (i, 0)),
        ],
        out_shape=[
            jax.ShapeDtypeStruct((_B, _HID), f32),
            jax.ShapeDtypeStruct((_HID, _B), f32),
            jax.ShapeDtypeStruct((_B, 1), f32),
        ],
    )(feat0, feat1, feat2,
      proj_w0.T, proj_w1.T, proj_w2.T,
      row(proj_b0), row(proj_b1), row(proj_b2),
      row(ln_g0), row(ln_b0), row(ln_g1), row(ln_b1), row(ln_g2), row(ln_b2),
      in_proj_w.T, row(in_proj_b), out_proj_w.T, row(out_proj_b),
      ew_w1.T, row(ew_b1), ew_w2.T, row(ew_b2), S, ST)

    grid2 = _B // _R2
    tiT, tvT = pl.pallas_call(
        _topk_body,
        grid=(grid2,),
        in_specs=[
            pl.BlockSpec((_R2, _HID), lambda i: (i, 0)),
            pl.BlockSpec((_HID, _B), lambda i: (0, 0)),
        ],
        out_specs=[
            pl.BlockSpec((16, _R2), lambda i: (0, i)),
            pl.BlockSpec((16, _R2), lambda i: (0, i)),
        ],
        out_shape=[
            jax.ShapeDtypeStruct((16, _B), jnp.int32),
            jax.ShapeDtypeStruct((16, _B), f32),
        ],
    )(fused, fusedT)

    h0 = jnp.zeros((_B * _B,), f32)
    mesh = plsc.VectorSubcoreMesh(core_axis_name="c", subcore_axis_name="s")
    scatter = _pl_mpmd._mpmd_map(
        [(mesh, _sc_scatter_body)],
        jax.ShapeDtypeStruct((_B * _B,), f32),
        input_output_aliases={0: 0},
        scratch_types=[
            pltpu.VMEM((16, 128), jnp.int32),
            pltpu.VMEM((16, 128), f32),
            pltpu.VMEM((_K + 1, 128), jnp.int32),
            pltpu.SemaphoreType.DMA,
        ],
    )
    Hm = scatter(h0, tiT, tvT).reshape(_B, _B)

    return (Hm, ew.reshape(_B))

# --- scband reference (transcript-rebuilt; emitter-appended) ---
"""Pipeline reference for scband-attention-only-hyperedge-generator-76562087019170 (READ-ONLY COPY).

The authoritative reference and input builder live on the scoring server;
editing this copy changes nothing except your own understanding.
"""

import jax, jax.numpy as jnp
import numpy as np

B = 4096
DIMS = [512, 256, 128]
HID = 128
HEADS = 4
TOPK = 8


def setup_inputs(seed: int = 0):
    key = jax.random.key(seed)
    ks = jax.random.split(key, 24)
    inp = {}
    for i, d in enumerate(DIMS):
        inp['feat%d' % i] = jax.random.normal(ks[i], (B, d), dtype=jnp.float32)
    for i, d in enumerate(DIMS):
        inp['proj_w%d' % i] = jax.random.normal(ks[3 + i], (HID, d), dtype=jnp.float32) * (1.0 / np.sqrt(d))
        inp['proj_b%d' % i] = jnp.zeros((HID,), dtype=jnp.float32)
        inp['ln_g%d' % i] = jnp.ones((HID,), dtype=jnp.float32)
        inp['ln_b%d' % i] = jnp.zeros((HID,), dtype=jnp.float32)
    inp['in_proj_w'] = jax.random.normal(ks[8], (3 * HID, HID), dtype=jnp.float32) * (1.0 / np.sqrt(HID))
    inp['in_proj_b'] = jnp.zeros((3 * HID,), dtype=jnp.float32)
    inp['out_proj_w'] = jax.random.normal(ks[9], (HID, HID), dtype=jnp.float32) * (1.0 / np.sqrt(HID))
    inp['out_proj_b'] = jnp.zeros((HID,), dtype=jnp.float32)
    inp['ew_w1'] = jax.random.normal(ks[10], (HID // 2, HID), dtype=jnp.float32) * (1.0 / np.sqrt(HID))
    inp['ew_b1'] = jnp.zeros((HID // 2,), dtype=jnp.float32)
    inp['ew_w2'] = jax.random.normal(ks[11], (1, HID // 2), dtype=jnp.float32) * (1.0 / np.sqrt(HID // 2))
    inp['ew_b2'] = jnp.zeros((1,), dtype=jnp.float32)
    return inp


def _layernorm(x, g, b):
    m = jnp.mean(x, axis=-1, keepdims=True)
    v = jnp.mean((x - m) ** 2, axis=-1, keepdims=True)
    return (x - m) / jnp.sqrt(v + 1e-5) * g + b


def _mha(x, wi, bi, wo, bo):
    Bm, M, E = x.shape
    q = x @ wi[:E].T + bi[:E]
    k = x @ wi[E:2 * E].T + bi[E:2 * E]
    v = x @ wi[2 * E:].T + bi[2 * E:]
    dh = E // HEADS
    sp = lambda t: t.reshape(Bm, M, HEADS, dh).transpose(0, 2, 1, 3)
    qh, kh, vh = sp(q), sp(k), sp(v)
    att = jax.nn.softmax(jnp.einsum('bhqd,bhkd->bhqk', qh, kh) / jnp.sqrt(dh), axis=-1)
    o = jnp.einsum('bhqk,bhkd->bhqd', att, vh).transpose(0, 2, 1, 3).reshape(Bm, M, E)
    return o @ wo.T + bo


def _forward(feat0, feat1, feat2, proj_w0, proj_b0, ln_g0, ln_b0, proj_w1, proj_b1, ln_g1, ln_b1, proj_w2, proj_b2, ln_g2, ln_b2, in_proj_w, in_proj_b, out_proj_w, out_proj_b, ew_w1, ew_b1, ew_w2, ew_b2):
    feats = [feat0, feat1, feat2]
    pw = [proj_w0, proj_w1, proj_w2]
    pb = [proj_b0, proj_b1, proj_b2]
    lg = [ln_g0, ln_g1, ln_g2]
    lb = [ln_b0, ln_b1, ln_b2]
    proj = [_layernorm(jax.nn.relu(f @ w.T + b), g, bb) for f, w, b, g, bb in zip(feats, pw, pb, lg, lb)]
    seq = jnp.stack(proj, axis=1)
    att = _mha(seq, in_proj_w, in_proj_b, out_proj_w, out_proj_b)
    fused = att.mean(axis=1)
    sim = jax.nn.softmax(fused @ fused.T, axis=1)
    bsz = fused.shape[0]
    k = min(TOPK, bsz)
    topv, topi = jax.lax.top_k(sim, k)
    ar = jnp.arange(bsz)
    Hm = jnp.zeros((bsz, bsz), dtype=fused.dtype)
    Hm = Hm.at[ar, ar].set(1.0)
    rows = topi.reshape(-1)
    cols = jnp.repeat(ar, k)
    vals = topv.reshape(-1)
    Hm = Hm.at[rows, cols].set(vals)
    colsum = Hm.sum(axis=0)
    diag = Hm[ar, ar]
    Hm = Hm.at[ar, ar].set(jnp.where(colsum == 0.0, 1.0, diag))
    ew = jax.nn.sigmoid(jax.nn.relu(fused @ ew_w1.T + ew_b1) @ ew_w2.T + ew_b2).squeeze()
    ew = jnp.clip(ew, 1e-8, None)
    return (Hm, ew)


def reference(feat0, feat1, feat2, proj_w0, proj_b0, ln_g0, ln_b0, proj_w1, proj_b1, ln_g1, ln_b1, proj_w2, proj_b2, ln_g2, ln_b2, in_proj_w, in_proj_b, out_proj_w, out_proj_b, ew_w1, ew_b1, ew_w2, ew_b2):
    return _forward(feat0, feat1, feat2, proj_w0, proj_b0, ln_g0, ln_b0, proj_w1, proj_b1, ln_g1, ln_b1, proj_w2, proj_b2, ln_g2, ln_b2, in_proj_w, in_proj_b, out_proj_w, out_proj_b, ew_w1, ew_b1, ew_w2, ew_b2)

if __name__ == "__main__":
    import jax
    _d = setup_inputs()
    print(jax.jit(kernel)(*tuple(_d.values())))

</pallas_src>

<mosaic_0001>
#map = affine_map<(d0, d1) -> (0)>
#map1 = affine_map<(d0, d1) -> (0, 0)>
module attributes {stable_mosaic.version = 14 : i64} {
  func.func @_sc_scatter_body(%arg0: i32, %arg1: i32, %arg2: memref<16777216xf32, #tpu.memory_space<hbm>>, %arg3: memref<16x4096xi32, #tpu.memory_space<hbm>>, %arg4: memref<16x4096xf32, #tpu.memory_space<hbm>>, %arg5: memref<16777216xf32, #tpu.memory_space<hbm>>, %arg6: memref<16x128xi32, #tpu.memory_space<vmem>>, %arg7: memref<16x128xf32, #tpu.memory_space<vmem>>, %arg8: memref<9x128xi32, #tpu.memory_space<vmem>>, %arg9: memref<!tpu.dma_semaphore, #tpu.memory_space<semaphore_mem>>) attributes {dimension_semantics = [#tpu.dimension_semantics<core_parallel>, #tpu.dimension_semantics<subcore_parallel>], iteration_bounds = array<i64: 2, 16>, scalar_prefetch = 0 : i64, scratch_operands = 4 : i64, tpu.core_type = #tpu.core_type<sc_vector_subcore>, window_params = [{transform_indices = #map}, {transform_indices = #map1}, {transform_indices = #map1}, {transform_indices = #map}]} {
    %mul3A = arith.constant 2 : i32
    %mul3A_0 = arith.muli %arg1, %mul3A : i32
    %add3A = arith.addi %mul3A_0, %arg0 : i32
    %mul3A_1 = arith.constant 128 : i32
    %mul3A_2 = arith.muli %add3A, %mul3A_1 : i32
    "tpu.region"() ({
      %run_scoped3A = tpu.sem_alloc : memref<!tpu.dma_semaphore, #tpu.memory_space<semaphore_mem>>
      %dma_start3A_1618 = arith.constant 0 : i32
      %dma_start3A_1619 = tpu.memref_slice %arg3[%dma_start3A_1618, %mul3A_2] : memref<16x4096xi32, #tpu.memory_space<hbm>> -> memref<16x128xi32, #tpu.memory_space<hbm>>
      %dma_start3A_1620 = arith.constant 0 : i32
      %dma_start3A_1621 = tpu.memref_slice %arg3[%dma_start3A_1620, %mul3A_2] : memref<16x4096xi32, #tpu.memory_space<hbm>> -> memref<16x128xi32, #tpu.memory_space<hbm>>
      tpu.enqueue_dma source(%dma_start3A_1621 : memref<16x128xi32, #tpu.memory_space<hbm>>) target(%arg6 : memref<16x128xi32, #tpu.memory_space<vmem>>) target_semaphore(%run_scoped3A : memref<!tpu.dma_semaphore, #tpu.memory_space<semaphore_mem>>)
      %dma_wait3A_1622 = arith.constant 0 : i32
      %dma_wait3A_1623 = tpu.memref_slice %arg3[%dma_wait3A_1622, %mul3A_2] : memref<16x4096xi32, #tpu.memory_space<hbm>> -> memref<16x128xi32, #tpu.memory_space<hbm>>
      %dma_wait3A_1624 = arith.constant 0 : i32
      %dma_wait3A_1625 = tpu.memref_slice %arg3[%dma_wait3A_1624, %mul3A_2] : memref<16x4096xi32, #tpu.memory_space<hbm>> -> memref<16x128xi32, #tpu.memory_space<hbm>>
      tpu.wait_dma2 semaphore(%run_scoped3A : memref<!tpu.dma_semaphore, #tpu.memory_space<semaphore_mem>>) src(%dma_wait3A_1625 : memref<16x128xi32, #tpu.memory_space<hbm>>) dst(%arg6 : memref<16x128xi32, #tpu.memory_space<vmem>>)
      tpu.yield
    }) : () -> ()
    "tpu.region"() ({
      %run_scoped3A = tpu.sem_alloc : memref<!tpu.dma_semaphore, #tpu.memory_space<semaphore_mem>>
      %dma_start3A_1618 = arith.constant 0 : i32
      %dma_start3A_1619 = tpu.memref_slice %arg4[%dma_start3A_1618, %mul3A_2] : memref<16x4096xf32, #tpu.memory_space<hbm>> -> memref<16x128xf32, #tpu.memory_space<hbm>>
      %dma_start3A_1620 = arith.constant 0 : i32
      %dma_start3A_1621 = tpu.memref_slice %arg4[%dma_start3A_1620, %mul3A_2] : memref<16x4096xf32, #tpu.memory_space<hbm>> -> memref<16x128xf32, #tpu.memory_space<hbm>>
      tpu.enqueue_dma source(%dma_start3A_1621 : memref<16x128xf32, #tpu.memory_space<hbm>>) target(%arg7 : memref<16x128xf32, #tpu.memory_space<vmem>>) target_semaphore(%run_scoped3A : memref<!tpu.dma_semaphore, #tpu.memory_space<semaphore_mem>>)
      %dma_wait3A_1622 = arith.constant 0 : i32
      %dma_wait3A_1623 = tpu.memref_slice %arg4[%dma_wait3A_1622, %mul3A_2] : memref<16x4096xf32, #tpu.memory_space<hbm>> -> memref<16x128xf32, #tpu.memory_space<hbm>>
      %dma_wait3A_1624 = arith.constant 0 : i32
      %dma_wait3A_1625 = tpu.memref_slice %arg4[%dma_wait3A_1624, %mul3A_2] : memref<16x4096xf32, #tpu.memory_space<hbm>> -> memref<16x128xf32, #tpu.memory_space<hbm>>
      tpu.wait_dma2 semaphore(%run_scoped3A : memref<!tpu.dma_semaphore, #tpu.memory_space<semaphore_mem>>) src(%dma_wait3A_1625 : memref<16x128xf32, #tpu.memory_space<hbm>>) dst(%arg7 : memref<16x128xf32, #tpu.memory_space<vmem>>)
      tpu.yield
    }) : () -> ()
    %get3A = arith.constant 0 : i32
    %get3A_3 = arith.index_cast %get3A : i32 to index
    %get3A_4 = arith.constant 0 : index
    %get3A_5 = tpu.vector_load %arg6[%get3A_3, %get3A_4] {strides = array<i32>} : memref<16x128xi32, #tpu.memory_space<vmem>>, vector<1x16xi32>,
    %get3A_6 = vector.shape_cast %get3A_5 : vector<1x16xi32> to vector<16xi32>
    %add3A_7 = arith.constant 0 : i32
    %add3A_8 = arith.addi %mul3A_2, %add3A_7 : i32
    %iota3A = tpu.iota {dimensions = array<i32: 0>} : vector<16xi32>
    %add3A_9 = vector.broadcast %add3A_8 : i32 to vector<16xi32>
    %add3A_10 = arith.addi %add3A_9, %iota3A : vector<16xi32>
    %mul3A_11 = arith.constant 4096 : i32
    %mul3A_12 = vector.broadcast %mul3A_11 : i32 to vector<16xi32>
    %mul3A_13 = arith.muli %get3A_6, %mul3A_12 : vector<16xi32>
    %add3A_14 = arith.addi %mul3A_13, %add3A_10 : vector<16xi32>
    %swap3A = arith.constant 0 : i32
    %swap3A_15 = arith.index_cast %swap3A : i32 to index
    %swap3A_16 = arith.constant 0 : index
    %swap3A_17 = tpu.vector_load %arg8[%swap3A_15, %swap3A_16] {strides = array<i32>} : memref<9x128xi32, #tpu.memory_space<vmem>>, vector<1x16xi32>,
    %swap3A_18 = vector.shape_cast %swap3A_17 : vector<1x16xi32> to vector<16xi32>
    %swap3A_19 = vector.shape_cast %add3A_14 : vector<16xi32> to vector<1x16xi32>
    tpu.vector_store %arg8[%swap3A_15, %swap3A_16], %swap3A_19 {strides = array<i32>} : memref<9x128xi32, #tpu.memory_space<vmem>>, vector<1x16xi32>,
    %get3A_20 = arith.constant 0 : i32
    %get3A_21 = arith.index_cast %get3A_20 : i32 to index
    %get3A_22 = arith.constant 16 : index
    %get3A_23 = tpu.vector_load %arg6[%get3A_21, %get3A_22] {strides = array<i32>} : memref<16x128xi32, #tpu.memory_space<vmem>>, vector<1x16xi32>,
    %get3A_24 = vector.shape_cast %get3A_23 : vector<1x16xi32> to vector<16xi32>
    %add3A_25 = arith.constant 16 : i32
    %add3A_26 = arith.addi %mul3A_2, %add3A_25 : i32
    %iota3A_27 = tpu.iota {dimensions = array<i32: 0>} : vector<16xi32>
    %add3A_28 = vector.broadcast %add3A_26 : i32 to vector<16xi32>
    %add3A_29 = arith.addi %add3A_28, %iota3A_27 : vector<16xi32>
    %mul3A_30 = arith.constant 4096 : i32
    %mul3A_31 = vector.broadcast %mul3A_30 : i32 to vector<16xi32>
    %mul3A_32 = arith.muli %get3A_24, %mul3A_31 : vector<16xi32>
    %add3A_33 = arith.addi %mul3A_32, %add3A_29 : vector<16xi32>
    %swap3A_34 = arith.constant 0 : i32
    %swap3A_35 = arith.index_cast %swap3A_34 : i32 to index
    %swap3A_36 = arith.constant 16 : index
    %swap3A_37 = tpu.vector_load %arg8[%swap3A_35, %swap3A_36] {strides = array<i32>} : memref<9x128xi32, #tpu.memory_space<vmem>>, vector<1x16xi32>,
    %swap3A_38 = vector.shape_cast %swap3A_37 : vector<1x16xi32> to vector<16xi32>
    %swap3A_39 = vector.shape_cast %add3A_33 : vector<16xi32> to vector<1x16xi32>
    tpu.vector_store %arg8[%swap3A_35, %swap3A_36], %swap3A_39 {strides = array<i32>} : memref<9x128xi32, #tpu.memory_space<vmem>>, vector<1x16xi32>,
    %get3A_40 = arith.constant 0 : i32
    %get3A_41 = arith.index_cast %get3A_40 : i32 to index
    %get3A_42 = arith.constant 32 : index
    %get3A_43 = tpu.vector_load %arg6[%get3A_41, %get3A_42] {strides = array<i32>} : memref<16x128xi32, #tpu.memory_space<vmem>>, vector<1x16xi32>,
    %get3A_44 = vector.shape_cast %get3A_43 : vector<1x16xi32> to vector<16xi32>
    %add3A_45 = arith.constant 32 : i32
    %add3A_46 = arith.addi %mul3A_2, %add3A_45 : i32
    %iota3A_47 = tpu.iota {dimensions = array<i32: 0>} : vector<16xi32>
    %add3A_48 = vector.broadcast %add3A_46 : i32 to vector<16xi32>
    %add3A_49 = arith.addi %add3A_48, %iota3A_47 : vector<16xi32>
    %mul3A_50 = arith.constant 4096 : i32
    %mul3A_51 = vector.broadcast %mul3A_50 : i32 to vector<16xi32>
    %mul3A_52 = arith.muli %get3A_44, %mul3A_51 : vector<16xi32>
    %add3A_53 = arith.addi %mul3A_52, %add3A_49 : vector<16xi32>
    %swap3A_54 = arith.constant 0 : i32
    %swap3A_55 = arith.index_cast %swap3A_54 : i32 to index
    %swap3A_56 = arith.constant 32 : index
    %swap3A_57 = tpu.vector_load %arg8[%swap3A_55, %swap3A_56] {strides = array<i32>} : memref<9x128xi32, #tpu.memory_space<vmem>>, vector<1x16xi32>,
    %swap3A_58 = vector.shape_cast %swap3A_57 : vector<1x16xi32> to vector<16xi32>
    %swap3A_59 = vector.shape_cast %add3A_53 : vector<16xi32> to vector<1x16xi32>
    tpu.vector_store %arg8[%swap3A_55, %swap3A_56], %swap3A_59 {strides = array<i32>} : memref<9x128xi32, #tpu.memory_space<vmem>>, vector<1x16xi32>,
    %get3A_60 = arith.constant 0 : i32
    %get3A_61 = arith.index_cast %get3A_60 : i32 to index
    %get3A_62 = arith.constant 48 : index
    %get3A_63 = tpu.vector_load %arg6[%get3A_61, %get3A_62] {strides = array<i32>} : memref<16x128xi32, #tpu.memory_space<vmem>>, vector<1x16xi32>,
    %get3A_64 = vector.shape_cast %get3A_63 : vector<1x16xi32> to vector<16xi32>
    %add3A_65 = arith.constant 48 : i32
    %add3A_66 = arith.addi %mul3A_2, %add3A_65 : i32
    %iota3A_67 = tpu.iota {dimensions = array<i32: 0>} : vector<16xi32>
    %add3A_68 = vector.broadcast %add3A_66 : i32 to vector<16xi32>
    %add3A_69 = arith.addi %add3A_68, %iota3A_67 : vector<16xi32>
    %mul3A_70 = arith.constant 4096 : i32
    %mul3A_71 = vector.broadcast %mul3A_70 : i32 to vector<16xi32>
    %mul3A_72 = arith.muli %get3A_64, %mul3A_71 : vector<16xi32>
    %add3A_73 = arith.addi %mul3A_72, %add3A_69 : vector<16xi32>
    %swap3A_74 = arith.constant 0 : i32
    %swap3A_75 = arith.index_cast %swap3A_74 : i32 to index
    %swap3A_76 = arith.constant 48 : index
    %swap3A_77 = tpu.vector_load %arg8[%swap3A_75, %swap3A_76] {strides = array<i32>} : memref<9x128xi32, #tpu.memory_space<vmem>>, vector<1x16xi32>,
    %swap3A_78 = vector.shape_cast %swap3A_77 : vector<1x16xi32> to vector<16xi32>
    %swap3A_79 = vector.shape_cast %add3A_73 : vector<16xi32> to vector<1x16xi32>
    tpu.vector_store %arg8[%swap3A_75, %swap3A_76], %swap3A_79 {strides = array<i32>} : memref<9x128xi32, #tpu.memory_space<vmem>>, vector<1x16xi32>,
    %get3A_80 = arith.constant 0 : i32
    %get3A_81 = arith.index_cast %get3A_80 : i32 to index
    %get3A_82 = arith.constant 64 : index
    %get3A_83 = tpu.vector_load %arg6[%get3A_81, %get3A_82] {strides = array<i32>} : memref<16x128xi32, #tpu.memory_space<vmem>>, vector<1x16xi32>,
    %get3A_84 = vector.shape_cast %get3A_83 : vector<1x16xi32> to vector<16xi32>
    %add3A_85 = arith.constant 64 : i32
    %add3A_86 = arith.addi %mul3A_2, %add3A_85 : i32
    %iota3A_87 = tpu.iota {dimensions = array<i32: 0>} : vector<16xi32>
    %add3A_88 = vector.broadcast %add3A_86 : i32 to vector<16xi32>
    %add3A_89 = arith.addi %add3A_88, %iota3A_87 : vector<16xi32>
    %mul3A_90 = arith.constant 4096 : i32
    %mul3A_91 = vector.broadcast %mul3A_90 : i32 to vector<16xi32>
    %mul3A_92 = arith.muli %get3A_84, %mul3A_91 : vector<16xi32>
    %add3A_93 = arith.addi %mul3A_92, %add3A_89 : vector<16xi32>
    %swap3A_94 = arith.constant 0 : i32
    %swap3A_95 = arith.index_cast %swap3A_94 : i32 to index
    %swap3A_96 = arith.constant 64 : index
    %swap3A_97 = tpu.vector_load %arg8[%swap3A_95, %swap3A_96] {strides = array<i32>} : memref<9x128xi32, #tpu.memory_space<vmem>>, vector<1x16xi32>,
    %swap3A_98 = vector.shape_cast %swap3A_97 : vector<1x16xi32> to vector<16xi32>
    %swap3A_99 = vector.shape_cast %add3A_93 : vector<16xi32> to vector<1x16xi32>
    tpu.vector_store %arg8[%swap3A_95, %swap3A_96], %swap3A_99 {strides = array<i32>} : memref<9x128xi32, #tpu.memory_space<vmem>>, vector<1x16xi32>,
    %get3A_100 = arith.constant 0 : i32
    %get3A_101 = arith.index_cast %get3A_100 : i32 to index
    %get3A_102 = arith.constant 80 : index
    %get3A_103 = tpu.vector_load %arg6[%get3A_101, %get3A_102] {strides = array<i32>} : memref<16x128xi32, #tpu.memory_space<vmem>>, vector<1x16xi32>,
    %get3A_104 = vector.shape_cast %get3A_103 : vector<1x16xi32> to vector<16xi32>
    %add3A_105 = arith.constant 80 : i32
    %add3A_106 = arith.addi %mul3A_2, %add3A_105 : i32
    %iota3A_107 = tpu.iota {dimensions = array<i32: 0>} : vector<16xi32>
    %add3A_108 = vector.broadcast %add3A_106 : i32 to vector<16xi32>
    %add3A_109 = arith.addi %add3A_108, %iota3A_107 : vector<16xi32>
    %mul3A_110 = arith.constant 4096 : i32
    %mul3A_111 = vector.broadcast %mul3A_110 : i32 to vector<16xi32>
    %mul3A_112 = arith.muli %get3A_104, %mul3A_111 : vector<16xi32>
    %add3A_113 = arith.addi %mul3A_112, %add3A_109 : vector<16xi32>
    %swap3A_114 = arith.constant 0 : i32
    %swap3A_115 = arith.index_cast %swap3A_114 : i32 to index
    %swap3A_116 = arith.constant 80 : index
    %swap3A_117 = tpu.vector_load %arg8[%swap3A_115, %swap3A_116] {strides = array<i32>} : memref<9x128xi32, #tpu.memory_space<vmem>>, vector<1x16xi32>,
    %swap3A_118 = vector.shape_cast %swap3A_117 : vector<1x16xi32> to vector<16xi32>
    %swap3A_119 = vector.shape_cast %add3A_113 : vector<16xi32> to vector<1x16xi32>
    tpu.vector_store %arg8[%swap3A_115, %swap3A_116], %swap3A_119 {strides = array<i32>} : memref<9x128xi32, #tpu.memory_space<vmem>>, vector<1x16xi32>,
    %get3A_120 = arith.constant 0 : i32
    %get3A_121 = arith.index_cast %get3A_120 : i32 to index
    %get3A_122 = arith.constant 96 : index
    %get3A_123 = tpu.vector_load %arg6[%get3A_121, %get3A_122] {strides = array<i32>} : memref<16x128xi32, #tpu.memory_space<vmem>>, vector<1x16xi32>,
    %get3A_124 = vector.shape_cast %get3A_123 : vector<1x16xi32> to vector<16xi32>
    %add3A_125 = arith.constant 96 : i32
    %add3A_126 = arith.addi %mul3A_2, %add3A_125 : i32
    %iota3A_127 = tpu.iota {dimensions = array<i32: 0>} : vector<16xi32>
    %add3A_128 = vector.broadcast %add3A_126 : i32 to vector<16xi32>
    %add3A_129 = arith.addi %add3A_128, %iota3A_127 : vector<16xi32>
    %mul3A_130 = arith.constant 4096 : i32
    %mul3A_131 = vector.broadcast %mul3A_130 : i32 to vector<16xi32>
    %mul3A_132 = arith.muli %get3A_124, %mul3A_131 : vector<16xi32>
    %add3A_133 = arith.addi %mul3A_132, %add3A_129 : vector<16xi32>
    %swap3A_134 = arith.constant 0 : i32
    %swap3A_135 = arith.index_cast %swap3A_134 : i32 to index
    %swap3A_136 = arith.constant 96 : index
    %swap3A_137 = tpu.vector_load %arg8[%swap3A_135, %swap3A_136] {strides = array<i32>} : memref<9x128xi32, #tpu.memory_space<vmem>>, vector<1x16xi32>,
    %swap3A_138 = vector.shape_cast %swap3A_137 : vector<1x16xi32> to vector<16xi32>
    %swap3A_139 = vector.shape_cast %add3A_133 : vector<16xi32> to vector<1x16xi32>
    tpu.vector_store %arg8[%swap3A_135, %swap3A_136], %swap3A_139 {strides = array<i32>} : memref<9x128xi32, #tpu.memory_space<vmem>>, vector<1x16xi32>,
    %get3A_140 = arith.constant 0 : i32
    %get3A_141 = arith.index_cast %get3A_140 : i32 to index
    %get3A_142 = arith.constant 112 : index
    %get3A_143 = tpu.vector_load %arg6[%get3A_141, %get3A_142] {strides = array<i32>} : memref<16x128xi32, #tpu.memory_space<vmem>>, vector<1x16xi32>,
    %get3A_144 = vector.shape_cast %get3A_143 : vector<1x16xi32> to vector<16xi32>
    %add3A_145 = arith.constant 112 : i32
    %add3A_146 = arith.addi %mul3A_2, %add3A_145 : i32
    %iota3A_147 = tpu.iota {dimensions = array<i32: 0>} : vector<16xi32>
    %add3A_148 = vector.broadcast %add3A_146 : i32 to vector<16xi32>
    %add3A_149 = arith.addi %add3A_148, %iota3A_147 : vector<16xi32>
    %mul3A_150 = arith.constant 4096 : i32
    %mul3A_151 = vector.broadcast %mul3A_150 : i32 to vector<16xi32>
    %mul3A_152 = arith.muli %get3A_144, %mul3A_151 : vector<16xi32>
    %add3A_153 = arith.addi %mul3A_152, %add3A_149 : vector<16xi32>
    %swap3A_154 = arith.constant 0 : i32
    %swap3A_155 = arith.index_cast %swap3A_154 : i32 to index
    %swap3A_156 = arith.constant 112 : index
    %swap3A_157 = tpu.vector_load %arg8[%swap3A_155, %swap3A_156] {strides = array<i32>} : memref<9x128xi32, #tpu.memory_space<vmem>>, vector<1x16xi32>,
    %swap3A_158 = vector.shape_cast %swap3A_157 : vector<1x16xi32> to vector<16xi32>
    %swap3A_159 = vector.shape_cast %add3A_153 : vector<16xi32> to vector<1x16xi32>
    tpu.vector_store %arg8[%swap3A_155, %swap3A_156], %swap3A_159 {strides = array<i32>} : memref<9x128xi32, #tpu.memory_space<vmem>>, vector<1x16xi32>,
    %get3A_160 = arith.constant 1 : i32
    %get3A_161 = arith.index_cast %get3A_160 : i32 to index
    %get3A_162 = arith.constant 0 : index
    %get3A_163 = tpu.vector_load %arg6[%get3A_161, %get3A_162] {strides = array<i32>} : memref<16x128xi32, #tpu.memory_space<vmem>>, vector<1x16xi32>,
    %get3A_164 = vector.shape_cast %get3A_163 : vector<1x16xi32> to vector<16xi32>
    %add3A_165 = arith.constant 0 : i32
    %add3A_166 = arith.addi %mul3A_2, %add3A_165 : i32
    %iota3A_167 = tpu.iota {dimensions = array<i32: 0>} : vector<16xi32>
    %add3A_168 = vector.broadcast %add3A_166 : i32 to vector<16xi32>
    %add3A_169 = arith.addi %add3A_168, %iota3A_167 : vector<16xi32>
    %mul3A_170 = arith.constant 4096 : i32
    %mul3A_171 = vector.broadcast %mul3A_170 : i32 to vector<16xi32>
    %mul3A_172 = arith.muli %get3A_164, %mul3A_171 : vector<16xi32>
    %add3A_173 = arith.addi %mul3A_172, %add3A_169 : vector<16xi32>
    %swap3A_174 = arith.constant 1 : i32
    %swap3A_175 = arith.index_cast %swap3A_174 : i32 to index
    %swap3A_176 = arith.constant 0 : index
    %swap3A_177 = tpu.vector_load %arg8[%swap3A_175, %swap3A_176] {strides = array<i32>} : memref<9x128xi32, #tpu.memory_space<vmem>>, vector<1x16xi32>,
    %swap3A_178 = vector.shape_cast %swap3A_177 : vector<1x16xi32> to vector<16xi32>
    %swap3A_179 = vector.shape_cast %add3A_173 : vector<16xi32> to vector<1x16xi32>
    tpu.vector_store %arg8[%swap3A_175, %swap3A_176], %swap3A_179 {strides = array<i32>} : memref<9x128xi32, #tpu.memory_space<vmem>>, vector<1x16xi32>,
    %get3A_180 = arith.constant 1 : i32
    %get3A_181 = arith.index_cast %get3A_180 : i32 to index
    %get3A_182 = arith.constant 16 : index
    %get3A_183 = tpu.vector_load %arg6[%get3A_181, %get3A_182] {strides = array<i32>} : memref<16x128xi32, #tpu.memory_space<vmem>>, vector<1x16xi32>,
    %get3A_184 = vector.shape_cast %get3A_183 : vector<1x16xi32> to vector<16xi32>
    %add3A_185 = arith.constant 16 : i32
    %add3A_186 = arith.addi %mul3A_2, %add3A_185 : i32
    %iota3A_187 = tpu.iota {dimensions = array<i32: 0>} : vector<16xi32>
    %add3A_188 = vector.broadcast %add3A_186 : i32 to vector<16xi32>
    %add3A_189 = arith.addi %add3A_188, %iota3A_187 : vector<16xi32>
    %mul3A_190 = arith.constant 4096 : i32
    %mul3A_191 = vector.broadcast %mul3A_190 : i32 to vector<16xi32>
    %mul3A_192 = arith.muli %get3A_184, %mul3A_191 : vector<16xi32>
    %add3A_193 = arith.addi %mul3A_192, %add3A_189 : vector<16xi32>
    %swap3A_194 = arith.constant 1 : i32
    %swap3A_195 = arith.index_cast %swap3A_194 : i32 to index
    %swap3A_196 = arith.constant 16 : index
    %swap3A_197 = tpu.vector_load %arg8[%swap3A_195, %swap3A_196] {strides = array<i32>} : memref<9x128xi32, #tpu.memory_space<vmem>>, vector<1x16xi32>,
    %swap3A_198 = vector.shape_cast %swap3A_197 : vector<1x16xi32> to vector<16xi32>
    %swap3A_199 = vector.shape_cast %add3A_193 : vector<16xi32> to vector<1x16xi32>
    tpu.vector_store %arg8[%swap3A_195, %swap3A_196], %swap3A_199 {strides = array<i32>} : memref<9x128xi32, #tpu.memory_space<vmem>>, vector<1x16xi32>,
    %get3A_200 = arith.constant 1 : i32
    %get3A_201 = arith.index_cast %get3A_200 : i32 to index
    %get3A_202 = arith.constant 32 : index
    %get3A_203 = tpu.vector_load %arg6[%get3A_201, %get3A_202] {strides = array<i32>} : memref<16x128xi32, #tpu.memory_space<vmem>>, vector<1x16xi32>,
    %get3A_204 = vector.shape_cast %get3A_203 : vector<1x16xi32> to vector<16xi32>
    %add3A_205 = arith.constant 32 : i32
    %add3A_206 = arith.addi %mul3A_2, %add3A_205 : i32
    %iota3A_207 = tpu.iota {dimensions = array<i32: 0>} : vector<16xi32>
    %add3A_208 = vector.broadcast %add3A_206 : i32 to vector<16xi32>
    %add3A_209 = arith.addi %add3A_208, %iota3A_207 : vector<16xi32>
    %mul3A_210 = arith.constant 4096 : i32
    %mul3A_211 = vector.broadcast %mul3A_210 : i32 to vector<16xi32>
    %mul3A_212 = arith.muli %get3A_204, %mul3A_211 : vector<16xi32>
    %add3A_213 = arith.addi %mul3A_212, %add3A_209 : vector<16xi32>
    %swap3A_214 = arith.constant 1 : i32
    %swap3A_215 = arith.index_cast %swap3A_214 : i32 to index
    %swap3A_216 = arith.constant 32 : index
    %swap3A_217 = tpu.vector_load %arg8[%swap3A_215, %swap3A_216] {strides = array<i32>} : memref<9x128xi32, #tpu.memory_space<vmem>>, vector<1x16xi32>,
    %swap3A_218 = vector.shape_cast %swap3A_217 : vector<1x16xi32> to vector<16xi32>
    %swap3A_219 = vector.shape_cast %add3A_213 : vector<16xi32> to vector<1x16xi32>
    tpu.vector_store %arg8[%swap3A_215, %swap3A_216], %swap3A_219 {strides = array<i32>} : memref<9x128xi32, #tpu.memory_space<vmem>>, vector<1x16xi32>,
    %get3A_220 = arith.constant 1 : i32
    %get3A_221 = arith.index_cast %get3A_220 : i32 to index
    %get3A_222 = arith.constant 48 : index
    %get3A_223 = tpu.vector_load %arg6[%get3A_221, %get3A_222] {strides = array<i32>} : memref<16x128xi32, #tpu.memory_space<vmem>>, vector<1x16xi32>,
    %get3A_224 = vector.shape_cast %get3A_223 : vector<1x16xi32> to vector<16xi32>
    %add3A_225 = arith.constant 48 : i32
    %add3A_226 = arith.addi %mul3A_2, %add3A_225 : i32
    %iota3A_227 = tpu.iota {dimensions = array<i32: 0>} : vector<16xi32>
    %add3A_228 = vector.broadcast %add3A_226 : i32 to vector<16xi32>
    %add3A_229 = arith.addi %add3A_228, %iota3A_227 : vector<16xi32>
    %mul3A_230 = arith.constant 4096 : i32
    %mul3A_231 = vector.broadcast %mul3A_230 : i32 to vector<16xi32>
    %mul3A_232 = arith.muli %get3A_224, %mul3A_231 : vector<16xi32>
    %add3A_233 = arith.addi %mul3A_232, %add3A_229 : vector<16xi32>
    %swap3A_234 = arith.constant 1 : i32
    %swap3A_235 = arith.index_cast %swap3A_234 : i32 to index
    %swap3A_236 = arith.constant 48 : index
    %swap3A_237 = tpu.vector_load %arg8[%swap3A_235, %swap3A_236] {strides = array<i32>} : memref<9x128xi32, #tpu.memory_space<vmem>>, vector<1x16xi32>,
    %swap3A_238 = vector.shape_cast %swap3A_237 : vector<1x16xi32> to vector<16xi32>
    %swap3A_239 = vector.shape_cast %add3A_233 : vector<16xi32> to vector<1x16xi32>
    tpu.vector_store %arg8[%swap3A_235, %swap3A_236], %swap3A_239 {strides = array<i32>} : memref<9x128xi32, #tpu.memory_space<vmem>>, vector<1x16xi32>,
    %get3A_240 = arith.constant 1 : i32
    %get3A_241 = arith.index_cast %get3A_240 : i32 to index
    %get3A_242 = arith.constant 64 : index
    %get3A_243 = tpu.vector_load %arg6[%get3A_241, %get3A_242] {strides = array<i32>} : memref<16x128xi32, #tpu.memory_space<vmem>>, vector<1x16xi32>,
    %get3A_244 = vector.shape_cast %get3A_243 : vector<1x16xi32> to vector<16xi32>
    %add3A_245 = arith.constant 64 : i32
    %add3A_246 = arith.addi %mul3A_2, %add3A_245 : i32
    %iota3A_247 = tpu.iota {dimensions = array<i32: 0>} : vector<16xi32>
    %add3A_248 = vector.broadcast %add3A_246 : i32 to vector<16xi32>
    %add3A_249 = arith.addi %add3A_248, %iota3A_247 : vector<16xi32>
    %mul3A_250 = arith.constant 4096 : i32
    %mul3A_251 = vector.broadcast %mul3A_250 : i32 to vector<16xi32>
    %mul3A_252 = arith.muli %get3A_244, %mul3A_251 : vector<16xi32>
    %add3A_253 = arith.addi %mul3A_252, %add3A_249 : vector<16xi32>
    %swap3A_254 = arith.constant 1 : i32
    %swap3A_255 = arith.index_cast %swap3A_254 : i32 to index
    %swap3A_256 = arith.constant 64 : index
    %swap3A_257 = tpu.vector_load %arg8[%swap3A_255, %swap3A_256] {strides = array<i32>} : memref<9x128xi32, #tpu.memory_space<vmem>>, vector<1x16xi32>,
    %swap3A_258 = vector.shape_cast %swap3A_257 : vector<1x16xi32> to vector<16xi32>
    %swap3A_259 = vector.shape_cast %add3A_253 : vector<16xi32> to vector<1x16xi32>
    tpu.vector_store %arg8[%swap3A_255, %swap3A_256], %swap3A_259 {strides = array<i32>} : memref<9x128xi32, #tpu.memory_space<vmem>>, vector<1x16xi32>,
    %get3A_260 = arith.constant 1 : i32
    %get3A_261 = arith.index_cast %get3A_260 : i32 to index
    %get3A_262 = arith.constant 80 : index
    %get3A_263 = tpu.vector_load %arg6[%get3A_261, %get3A_262] {strides = array<i32>} : memref<16x128xi32, #tpu.memory_space<vmem>>, vector<1x16xi32>,
    %get3A_264 = vector.shape_cast %get3A_263 : vector<1x16xi32> to vector<16xi32>
    %add3A_265 = arith.constant 80 : i32
    %add3A_266 = arith.addi %mul3A_2, %add3A_265 : i32
    %iota3A_267 = tpu.iota {dimensions = array<i32: 0>} : vector<16xi32>
    %add3A_268 = vector.broadcast %add3A_266 : i32 to vector<16xi32>
    %add3A_269 = arith.addi %add3A_268, %iota3A_267 : vector<16xi32>
    %mul3A_270 = arith.constant 4096 : i32
    %mul3A_271 = vector.broadcast %mul3A_270 : i32 to vector<16xi32>
    %mul3A_272 = arith.muli %get3A_264, %mul3A_271 : vector<16xi32>
    %add3A_273 = arith.addi %mul3A_272, %add3A_269 : vector<16xi32>
    %swap3A_274 = arith.constant 1 : i32
    %swap3A_275 = arith.index_cast %swap3A_274 : i32 to index
    %swap3A_276 = arith.constant 80 : index
    %swap3A_277 = tpu.vector_load %arg8[%swap3A_275, %swap3A_276] {strides = array<i32>} : memref<9x128xi32, #tpu.memory_space<vmem>>, vector<1x16xi32>,
    %swap3A_278 = vector.shape_cast %swap3A_277 : vector<1x16xi32> to vector<16xi32>
    %swap3A_279 = vector.shape_cast %add3A_273 : vector<16xi32> to vector<1x16xi32>
    tpu.vector_store %arg8[%swap3A_275, %swap3A_276], %swap3A_279 {strides = array<i32>} : memref<9x128xi32, #tpu.memory_space<vmem>>, vector<1x16xi32>,
    %get3A_280 = arith.constant 1 : i32
    %get3A_281 = arith.index_cast %get3A_280 : i32 to index
    %get3A_282 = arith.constant 96 : index
    %get3A_283 = tpu.vector_load %arg6[%get3A_281, %get3A_282] {strides = array<i32>} : memref<16x128xi32, #tpu.memory_space<vmem>>, vector<1x16xi32>,
    %get3A_284 = vector.shape_cast %get3A_283 : vector<1x16xi32> to vector<16xi32>
    %add3A_285 = arith.constant 96 : i32
    %add3A_286 = arith.addi %mul3A_2, %add3A_285 : i32
    %iota3A_287 = tpu.iota {dimensions = array<i32: 0>} : vector<16xi32>
    %add3A_288 = vector.broadcast %add3A_286 : i32 to vector<16xi32>
    %add3A_289 = arith.addi %add3A_288, %iota3A_287 : vector<16xi32>
    %mul3A_290 = arith.constant 4096 : i32
    %mul3A_291 = vector.broadcast %mul3A_290 : i32 to vector<16xi32>
    %mul3A_292 = arith.muli %get3A_284, %mul3A_291 : vector<16xi32>
    %add3A_293 = arith.addi %mul3A_292, %add3A_289 : vector<16xi32>
    %swap3A_294 = arith.constant 1 : i32
    %swap3A_295 = arith.index_cast %swap3A_294 : i32 to index
    %swap3A_296 = arith.constant 96 : index
    %swap3A_297 = tpu.vector_load %arg8[%swap3A_295, %swap3A_296] {strides = array<i32>} : memref<9x128xi32, #tpu.memory_space<vmem>>, vector<1x16xi32>,
    %swap3A_298 = vector.shape_cast %swap3A_297 : vector<1x16xi32> to vector<16xi32>
    %swap3A_299 = vector.shape_cast %add3A_293 : vector<16xi32> to vector<1x16xi32>
    tpu.vector_store %arg8[%swap3A_295, %swap3A_296], %swap3A_299 {strides = array<i32>} : memref<9x128xi32, #tpu.memory_space<vmem>>, vector<1x16xi32>,
    %get3A_300 = arith.constant 1 : i32
    %get3A_301 = arith.index_cast %get3A_300 : i32 to index
    %get3A_302 = arith.constant 112 : index
    %get3A_303 = tpu.vector_load %arg6[%get3A_301, %get3A_302] {strides = array<i32>} : memref<16x128xi32, #tpu.memory_space<vmem>>, vector<1x16xi32>,
    %get3A_304 = vector.shape_cast %get3A_303 : vector<1x16xi32> to vector<16xi32>
    %add3A_305 = arith.constant 112 : i32
    %add3A_306 = arith.addi %mul3A_2, %add3A_305 : i32
    %iota3A_307 = tpu.iota {dimensions = array<i32: 0>} : vector<16xi32>
    %add3A_308 = vector.broadcast %add3A_306 : i32 to vector<16xi32>
    %add3A_309 = arith.addi %add3A_308, %iota3A_307 : vector<16xi32>
    %mul3A_310 = arith.constant 4096 : i32
    %mul3A_311 = vector.broadcast %mul3A_310 : i32 to vector<16xi32>
    %mul3A_312 = arith.muli %get3A_304, %mul3A_311 : vector<16xi32>
    %add3A_313 = arith.addi %mul3A_312, %add3A_309 : vector<16xi32>
    %swap3A_314 = arith.constant 1 : i32
    %swap3A_315 = arith.index_cast %swap3A_314 : i32 to index
    %swap3A_316 = arith.constant 112 : index
    %swap3A_317 = tpu.vector_load %arg8[%swap3A_315, %swap3A_316] {strides = array<i32>} : memref<9x128xi32, #tpu.memory_space<vmem>>, vector<1x16xi32>,
    %swap3A_318 = vector.shape_cast %swap3A_317 : vector<1x16xi32> to vector<16xi32>
    %swap3A_319 = vector.shape_cast %add3A_313 : vector<16xi32> to vector<1x16xi32>
    tpu.vector_store %arg8[%swap3A_315, %swap3A_316], %swap3A_319 {strides = array<i32>} : memref<9x128xi32, #tpu.memory_space<vmem>>, vector<1x16xi32>,
    %get3A_320 = arith.constant 2 : i32
    %get3A_321 = arith.index_cast %get3A_320 : i32 to index
    %get3A_322 = arith.constant 0 : index
    %get3A_323 = tpu.vector_load %arg6[%get3A_321, %get3A_322] {strides = array<i32>} : memref<16x128xi32, #tpu.memory_space<vmem>>, vector<1x16xi32>,
    %get3A_324 = vector.shape_cast %get3A_323 : vector<1x16xi32> to vector<16xi32>
    %add3A_325 = arith.constant 0 : i32
    %add3A_326 = arith.addi %mul3A_2, %add3A_325 : i32
    %iota3A_327 = tpu.iota {dimensions = array<i32: 0>} : vector<16xi32>
    %add3A_328 = vector.broadcast %add3A_326 : i32 to vector<16xi32>
    %add3A_329 = arith.addi %add3A_328, %iota3A_327 : vector<16xi32>
    %mul3A_330 = arith.constant 4096 : i32
    %mul3A_331 = vector.broadcast %mul3A_330 : i32 to vector<16xi32>
    %mul3A_332 = arith.muli %get3A_324, %mul3A_331 : vector<16xi32>
    %add3A_333 = arith.addi %mul3A_332, %add3A_329 : vector<16xi32>
    %swap3A_334 = arith.constant 2 : i32
    %swap3A_335 = arith.index_cast %swap3A_334 : i32 to index
    %swap3A_336 = arith.constant 0 : index
    %swap3A_337 = tpu.vector_load %arg8[%swap3A_335, %swap3A_336] {strides = array<i32>} : memref<9x128xi32, #tpu.memory_space<vmem>>, vector<1x16xi32>,
    %swap3A_338 = vector.shape_cast %swap3A_337 : vector<1x16xi32> to vector<16xi32>
    %swap3A_339 = vector.shape_cast %add3A_333 : vector<16xi32> to vector<1x16xi32>
    tpu.vector_store %arg8[%swap3A_335, %swap3A_336], %swap3A_339 {strides = array<i32>} : memref<9x128xi32, #tpu.memory_space<vmem>>, vector<1x16xi32>,
    %get3A_340 = arith.constant 2 : i32
    %get3A_341 = arith.index_cast %get3A_340 : i32 to index
    %get3A_342 = arith.constant 16 : index
    %get3A_343 = tpu.vector_load %arg6[%get3A_341, %get3A_342] {strides = array<i32>} : memref<16x128xi32, #tpu.memory_space<vmem>>, vector<1x16xi32>,
    %get3A_344 = vector.shape_cast %get3A_343 : vector<1x16xi32> to vector<16xi32>
    %add3A_345 = arith.constant 16 : i32
    %add3A_346 = arith.addi %mul3A_2, %add3A_345 : i32
    %iota3A_347 = tpu.iota {dimensions = array<i32: 0>} : vector<16xi32>
    %add3A_348 = vector.broadcast %add3A_346 : i32 to vector<16xi32>
    %add3A_349 = arith.addi %add3A_348, %iota3A_347 : vector<16xi32>
    %mul3A_350 = arith.constant 4096 : i32
    %mul3A_351 = vector.broadcast %mul3A_350 : i32 to vector<16xi32>
    %mul3A_352 = arith.muli %get3A_344, %mul3A_351 : vector<16xi32>
    %add3A_353 = arith.addi %mul3A_352, %add3A_349 : vector<16xi32>
    %swap3A_354 = arith.constant 2 : i32
    %swap3A_355 = arith.index_cast %swap3A_354 : i32 to index
    %swap3A_356 = arith.constant 16 : index
    %swap3A_357 = tpu.vector_load %arg8[%swap3A_355, %swap3A_356] {strides = array<i32>} : memref<9x128xi32, #tpu.memory_space<vmem>>, vector<1x16xi32>,
    %swap3A_358 = vector.shape_cast %swap3A_357 : vector<1x16xi32> to vector<16xi32>
    %swap3A_359 = vector.shape_cast %add3A_353 : vector<16xi32> to vector<1x16xi32>
    tpu.vector_store %arg8[%swap3A_355, %swap3A_356], %swap3A_359 {strides = array<i32>} : memref<9x128xi32, #tpu.memory_space<vmem>>, vector<1x16xi32>,
    %get3A_360 = arith.constant 2 : i32
    %get3A_361 = arith.index_cast %get3A_360 : i32 to index
    %get3A_362 = arith.constant 32 : index
    %get3A_363 = tpu.vector_load %arg6[%get3A_361, %get3A_362] {strides = array<i32>} : memref<16x128xi32, #tpu.memory_space<vmem>>, vector<1x16xi32>,
    %get3A_364 = vector.shape_cast %get3A_363 : vector<1x16xi32> to vector<16xi32>
    %add3A_365 = arith.constant 32 : i32
    %add3A_366 = arith.addi %mul3A_2, %add3A_365 : i32
    %iota3A_367 = tpu.iota {dimensions = array<i32: 0>} : vector<16xi32>
    %add3A_368 = vector.broadcast %add3A_366 : i32 to vector<16xi32>
    %add3A_369 = arith.addi %add3A_368, %iota3A_367 : vector<16xi32>
    %mul3A_370 = arith.constant 4096 : i32
    %mul3A_371 = vector.broadcast %mul3A_370 : i32 to vector<16xi32>
    %mul3A_372 = arith.muli %get3A_364, %mul3A_371 : vector<16xi32>
    %add3A_373 = arith.addi %mul3A_372, %add3A_369 : vector<16xi32>
    %swap3A_374 = arith.constant 2 : i32
    %swap3A_375 = arith.index_cast %swap3A_374 : i32 to index
    %swap3A_376 = arith.constant 32 : index
    %swap3A_377 = tpu.vector_load %arg8[%swap3A_375, %swap3A_376] {strides = array<i32>} : memref<9x128xi32, #tpu.memory_space<vmem>>, vector<1x16xi32>,
    %swap3A_378 = vector.shape_cast %swap3A_377 : vector<1x16xi32> to vector<16xi32>
    %swap3A_379 = vector.shape_cast %add3A_373 : vector<16xi32> to vector<1x16xi32>
    tpu.vector_store %arg8[%swap3A_375, %swap3A_376], %swap3A_379 {strides = array<i32>} : memref<9x128xi32, #tpu.memory_space<vmem>>, vector<1x16xi32>,
    %get3A_380 = arith.constant 2 : i32
    %get3A_381 = arith.index_cast %get3A_380 : i32 to index
    %get3A_382 = arith.constant 48 : index
    %get3A_383 = tpu.vector_load %arg6[%get3A_381, %get3A_382] {strides = array<i32>} : memref<16x128xi32, #tpu.memory_space<vmem>>, vector<1x16xi32>,
    %get3A_384 = vector.shape_cast %get3A_383 : vector<1x16xi32> to vector<16xi32>
    %add3A_385 = arith.constant 48 : i32
    %add3A_386 = arith.addi %mul3A_2, %add3A_385 : i32
    %iota3A_387 = tpu.iota {dimensions = array<i32: 0>} : vector<16xi32>
    %add3A_388 = vector.broadcast %add3A_386 : i32 to vector<16xi32>
    %add3A_389 = arith.addi %add3A_388, %iota3A_387 : vector<16xi32>
    %mul3A_390 = arith.constant 4096 : i32
    %mul3A_391 = vector.broadcast %mul3A_390 : i32 to vector<16xi32>
    %mul3A_392 = arith.muli %get3A_384, %mul3A_391 : vector<16xi32>
    %add3A_393 = arith.addi %mul3A_392, %add3A_389 : vector<16xi32>
    %swap3A_394 = arith.constant 2 : i32
    %swap3A_395 = arith.index_cast %swap3A_394 : i32 to index
    %swap3A_396 = arith.constant 48 : index
    %swap3A_397 = tpu.vector_load %arg8[%swap3A_395, %swap3A_396] {strides = array<i32>} : memref<9x128xi32, #tpu.memory_space<vmem>>, vector<1x16xi32>,
    %swap3A_398 = vector.shape_cast %swap3A_397 : vector<1x16xi32> to vector<16xi32>
    %swap3A_399 = vector.shape_cast %add3A_393 : vector<16xi32> to vector<1x16xi32>
    tpu.vector_store %arg8[%swap3A_395, %swap3A_396], %swap3A_399 {strides = array<i32>} : memref<9x128xi32, #tpu.memory_space<vmem>>, vector<1x16xi32>,
    %get3A_400 = arith.constant 2 : i32
    %get3A_401 = arith.index_cast %get3A_400 : i32 to index
    %get3A_402 = arith.constant 64 : index
    %get3A_403 = tpu.vector_load %arg6[%get3A_401, %get3A_402] {strides = array<i32>} : memref<16x128xi32, #tpu.memory_space<vmem>>, vector<1x16xi32>,
    %get3A_404 = vector.shape_cast %get3A_403 : vector<1x16xi32> to vector<16xi32>
    %add3A_405 = arith.constant 64 : i32
    %add3A_406 = arith.addi %mul3A_2, %add3A_405 : i32
    %iota3A_407 = tpu.iota {dimensions = array<i32: 0>} : vector<16xi32>
    %add3A_408 = vector.broadcast %add3A_406 : i32 to vector<16xi32>
    %add3A_409 = arith.addi %add3A_408, %iota3A_407 : vector<16xi32>
    %mul3A_410 = arith.constant 4096 : i32
    %mul3A_411 = vector.broadcast %mul3A_410 : i32 to vector<16xi32>
    %mul3A_412 = arith.muli %get3A_404, %mul3A_411 : vector<16xi32>
    %add3A_413 = arith.addi %mul3A_412, %add3A_409 : vector<16xi32>
    %swap3A_414 = arith.constant 2 : i32
    %swap3A_415 = arith.index_cast %swap3A_414 : i32 to index
    %swap3A_416 = arith.constant 64 : index
    %swap3A_417 = tpu.vector_load %arg8[%swap3A_415, %swap3A_416] {strides = array<i32>} : memref<9x128xi32, #tpu.memory_space<vmem>>, vector<1x16xi32>,
    %swap3A_418 = vector.shape_cast %swap3A_417 : vector<1x16xi32> to vector<16xi32>
    %swap3A_419 = vector.shape_cast %add3A_413 : vector<16xi32> to vector<1x16xi32>
    tpu.vector_store %arg8[%swap3A_415, %swap3A_416], %swap3A_419 {strides = array<i32>} : memref<9x128xi32, #tpu.memory_space<vmem>>, vector<1x16xi32>,
    %get3A_420 = arith.constant 2 : i32
    %get3A_421 = arith.index_cast %get3A_420 : i32 to index
    %get3A_422 = arith.constant 80 : index
    %get3A_423 = tpu.vector_load %arg6[%get3A_421, %get3A_422] {strides = array<i32>} : memref<16x128xi32, #tpu.memory_space<vmem>>, vector<1x16xi32>,
    %get3A_424 = vector.shape_cast %get3A_423 : vector<1x16xi32> to vector<16xi32>
    %add3A_425 = arith.constant 80 : i32
    %add3A_426 = arith.addi %mul3A_2, %add3A_425 : i32
    %iota3A_427 = tpu.iota {dimensions = array<i32: 0>} : vector<16xi32>
    %add3A_428 = vector.broadcast %add3A_426 : i32 to vector<16xi32>
    %add3A_429 = arith.addi %add3A_428, %iota3A_427 : vector<16xi32>
    %mul3A_430 = arith.constant 4096 : i32
    %mul3A_431 = vector.broadcast %mul3A_430 : i32 to vector<16xi32>
    %mul3A_432 = arith.muli %get3A_424, %mul3A_431 : vector<16xi32>
    %add3A_433 = arith.addi %mul3A_432, %add3A_429 : vector<16xi32>
    %swap3A_434 = arith.constant 2 : i32
    %swap3A_435 = arith.index_cast %swap3A_434 : i32 to index
    %swap3A_436 = arith.constant 80 : index
    %swap3A_437 = tpu.vector_load %arg8[%swap3A_435, %swap3A_436] {strides = array<i32>} : memref<9x128xi32, #tpu.memory_space<vmem>>, vector<1x16xi32>,
    %swap3A_438 = vector.shape_cast %swap3A_437 : vector<1x16xi32> to vector<16xi32>
    %swap3A_439 = vector.shape_cast %add3A_433 : vector<16xi32> to vector<1x16xi32>
    tpu.vector_store %arg8[%swap3A_435, %swap3A_436], %swap3A_439 {strides = array<i32>} : memref<9x128xi32, #tpu.memory_space<vmem>>, vector<1x16xi32>,
    %get3A_440 = arith.constant 2 : i32
    %get3A_441 = arith.index_cast %get3A_440 : i32 to index
    %get3A_442 = arith.constant 96 : index
    %get3A_443 = tpu.vector_load %arg6[%get3A_441, %get3A_442] {strides = array<i32>} : memref<16x128xi32, #tpu.memory_space<vmem>>, vector<1x16xi32>,
    %get3A_444 = vector.shape_cast %get3A_443 : vector<1x16xi32> to vector<16xi32>
    %add3A_445 = arith.constant 96 : i32
    %add3A_446 = arith.addi %mul3A_2, %add3A_445 : i32
    %iota3A_447 = tpu.iota {dimensions = array<i32: 0>} : vector<16xi32>
    %add3A_448 = vector.broadcast %add3A_446 : i32 to vector<16xi32>
    %add3A_449 = arith.addi %add3A_448, %iota3A_447 : vector<16xi32>
    %mul3A_450 = arith.constant 4096 : i32
    %mul3A_451 = vector.broadcast %mul3A_450 : i32 to vector<16xi32>
    %mul3A_452 = arith.muli %get3A_444, %mul3A_451 : vector<16xi32>
    %add3A_453 = arith.addi %mul3A_452, %add3A_449 : vector<16xi32>
    %swap3A_454 = arith.constant 2 : i32
    %swap3A_455 = arith.index_cast %swap3A_454 : i32 to index
    %swap3A_456 = arith.constant 96 : index
    %swap3A_457 = tpu.vector_load %arg8[%swap3A_455, %swap3A_456] {strides = array<i32>} : memref<9x128xi32, #tpu.memory_space<vmem>>, vector<1x16xi32>,
    %swap3A_458 = vector.shape_cast %swap3A_457 : vector<1x16xi32> to vector<16xi32>
    %swap3A_459 = vector.shape_cast %add3A_453 : vector<16xi32> to vector<1x16xi32>
    tpu.vector_store %arg8[%swap3A_455, %swap3A_456], %swap3A_459 {strides = array<i32>} : memref<9x128xi32, #tpu.memory_space<vmem>>, vector<1x16xi32>,
    %get3A_460 = arith.constant 2 : i32
    %get3A_461 = arith.index_cast %get3A_460 : i32 to index
    %get3A_462 = arith.constant 112 : index
    %get3A_463 = tpu.vector_load %arg6[%get3A_461, %get3A_462] {strides = array<i32>} : memref<16x128xi32, #tpu.memory_space<vmem>>, vector<1x16xi32>,
    %get3A_464 = vector.shape_cast %get3A_463 : vector<1x16xi32> to vector<16xi32>
    %add3A_465 = arith.constant 112 : i32
    %add3A_466 = arith.addi %mul3A_2, %add3A_465 : i32
    %iota3A_467 = tpu.iota {dimensions = array<i32: 0>} : vector<16xi32>
    %add3A_468 = vector.broadcast %add3A_466 : i32 to vector<16xi32>
    %add3A_469 = arith.addi %add3A_468, %iota3A_467 : vector<16xi32>
    %mul3A_470 = arith.constant 4096 : i32
    %mul3A_471 = vector.broadcast %mul3A_470 : i32 to vector<16xi32>
    %mul3A_472 = arith.muli %get3A_464, %mul3A_471 : vector<16xi32>
    %add3A_473 = arith.addi %mul3A_472, %add3A_469 : vector<16xi32>
    %swap3A_474 = arith.constant 2 : i32
    %swap3A_475 = arith.index_cast %swap3A_474 : i32 to index
    %swap3A_476 = arith.constant 112 : index
    %swap3A_477 = tpu.vector_load %arg8[%swap3A_475, %swap3A_476] {strides = array<i32>} : memref<9x128xi32, #tpu.memory_space<vmem>>, vector<1x16xi32>,
    %swap3A_478 = vector.shape_cast %swap3A_477 : vector<1x16xi32> to vector<16xi32>
    %swap3A_479 = vector.shape_cast %add3A_473 : vector<16xi32> to vector<1x16xi32>
    tpu.vector_store %arg8[%swap3A_475, %swap3A_476], %swap3A_479 {strides = array<i32>} : memref<9x128xi32, #tpu.memory_space<vmem>>, vector<1x16xi32>,
    %get3A_480 = arith.constant 3 : i32
    %get3A_481 = arith.index_cast %get3A_480 : i32 to index
    %get3A_482 = arith.constant 0 : index
    %get3A_483 = tpu.vector_load %arg6[%get3A_481, %get3A_482] {strides = array<i32>} : memref<16x128xi32, #tpu.memory_space<vmem>>, vector<1x16xi32>,
    %get3A_484 = vector.shape_cast %get3A_483 : vector<1x16xi32> to vector<16xi32>
    %add3A_485 = arith.constant 0 : i32
    %add3A_486 = arith.addi %mul3A_2, %add3A_485 : i32
    %iota3A_487 = tpu.iota {dimensions = array<i32: 0>} : vector<16xi32>
    %add3A_488 = vector.broadcast %add3A_486 : i32 to vector<16xi32>
    %add3A_489 = arith.addi %add3A_488, %iota3A_487 : vector<16xi32>
    %mul3A_490 = arith.constant 4096 : i32
    %mul3A_491 = vector.broadcast %mul3A_490 : i32 to vector<16xi32>
    %mul3A_492 = arith.muli %get3A_484, %mul3A_491 : vector<16xi32>
    %add3A_493 = arith.addi %mul3A_492, %add3A_489 : vector<16xi32>
    %swap3A_494 = arith.constant 3 : i32
    %swap3A_495 = arith.index_cast %swap3A_494 : i32 to index
    %swap3A_496 = arith.constant 0 : index
    %swap3A_497 = tpu.vector_load %arg8[%swap3A_495, %swap3A_496] {strides = array<i32>} : memref<9x128xi32, #tpu.memory_space<vmem>>, vector<1x16xi32>,
    %swap3A_498 = vector.shape_cast %swap3A_497 : vector<1x16xi32> to vector<16xi32>
    %swap3A_499 = vector.shape_cast %add3A_493 : vector<16xi32> to vector<1x16xi32>
    tpu.vector_store %arg8[%swap3A_495, %swap3A_496], %swap3A_499 {strides = array<i32>} : memref<9x128xi32, #tpu.memory_space<vmem>>, vector<1x16xi32>,
    %get3A_500 = arith.constant 3 : i32
    %get3A_501 = arith.index_cast %get3A_500 : i32 to index
    %get3A_502 = arith.constant 16 : index
    %get3A_503 = tpu.vector_load %arg6[%get3A_501, %get3A_502] {strides = array<i32>} : memref<16x128xi32, #tpu.memory_space<vmem>>, vector<1x16xi32>,
    %get3A_504 = vector.shape_cast %get3A_503 : vector<1x16xi32> to vector<16xi32>
    %add3A_505 = arith.constant 16 : i32
    %add3A_506 = arith.addi %mul3A_2, %add3A_505 : i32
    %iota3A_507 = tpu.iota {dimensions = array<i32: 0>} : vector<16xi32>
    %add3A_508 = vector.broadcast %add3A_506 : i32 to vector<16xi32>
    %add3A_509 = arith.addi %add3A_508, %iota3A_507 : vector<16xi32>
    %mul3A_510 = arith.constant 4096 : i32
    %mul3A_511 = vector.broadcast %mul3A_510 : i32 to vector<16xi32>
    %mul3A_512 = arith.muli %get3A_504, %mul3A_511 : vector<16xi32>
    %add3A_513 = arith.addi %mul3A_512, %add3A_509 : vector<16xi32>
    %swap3A_514 = arith.constant 3 : i32
    %swap3A_515 = arith.index_cast %swap3A_514 : i32 to index
    %swap3A_516 = arith.constant 16 : index
    %swap3A_517 = tpu.vector_load %arg8[%swap3A_515, %swap3A_516] {strides = array<i32>} : memref<9x128xi32, #tpu.memory_space<vmem>>, vector<1x16xi32>,
    %swap3A_518 = vector.shape_cast %swap3A_517 : vector<1x16xi32> to vector<16xi32>
    %swap3A_519 = vector.shape_cast %add3A_513 : vector<16xi32> to vector<1x16xi32>
    tpu.vector_store %arg8[%swap3A_515, %swap3A_516], %swap3A_519 {strides = array<i32>} : memref<9x128xi32, #tpu.memory_space<vmem>>, vector<1x16xi32>,
    %get3A_520 = arith.constant 3 : i32
    %get3A_521 = arith.index_cast %get3A_520 : i32 to index
    %get3A_522 = arith.constant 32 : index
    %get3A_523 = tpu.vector_load %arg6[%get3A_521, %get3A_522] {strides = array<i32>} : memref<16x128xi32, #tpu.memory_space<vmem>>, vector<1x16xi32>,
    %get3A_524 = vector.shape_cast %get3A_523 : vector<1x16xi32> to vector<16xi32>
    %add3A_525 = arith.constant 32 : i32
    %add3A_526 = arith.addi %mul3A_2, %add3A_525 : i32
    %iota3A_527 = tpu.iota {dimensions = array<i32: 0>} : vector<16xi32>
    %add3A_528 = vector.broadcast %add3A_526 : i32 to vector<16xi32>
    %add3A_529 = arith.addi %add3A_528, %iota3A_527 : vector<16xi32>
    %mul3A_530 = arith.constant 4096 : i32
    %mul3A_531 = vector.broadcast %mul3A_530 : i32 to vector<16xi32>
    %mul3A_532 = arith.muli %get3A_524, %mul3A_531 : vector<16xi32>
    %add3A_533 = arith.addi %mul3A_532, %add3A_529 : vector<16xi32>
    %swap3A_534 = arith.constant 3 : i32
    %swap3A_535 = arith.index_cast %swap3A_534 : i32 to index
    %swap3A_536 = arith.constant 32 : index
    %swap3A_537 = tpu.vector_load %arg8[%swap3A_535, %swap3A_536] {strides = array<i32>} : memref<9x128xi32, #tpu.memory_space<vmem>>, vector<1x16xi32>,
    %swap3A_538 = vector.shape_cast %swap3A_537 : vector<1x16xi32> to vector<16xi32>
    %swap3A_539 = vector.shape_cast %add3A_533 : vector<16xi32> to vector<1x16xi32>
    tpu.vector_store %arg8[%swap3A_535, %swap3A_536], %swap3A_539 {strides = array<i32>} : memref<9x128xi32, #tpu.memory_space<vmem>>, vector<1x16xi32>,
    %get3A_540 = arith.constant 3 : i32
    %get3A_541 = arith.index_cast %get3A_540 : i32 to index
    %get3A_542 = arith.constant 48 : index
    %get3A_543 = tpu.vector_load %arg6[%get3A_541, %get3A_542] {strides = array<i32>} : memref<16x128xi32, #tpu.memory_space<vmem>>, vector<1x16xi32>,
    %get3A_544 = vector.shape_cast %get3A_543 : vector<1x16xi32> to vector<16xi32>
    %add3A_545 = arith.constant 48 : i32
    %add3A_546 = arith.addi %mul3A_2, %add3A_545 : i32
    %iota3A_547 = tpu.iota {dimensions = array<i32: 0>} : vector<16xi32>
    %add3A_548 = vector.broadcast %add3A_546 : i32 to vector<16xi32>
    %add3A_549 = arith.addi %add3A_548, %iota3A_547 : vector<16xi32>
    %mul3A_550 = arith.constant 4096 : i32
    %mul3A_551 = vector.broadcast %mul3A_550 : i32 to vector<16xi32>
    %mul3A_552 = arith.muli %get3A_544, %mul3A_551 : vector<16xi32>
    %add3A_553 = arith.addi %mul3A_552, %add3A_549 : vector<16xi32>
    %swap3A_554 = arith.constant 3 : i32
    %swap3A_555 = arith.index_cast %swap3A_554 : i32 to index
    %swap3A_556 = arith.constant 48 : index
    %swap3A_557 = tpu.vector_load %arg8[%swap3A_555, %swap3A_556] {strides = array<i32>} : memref<9x128xi32, #tpu.memory_space<vmem>>, vector<1x16xi32>,
    %swap3A_558 = vector.shape_cast %swap3A_557 : vector<1x16xi32> to vector<16xi32>
    %swap3A_559 = vector.shape_cast %add3A_553 : vector<16xi32> to vector<1x16xi32>
    tpu.vector_store %arg8[%swap3A_555, %swap3A_556], %swap3A_559 {strides = array<i32>} : memref<9x128xi32, #tpu.memory_space<vmem>>, vector<1x16xi32>,
    %get3A_560 = arith.constant 3 : i32
    %get3A_561 = arith.index_cast %get3A_560 : i32 to index
    %get3A_562 = arith.constant 64 : index
    %get3A_563 = tpu.vector_load %arg6[%get3A_561, %get3A_562] {strides = array<i32>} : memref<16x128xi32, #tpu.memory_space<vmem>>, vector<1x16xi32>,
    %get3A_564 = vector.shape_cast %get3A_563 : vector<1x16xi32> to vector<16xi32>
    %add3A_565 = arith.constant 64 : i32
    %add3A_566 = arith.addi %mul3A_2, %add3A_565 : i32
    %iota3A_567 = tpu.iota {dimensions = array<i32: 0>} : vector<16xi32>
    %add3A_568 = vector.broadcast %add3A_566 : i32 to vector<16xi32>
    %add3A_569 = arith.addi %add3A_568, %iota3A_567 : vector<16xi32>
    %mul3A_570 = arith.constant 4096 : i32
    %mul3A_571 = vector.broadcast %mul3A_570 : i32 to vector<16xi32>
    %mul3A_572 = arith.muli %get3A_564, %mul3A_571 : vector<16xi32>
    %add3A_573 = arith.addi %mul3A_572, %add3A_569 : vector<16xi32>
    %swap3A_574 = arith.constant 3 : i32
    %swap3A_575 = arith.index_cast %swap3A_574 : i32 to index
    %swap3A_576 = arith.constant 64 : index
    %swap3A_577 = tpu.vector_load %arg8[%swap3A_575, %swap3A_576] {strides = array<i32>} : memref<9x128xi32, #tpu.memory_space<vmem>>, vector<1x16xi32>,
    %swap3A_578 = vector.shape_cast %swap3A_577 : vector<1x16xi32> to vector<16xi32>
    %swap3A_579 = vector.shape_cast %add3A_573 : vector<16xi32> to vector<1x16xi32>
    tpu.vector_store %arg8[%swap3A_575, %swap3A_576], %swap3A_579 {strides = array<i32>} : memref<9x128xi32, #tpu.memory_space<vmem>>, vector<1x16xi32>,
    %get3A_580 = arith.constant 3 : i32
    %get3A_581 = arith.index_cast %get3A_580 : i32 to index
    %get3A_582 = arith.constant 80 : index
    %get3A_583 = tpu.vector_load %arg6[%get3A_581, %get3A_582] {strides = array<i32>} : memref<16x128xi32, #tpu.memory_space<vmem>>, vector<1x16xi32>,
    %get3A_584 = vector.shape_cast %get3A_583 : vector<1x16xi32> to vector<16xi32>
    %add3A_585 = arith.constant 80 : i32
    %add3A_586 = arith.addi %mul3A_2, %add3A_585 : i32
    %iota3A_587 = tpu.iota {dimensions = array<i32: 0>} : vector<16xi32>
    %add3A_588 = vector.broadcast %add3A_586 : i32 to vector<16xi32>
    %add3A_589 = arith.addi %add3A_588, %iota3A_587 : vector<16xi32>
    %mul3A_590 = arith.constant 4096 : i32
    %mul3A_591 = vector.broadcast %mul3A_590 : i32 to vector<16xi32>
    %mul3A_592 = arith.muli %get3A_584, %mul3A_591 : vector<16xi32>
    %add3A_593 = arith.addi %mul3A_592, %add3A_589 : vector<16xi32>
    %swap3A_594 = arith.constant 3 : i32
    %swap3A_595 = arith.index_cast %swap3A_594 : i32 to index
    %swap3A_596 = arith.constant 80 : index
    %swap3A_597 = tpu.vector_load %arg8[%swap3A_595, %swap3A_596] {strides = array<i32>} : memref<9x128xi32, #tpu.memory_space<vmem>>, vector<1x16xi32>,
    %swap3A_598 = vector.shape_cast %swap3A_597 : vector<1x16xi32> to vector<16xi32>
    %swap3A_599 = vector.shape_cast %add3A_593 : vector<16xi32> to vector<1x16xi32>
    tpu.vector_store %arg8[%swap3A_595, %swap3A_596], %swap3A_599 {strides = array<i32>} : memref<9x128xi32, #tpu.memory_space<vmem>>, vector<1x16xi32>,
    %get3A_600 = arith.constant 3 : i32
    %get3A_601 = arith.index_cast %get3A_600 : i32 to index
    %get3A_602 = arith.constant 96 : index
    %get3A_603 = tpu.vector_load %arg6[%get3A_601, %get3A_602] {strides = array<i32>} : memref<16x128xi32, #tpu.memory_space<vmem>>, vector<1x16xi32>,
    %get3A_604 = vector.shape_cast %get3A_603 : vector<1x16xi32> to vector<16xi32>
    %add3A_605 = arith.constant 96 : i32
    %add3A_606 = arith.addi %mul3A_2, %add3A_605 : i32
    %iota3A_607 = tpu.iota {dimensions = array<i32: 0>} : vector<16xi32>
    %add3A_608 = vector.broadcast %add3A_606 : i32 to vector<16xi32>
    %add3A_609 = arith.addi %add3A_608, %iota3A_607 : vector<16xi32>
    %mul3A_610 = arith.constant 4096 : i32
    %mul3A_611 = vector.broadcast %mul3A_610 : i32 to vector<16xi32>
    %mul3A_612 = arith.muli %get3A_604, %mul3A_611 : vector<16xi32>
    %add3A_613 = arith.addi %mul3A_612, %add3A_609 : vector<16xi32>
    %swap3A_614 = arith.constant 3 : i32
    %swap3A_615 = arith.index_cast %swap3A_614 : i32 to index
    %swap3A_616 = arith.constant 96 : index
    %swap3A_617 = tpu.vector_load %arg8[%swap3A_615, %swap3A_616] {strides = array<i32>} : memref<9x128xi32, #tpu.memory_space<vmem>>, vector<1x16xi32>,
    %swap3A_618 = vector.shape_cast %swap3A_617 : vector<1x16xi32> to vector<16xi32>
    %swap3A_619 = vector.shape_cast %add3A_613 : vector<16xi32> to vector<1x16xi32>
    tpu.vector_store %arg8[%swap3A_615, %swap3A_616], %swap3A_619 {strides = array<i32>} : memref<9x128xi32, #tpu.memory_space<vmem>>, vector<1x16xi32>,
    %get3A_620 = arith.constant 3 : i32
    %get3A_621 = arith.index_cast %get3A_620 : i32 to index
    %get3A_622 = arith.constant 112 : index
    %get3A_623 = tpu.vector_load %arg6[%get3A_621, %get3A_622] {strides = array<i32>} : memref<16x128xi32, #tpu.memory_space<vmem>>, vector<1x16xi32>,
    %get3A_624 = vector.shape_cast %get3A_623 : vector<1x16xi32> to vector<16xi32>
    %add3A_625 = arith.constant 112 : i32
    %add3A_626 = arith.addi %mul3A_2, %add3A_625 : i32
    %iota3A_627 = tpu.iota {dimensions = array<i32: 0>} : vector<16xi32>
    %add3A_628 = vector.broadcast %add3A_626 : i32 to vector<16xi32>
    %add3A_629 = arith.addi %add3A_628, %iota3A_627 : vector<16xi32>
    %mul3A_630 = arith.constant 4096 : i32
    %mul3A_631 = vector.broadcast %mul3A_630 : i32 to vector<16xi32>
    %mul3A_632 = arith.muli %get3A_624, %mul3A_631 : vector<16xi32>
    %add3A_633 = arith.addi %mul3A_632, %add3A_629 : vector<16xi32>
    %swap3A_634 = arith.constant 3 : i32
    %swap3A_635 = arith.index_cast %swap3A_634 : i32 to index
    %swap3A_636 = arith.constant 112 : index
    %swap3A_637 = tpu.vector_load %arg8[%swap3A_635, %swap3A_636] {strides = array<i32>} : memref<9x128xi32, #tpu.memory_space<vmem>>, vector<1x16xi32>,
    %swap3A_638 = vector.shape_cast %swap3A_637 : vector<1x16xi32> to vector<16xi32>
    %swap3A_639 = vector.shape_cast %add3A_633 : vector<16xi32> to vector<1x16xi32>
    tpu.vector_store %arg8[%swap3A_635, %swap3A_636], %swap3A_639 {strides = array<i32>} : memref<9x128xi32, #tpu.memory_space<vmem>>, vector<1x16xi32>,
    %get3A_640 = arith.constant 4 : i32
    %get3A_641 = arith.index_cast %get3A_640 : i32 to index
    %get3A_642 = arith.constant 0 : index
    %get3A_643 = tpu.vector_load %arg6[%get3A_641, %get3A_642] {strides = array<i32>} : memref<16x128xi32, #tpu.memory_space<vmem>>, vector<1x16xi32>,
    %get3A_644 = vector.shape_cast %get3A_643 : vector<1x16xi32> to vector<16xi32>
    %add3A_645 = arith.constant 0 : i32
    %add3A_646 = arith.addi %mul3A_2, %add3A_645 : i32
    %iota3A_647 = tpu.iota {dimensions = array<i32: 0>} : vector<16xi32>
    %add3A_648 = vector.broadcast %add3A_646 : i32 to vector<16xi32>
    %add3A_649 = arith.addi %add3A_648, %iota3A_647 : vector<16xi32>
    %mul3A_650 = arith.constant 4096 : i32
    %mul3A_651 = vector.broadcast %mul3A_650 : i32 to vector<16xi32>
    %mul3A_652 = arith.muli %get3A_644, %mul3A_651 : vector<16xi32>
    %add3A_653 = arith.addi %mul3A_652, %add3A_649 : vector<16xi32>
    %swap3A_654 = arith.constant 4 : i32
    %swap3A_655 = arith.index_cast %swap3A_654 : i32 to index
    %swap3A_656 = arith.constant 0 : index
    %swap3A_657 = tpu.vector_load %arg8[%swap3A_655, %swap3A_656] {strides = array<i32>} : memref<9x128xi32, #tpu.memory_space<vmem>>, vector<1x16xi32>,
    %swap3A_658 = vector.shape_cast %swap3A_657 : vector<1x16xi32> to vector<16xi32>
    %swap3A_659 = vector.shape_cast %add3A_653 : vector<16xi32> to vector<1x16xi32>
    tpu.vector_store %arg8[%swap3A_655, %swap3A_656], %swap3A_659 {strides = array<i32>} : memref<9x128xi32, #tpu.memory_space<vmem>>, vector<1x16xi32>,
    %get3A_660 = arith.constant 4 : i32
    %get3A_661 = arith.index_cast %get3A_660 : i32 to index
    %get3A_662 = arith.constant 16 : index
    %get3A_663 = tpu.vector_load %arg6[%get3A_661, %get3A_662] {strides = array<i32>} : memref<16x128xi32, #tpu.memory_space<vmem>>, vector<1x16xi32>,
    %get3A_664 = vector.shape_cast %get3A_663 : vector<1x16xi32> to vector<16xi32>
    %add3A_665 = arith.constant 16 : i32
    %add3A_666 = arith.addi %mul3A_2, %add3A_665 : i32
    %iota3A_667 = tpu.iota {dimensions = array<i32: 0>} : vector<16xi32>
    %add3A_668 = vector.broadcast %add3A_666 : i32 to vector<16xi32>
    %add3A_669 = arith.addi %add3A_668, %iota3A_667 : vector<16xi32>
    %mul3A_670 = arith.constant 4096 : i32
    %mul3A_671 = vector.broadcast %mul3A_670 : i32 to vector<16xi32>
    %mul3A_672 = arith.muli %get3A_664, %mul3A_671 : vector<16xi32>
    %add3A_673 = arith.addi %mul3A_672, %add3A_669 : vector<16xi32>
    %swap3A_674 = arith.constant 4 : i32
    %swap3A_675 = arith.index_cast %swap3A_674 : i32 to index
    %swap3A_676 = arith.constant 16 : index
    %swap3A_677 = tpu.vector_load %arg8[%swap3A_675, %swap3A_676] {strides = array<i32>} : memref<9x128xi32, #tpu.memory_space<vmem>>, vector<1x16xi32>,
    %swap3A_678 = vector.shape_cast %swap3A_677 : vector<1x16xi32> to vector<16xi32>
    %swap3A_679 = vector.shape_cast %add3A_673 : vector<16xi32> to vector<1x16xi32>
    tpu.vector_store %arg8[%swap3A_675, %swap3A_676], %swap3A_679 {strides = array<i32>} : memref<9x128xi32, #tpu.memory_space<vmem>>, vector<1x16xi32>,
    %get3A_680 = arith.constant 4 : i32
    %get3A_681 = arith.index_cast %get3A_680 : i32 to index
    %get3A_682 = arith.constant 32 : index
    %get3A_683 = tpu.vector_load %arg6[%get3A_681, %get3A_682] {strides = array<i32>} : memref<16x128xi32, #tpu.memory_space<vmem>>, vector<1x16xi32>,
    %get3A_684 = vector.shape_cast %get3A_683 : vector<1x16xi32> to vector<16xi32>
    %add3A_685 = arith.constant 32 : i32
    %add3A_686 = arith.addi %mul3A_2, %add3A_685 : i32
    %iota3A_687 = tpu.iota {dimensions = array<i32: 0>} : vector<16xi32>
    %add3A_688 = vector.broadcast %add3A_686 : i32 to vector<16xi32>
    %add3A_689 = arith.addi %add3A_688, %iota3A_687 : vector<16xi32>
    %mul3A_690 = arith.constant 4096 : i32
    %mul3A_691 = vector.broadcast %mul3A_690 : i32 to vector<16xi32>
    %mul3A_692 = arith.muli %get3A_684, %mul3A_691 : vector<16xi32>
    %add3A_693 = arith.addi %mul3A_692, %add3A_689 : vector<16xi32>
    %swap3A_694 = arith.constant 4 : i32
    %swap3A_695 = arith.index_cast %swap3A_694 : i32 to index
    %swap3A_696 = arith.constant 32 : index
    %swap3A_697 = tpu.vector_load %arg8[%swap3A_695, %swap3A_696] {strides = array<i32>} : memref<9x128xi32, #tpu.memory_space<vmem>>, vector<1x16xi32>,
    %swap3A_698 = vector.shape_cast %swap3A_697 : vector<1x16xi32> to vector<16xi32>
    %swap3A_699 = vector.shape_cast %add3A_693 : vector<16xi32> to vector<1x16xi32>
    tpu.vector_store %arg8[%swap3A_695, %swap3A_696], %swap3A_699 {strides = array<i32>} : memref<9x128xi32, #tpu.memory_space<vmem>>, vector<1x16xi32>,
    %get3A_700 = arith.constant 4 : i32
    %get3A_701 = arith.index_cast %get3A_700 : i32 to index
    %get3A_702 = arith.constant 48 : index
    %get3A_703 = tpu.vector_load %arg6[%get3A_701, %get3A_702] {strides = array<i32>} : memref<16x128xi32, #tpu.memory_space<vmem>>, vector<1x16xi32>,
    %get3A_704 = vector.shape_cast %get3A_703 : vector<1x16xi32> to vector<16xi32>
    %add3A_705 = arith.constant 48 : i32
    %add3A_706 = arith.addi %mul3A_2, %add3A_705 : i32
    %iota3A_707 = tpu.iota {dimensions = array<i32: 0>} : vector<16xi32>
    %add3A_708 = vector.broadcast %add3A_706 : i32 to vector<16xi32>
    %add3A_709 = arith.addi %add3A_708, %iota3A_707 : vector<16xi32>
    %mul3A_710 = arith.constant 4096 : i32
    %mul3A_711 = vector.broadcast %mul3A_710 : i32 to vector<16xi32>
    %mul3A_712 = arith.muli %get3A_704, %mul3A_711 : vector<16xi32>
    %add3A_713 = arith.addi %mul3A_712, %add3A_709 : vector<16xi32>
    %swap3A_714 = arith.constant 4 : i32
    %swap3A_715 = arith.index_cast %swap3A_714 : i32 to index
    %swap3A_716 = arith.constant 48 : index
    %swap3A_717 = tpu.vector_load %arg8[%swap3A_715, %swap3A_716] {strides = array<i32>} : memref<9x128xi32, #tpu.memory_space<vmem>>, vector<1x16xi32>,
    %swap3A_718 = vector.shape_cast %swap3A_717 : vector<1x16xi32> to vector<16xi32>
    %swap3A_719 = vector.shape_cast %add3A_713 : vector<16xi32> to vector<1x16xi32>
    tpu.vector_store %arg8[%swap3A_715, %swap3A_716], %swap3A_719 {strides = array<i32>} : memref<9x128xi32, #tpu.memory_space<vmem>>, vector<1x16xi32>,
    %get3A_720 = arith.constant 4 : i32
    %get3A_721 = arith.index_cast %get3A_720 : i32 to index
    %get3A_722 = arith.constant 64 : index
    %get3A_723 = tpu.vector_load %arg6[%get3A_721, %get3A_722] {strides = array<i32>} : memref<16x128xi32, #tpu.memory_space<vmem>>, vector<1x16xi32>,
    %get3A_724 = vector.shape_cast %get3A_723 : vector<1x16xi32> to vector<16xi32>
    %add3A_725 = arith.constant 64 : i32
    %add3A_726 = arith.addi %mul3A_2, %add3A_725 : i32
    %iota3A_727 = tpu.iota {dimensions = array<i32: 0>} : vector<16xi32>
    %add3A_728 = vector.broadcast %add3A_726 : i32 to vector<16xi32>
    %add3A_729 = arith.addi %add3A_728, %iota3A_727 : vector<16xi32>
    %mul3A_730 = arith.constant 4096 : i32
    %mul3A_731 = vector.broadcast %mul3A_730 : i32 to vector<16xi32>
    %mul3A_732 = arith.muli %get3A_724, %mul3A_731 : vector<16xi32>
    %add3A_733 = arith.addi %mul3A_732, %add3A_729 : vector<16xi32>
    %swap3A_734 = arith.constant 4 : i32
    %swap3A_735 = arith.index_cast %swap3A_734 : i32 to index
    %swap3A_736 = arith.constant 64 : index
    %swap3A_737 = tpu.vector_load %arg8[%swap3A_735, %swap3A_736] {strides = array<i32>} : memref<9x128xi32, #tpu.memory_space<vmem>>, vector<1x16xi32>,
    %swap3A_738 = vector.shape_cast %swap3A_737 : vector<1x16xi32> to vector<16xi32>
    %swap3A_739 = vector.shape_cast %add3A_733 : vector<16xi32> to vector<1x16xi32>
    tpu.vector_store %arg8[%swap3A_735, %swap3A_736], %swap3A_739 {strides = array<i32>} : memref<9x128xi32, #tpu.memory_space<vmem>>, vector<1x16xi32>,
    %get3A_740 = arith.constant 4 : i32
    %get3A_741 = arith.index_cast %get3A_740 : i32 to index
    %get3A_742 = arith.constant 80 : index
    %get3A_743 = tpu.vector_load %arg6[%get3A_741, %get3A_742] {strides = array<i32>} : memref<16x128xi32, #tpu.memory_space<vmem>>, vector<1x16xi32>,
    %get3A_744 = vector.shape_cast %get3A_743 : vector<1x16xi32> to vector<16xi32>
    %add3A_745 = arith.constant 80 : i32
    %add3A_746 = arith.addi %mul3A_2, %add3A_745 : i32
    %iota3A_747 = tpu.iota {dimensions = array<i32: 0>} : vector<16xi32>
    %add3A_748 = vector.broadcast %add3A_746 : i32 to vector<16xi32>
    %add3A_749 = arith.addi %add3A_748, %iota3A_747 : vector<16xi32>
    %mul3A_750 = arith.constant 4096 : i32
    %mul3A_751 = vector.broadcast %mul3A_750 : i32 to vector<16xi32>
    %mul3A_752 = arith.muli %get3A_744, %mul3A_751 : vector<16xi32>
    %add3A_753 = arith.addi %mul3A_752, %add3A_749 : vector<16xi32>
    %swap3A_754 = arith.constant 4 : i32
    %swap3A_755 = arith.index_cast %swap3A_754 : i32 to index
    %swap3A_756 = arith.constant 80 : index
    %swap3A_757 = tpu.vector_load %arg8[%swap3A_755, %swap3A_756] {strides = array<i32>} : memref<9x128xi32, #tpu.memory_space<vmem>>, vector<1x16xi32>,
    %swap3A_758 = vector.shape_cast %swap3A_757 : vector<1x16xi32> to vector<16xi32>
    %swap3A_759 = vector.shape_cast %add3A_753 : vector<16xi32> to vector<1x16xi32>
    tpu.vector_store %arg8[%swap3A_755, %swap3A_756], %swap3A_759 {strides = array<i32>} : memref<9x128xi32, #tpu.memory_space<vmem>>, vector<1x16xi32>,
    %get3A_760 = arith.constant 4 : i32
    %get3A_761 = arith.index_cast %get3A_760 : i32 to index
    %get3A_762 = arith.constant 96 : index
    %get3A_763 = tpu.vector_load %arg6[%get3A_761, %get3A_762] {strides = array<i32>} : memref<16x128xi32, #tpu.memory_space<vmem>>, vector<1x16xi32>,
    %get3A_764 = vector.shape_cast %get3A_763 : vector<1x16xi32> to vector<16xi32>
    %add3A_765 = arith.constant 96 : i32
    %add3A_766 = arith.addi %mul3A_2, %add3A_765 : i32
    %iota3A_767 = tpu.iota {dimensions = array<i32: 0>} : vector<16xi32>
    %add3A_768 = vector.broadcast %add3A_766 : i32 to vector<16xi32>
    %add3A_769 = arith.addi %add3A_768, %iota3A_767 : vector<16xi32>
    %mul3A_770 = arith.constant 4096 : i32
    %mul3A_771 = vector.broadcast %mul3A_770 : i32 to vector<16xi32>
    %mul3A_772 = arith.muli %get3A_764, %mul3A_771 : vector<16xi32>
    %add3A_773 = arith.addi %mul3A_772, %add3A_769 : vector<16xi32>
    %swap3A_774 = arith.constant 4 : i32
    %swap3A_775 = arith.index_cast %swap3A_774 : i32 to index
    %swap3A_776 = arith.constant 96 : index
    %swap3A_777 = tpu.vector_load %arg8[%swap3A_775, %swap3A_776] {strides = array<i32>} : memref<9x128xi32, #tpu.memory_space<vmem>>, vector<1x16xi32>,
    %swap3A_778 = vector.shape_cast %swap3A_777 : vector<1x16xi32> to vector<16xi32>
    %swap3A_779 = vector.shape_cast %add3A_773 : vector<16xi32> to vector<1x16xi32>
    tpu.vector_store %arg8[%swap3A_775, %swap3A_776], %swap3A_779 {strides = array<i32>} : memref<9x128xi32, #tpu.memory_space<vmem>>, vector<1x16xi32>,
    %get3A_780 = arith.constant 4 : i32
    %get3A_781 = arith.index_cast %get3A_780 : i32 to index
    %get3A_782 = arith.constant 112 : index
    %get3A_783 = tpu.vector_load %arg6[%get3A_781, %get3A_782] {strides = array<i32>} : memref<16x128xi32, #tpu.memory_space<vmem>>, vector<1x16xi32>,
    %get3A_784 = vector.shape_cast %get3A_783 : vector<1x16xi32> to vector<16xi32>
    %add3A_785 = arith.constant 112 : i32
    %add3A_786 = arith.addi %mul3A_2, %add3A_785 : i32
    %iota3A_787 = tpu.iota {dimensions = array<i32: 0>} : vector<16xi32>
    %add3A_788 = vector.broadcast %add3A_786 : i32 to vector<16xi32>
    %add3A_789 = arith.addi %add3A_788, %iota3A_787 : vector<16xi32>
    %mul3A_790 = arith.constant 4096 : i32
    %mul3A_791 = vector.broadcast %mul3A_790 : i32 to vector<16xi32>
    %mul3A_792 = arith.muli %get3A_784, %mul3A_791 : vector<16xi32>
    %add3A_793 = arith.addi %mul3A_792, %add3A_789 : vector<16xi32>
    %swap3A_794 = arith.constant 4 : i32
    %swap3A_795 = arith.index_cast %swap3A_794 : i32 to index
    %swap3A_796 = arith.constant 112 : index
    %swap3A_797 = tpu.vector_load %arg8[%swap3A_795, %swap3A_796] {strides = array<i32>} : memref<9x128xi32, #tpu.memory_space<vmem>>, vector<1x16xi32>,
    %swap3A_798 = vector.shape_cast %swap3A_797 : vector<1x16xi32> to vector<16xi32>
    %swap3A_799 = vector.shape_cast %add3A_793 : vector<16xi32> to vector<1x16xi32>
    tpu.vector_store %arg8[%swap3A_795, %swap3A_796], %swap3A_799 {strides = array<i32>} : memref<9x128xi32, #tpu.memory_space<vmem>>, vector<1x16xi32>,
    %get3A_800 = arith.constant 5 : i32
    %get3A_801 = arith.index_cast %get3A_800 : i32 to index
    %get3A_802 = arith.constant 0 : index
    %get3A_803 = tpu.vector_load %arg6[%get3A_801, %get3A_802] {strides = array<i32>} : memref<16x128xi32, #tpu.memory_space<vmem>>, vector<1x16xi32>,
    %get3A_804 = vector.shape_cast %get3A_803 : vector<1x16xi32> to vector<16xi32>
    %add3A_805 = arith.constant 0 : i32
    %add3A_806 = arith.addi %mul3A_2, %add3A_805 : i32
    %iota3A_807 = tpu.iota {dimensions = array<i32: 0>} : vector<16xi32>
    %add3A_808 = vector.broadcast %add3A_806 : i32 to vector<16xi32>
    %add3A_809 = arith.addi %add3A_808, %iota3A_807 : vector<16xi32>
    %mul3A_810 = arith.constant 4096 : i32
    %mul3A_811 = vector.broadcast %mul3A_810 : i32 to vector<16xi32>
    %mul3A_812 = arith.muli %get3A_804, %mul3A_811 : vector<16xi32>
    %add3A_813 = arith.addi %mul3A_812, %add3A_809 : vector<16xi32>
    %swap3A_814 = arith.constant 5 : i32
    %swap3A_815 = arith.index_cast %swap3A_814 : i32 to index
    %swap3A_816 = arith.constant 0 : index
    %swap3A_817 = tpu.vector_load %arg8[%swap3A_815, %swap3A_816] {strides = array<i32>} : memref<9x128xi32, #tpu.memory_space<vmem>>, vector<1x16xi32>,
    %swap3A_818 = vector.shape_cast %swap3A_817 : vector<1x16xi32> to vector<16xi32>
    %swap3A_819 = vector.shape_cast %add3A_813 : vector<16xi32> to vector<1x16xi32>
    tpu.vector_store %arg8[%swap3A_815, %swap3A_816], %swap3A_819 {strides = array<i32>} : memref<9x128xi32, #tpu.memory_space<vmem>>, vector<1x16xi32>,
    %get3A_820 = arith.constant 5 : i32
    %get3A_821 = arith.index_cast %get3A_820 : i32 to index
    %get3A_822 = arith.constant 16 : index
    %get3A_823 = tpu.vector_load %arg6[%get3A_821, %get3A_822] {strides = array<i32>} : memref<16x128xi32, #tpu.memory_space<vmem>>, vector<1x16xi32>,
    %get3A_824 = vector.shape_cast %get3A_823 : vector<1x16xi32> to vector<16xi32>
    %add3A_825 = arith.constant 16 : i32
    %add3A_826 = arith.addi %mul3A_2, %add3A_825 : i32
    %iota3A_827 = tpu.iota {dimensions = array<i32: 0>} : vector<16xi32>
    %add3A_828 = vector.broadcast %add3A_826 : i32 to vector<16xi32>
    %add3A_829 = arith.addi %add3A_828, %iota3A_827 : vector<16xi32>
    %mul3A_830 = arith.constant 4096 : i32
    %mul3A_831 = vector.broadcast %mul3A_830 : i32 to vector<16xi32>
    %mul3A_832 = arith.muli %get3A_824, %mul3A_831 : vector<16xi32>
    %add3A_833 = arith.addi %mul3A_832, %add3A_829 : vector<16xi32>
    %swap3A_834 = arith.constant 5 : i32
    %swap3A_835 = arith.index_cast %swap3A_834 : i32 to index
    %swap3A_836 = arith.constant 16 : index
    %swap3A_837 = tpu.vector_load %arg8[%swap3A_835, %swap3A_836] {strides = array<i32>} : memref<9x128xi32, #tpu.memory_space<vmem>>, vector<1x16xi32>,
    %swap3A_838 = vector.shape_cast %swap3A_837 : vector<1x16xi32> to vector<16xi32>
    %swap3A_839 = vector.shape_cast %add3A_833 : vector<16xi32> to vector<1x16xi32>
    tpu.vector_store %arg8[%swap3A_835, %swap3A_836], %swap3A_839 {strides = array<i32>} : memref<9x128xi32, #tpu.memory_space<vmem>>, vector<1x16xi32>,
    %get3A_840 = arith.constant 5 : i32
    %get3A_841 = arith.index_cast %get3A_840 : i32 to index
    %get3A_842 = arith.constant 32 : index
    %get3A_843 = tpu.vector_load %arg6[%get3A_841, %get3A_842] {strides = array<i32>} : memref<16x128xi32, #tpu.memory_space<vmem>>, vector<1x16xi32>,
    %get3A_844 = vector.shape_cast %get3A_843 : vector<1x16xi32> to vector<16xi32>
    %add3A_845 = arith.constant 32 : i32
    %add3A_846 = arith.addi %mul3A_2, %add3A_845 : i32
    %iota3A_847 = tpu.iota {dimensions = array<i32: 0>} : vector<16xi32>
    %add3A_848 = vector.broadcast %add3A_846 : i32 to vector<16xi32>
    %add3A_849 = arith.addi %add3A_848, %iota3A_847 : vector<16xi32>
    %mul3A_850 = arith.constant 4096 : i32
    %mul3A_851 = vector.broadcast %mul3A_850 : i32 to vector<16xi32>
    %mul3A_852 = arith.muli %get3A_844, %mul3A_851 : vector<16xi32>
    %add3A_853 = arith.addi %mul3A_852, %add3A_849 : vector<16xi32>
    %swap3A_854 = arith.constant 5 : i32
    %swap3A_855 = arith.index_cast %swap3A_854 : i32 to index
    %swap3A_856 = arith.constant 32 : index
    %swap3A_857 = tpu.vector_load %arg8[%swap3A_855, %swap3A_856] {strides = array<i32>} : memref<9x128xi32, #tpu.memory_space<vmem>>, vector<1x16xi32>,
    %swap3A_858 = vector.shape_cast %swap3A_857 : vector<1x16xi32> to vector<16xi32>
    %swap3A_859 = vector.shape_cast %add3A_853 : vector<16xi32> to vector<1x16xi32>
    tpu.vector_store %arg8[%swap3A_855, %swap3A_856], %swap3A_859 {strides = array<i32>} : memref<9x128xi32, #tpu.memory_space<vmem>>, vector<1x16xi32>,
    %get3A_860 = arith.constant 5 : i32
    %get3A_861 = arith.index_cast %get3A_860 : i32 to index
    %get3A_862 = arith.constant 48 : index
    %get3A_863 = tpu.vector_load %arg6[%get3A_861, %get3A_862] {strides = array<i32>} : memref<16x128xi32, #tpu.memory_space<vmem>>, vector<1x16xi32>,
    %get3A_864 = vector.shape_cast %get3A_863 : vector<1x16xi32> to vector<16xi32>
    %add3A_865 = arith.constant 48 : i32
    %add3A_866 = arith.addi %mul3A_2, %add3A_865 : i32
    %iota3A_867 = tpu.iota {dimensions = array<i32: 0>} : vector<16xi32>
    %add3A_868 = vector.broadcast %add3A_866 : i32 to vector<16xi32>
    %add3A_869 = arith.addi %add3A_868, %iota3A_867 : vector<16xi32>
    %mul3A_870 = arith.constant 4096 : i32
    %mul3A_871 = vector.broadcast %mul3A_870 : i32 to vector<16xi32>
    %mul3A_872 = arith.muli %get3A_864, %mul3A_871 : vector<16xi32>
    %add3A_873 = arith.addi %mul3A_872, %add3A_869 : vector<16xi32>
    %swap3A_874 = arith.constant 5 : i32
    %swap3A_875 = arith.index_cast %swap3A_874 : i32 to index
    %swap3A_876 = arith.constant 48 : index
    %swap3A_877 = tpu.vector_load %arg8[%swap3A_875, %swap3A_876] {strides = array<i32>} : memref<9x128xi32, #tpu.memory_space<vmem>>, vector<1x16xi32>,
    %swap3A_878 = vector.shape_cast %swap3A_877 : vector<1x16xi32> to vector<16xi32>
    %swap3A_879 = vector.shape_cast %add3A_873 : vector<16xi32> to vector<1x16xi32>
    tpu.vector_store %arg8[%swap3A_875, %swap3A_876], %swap3A_879 {strides = array<i32>} : memref<9x128xi32, #tpu.memory_space<vmem>>, vector<1x16xi32>,
    %get3A_880 = arith.constant 5 : i32
    %get3A_881 = arith.index_cast %get3A_880 : i32 to index
    %get3A_882 = arith.constant 64 : index
    %get3A_883 = tpu.vector_load %arg6[%get3A_881, %get3A_882] {strides = array<i32>} : memref<16x128xi32, #tpu.memory_space<vmem>>, vector<1x16xi32>,
    %get3A_884 = vector.shape_cast %get3A_883 : vector<1x16xi32> to vector<16xi32>
    %add3A_885 = arith.constant 64 : i32
    %add3A_886 = arith.addi %mul3A_2, %add3A_885 : i32
    %iota3A_887 = tpu.iota {dimensions = array<i32: 0>} : vector<16xi32>
    %add3A_888 = vector.broadcast %add3A_886 : i32 to vector<16xi32>
    %add3A_889 = arith.addi %add3A_888, %iota3A_887 : vector<16xi32>
    %mul3A_890 = arith.constant 4096 : i32
    %mul3A_891 = vector.broadcast %mul3A_890 : i32 to vector<16xi32>
    %mul3A_892 = arith.muli %get3A_884, %mul3A_891 : vector<16xi32>
    %add3A_893 = arith.addi %mul3A_892, %add3A_889 : vector<16xi32>
    %swap3A_894 = arith.constant 5 : i32
    %swap3A_895 = arith.index_cast %swap3A_894 : i32 to index
    %swap3A_896 = arith.constant 64 : index
    %swap3A_897 = tpu.vector_load %arg8[%swap3A_895, %swap3A_896] {strides = array<i32>} : memref<9x128xi32, #tpu.memory_space<vmem>>, vector<1x16xi32>,
    %swap3A_898 = vector.shape_cast %swap3A_897 : vector<1x16xi32> to vector<16xi32>
    %swap3A_899 = vector.shape_cast %add3A_893 : vector<16xi32> to vector<1x16xi32>
    tpu.vector_store %arg8[%swap3A_895, %swap3A_896], %swap3A_899 {strides = array<i32>} : memref<9x128xi32, #tpu.memory_space<vmem>>, vector<1x16xi32>,
    %get3A_900 = arith.constant 5 : i32
    %get3A_901 = arith.index_cast %get3A_900 : i32 to index
    %get3A_902 = arith.constant 80 : index
    %get3A_903 = tpu.vector_load %arg6[%get3A_901, %get3A_902] {strides = array<i32>} : memref<16x128xi32, #tpu.memory_space<vmem>>, vector<1x16xi32>,
    %get3A_904 = vector.shape_cast %get3A_903 : vector<1x16xi32> to vector<16xi32>
    %add3A_905 = arith.constant 80 : i32
    %add3A_906 = arith.addi %mul3A_2, %add3A_905 : i32
    %iota3A_907 = tpu.iota {dimensions = array<i32: 0>} : vector<16xi32>
    %add3A_908 = vector.broadcast %add3A_906 : i32 to vector<16xi32>
    %add3A_909 = arith.addi %add3A_908, %iota3A_907 : vector<16xi32>
    %mul3A_910 = arith.constant 4096 : i32
    %mul3A_911 = vector.broadcast %mul3A_910 : i32 to vector<16xi32>
    %mul3A_912 = arith.muli %get3A_904, %mul3A_911 : vector<16xi32>
    %add3A_913 = arith.addi %mul3A_912, %add3A_909 : vector<16xi32>
    %swap3A_914 = arith.constant 5 : i32
    %swap3A_915 = arith.index_cast %swap3A_914 : i32 to index
    %swap3A_916 = arith.constant 80 : index
    %swap3A_917 = tpu.vector_load %arg8[%swap3A_915, %swap3A_916] {strides = array<i32>} : memref<9x128xi32, #tpu.memory_space<vmem>>, vector<1x16xi32>,
    %swap3A_918 = vector.shape_cast %swap3A_917 : vector<1x16xi32> to vector<16xi32>
    %swap3A_919 = vector.shape_cast %add3A_913 : vector<16xi32> to vector<1x16xi32>
    tpu.vector_store %arg8[%swap3A_915, %swap3A_916], %swap3A_919 {strides = array<i32>} : memref<9x128xi32, #tpu.memory_space<vmem>>, vector<1x16xi32>,
    %get3A_920 = arith.constant 5 : i32
    %get3A_921 = arith.index_cast %get3A_920 : i32 to index
    %get3A_922 = arith.constant 96 : index
    %get3A_923 = tpu.vector_load %arg6[%get3A_921, %get3A_922] {strides = array<i32>} : memref<16x128xi32, #tpu.memory_space<vmem>>, vector<1x16xi32>,
    %get3A_924 = vector.shape_cast %get3A_923 : vector<1x16xi32> to vector<16xi32>
    %add3A_925 = arith.constant 96 : i32
    %add3A_926 = arith.addi %mul3A_2, %add3A_925 : i32
    %iota3A_927 = tpu.iota {dimensions = array<i32: 0>} : vector<16xi32>
    %add3A_928 = vector.broadcast %add3A_926 : i32 to vector<16xi32>
    %add3A_929 = arith.addi %add3A_928, %iota3A_927 : vector<16xi32>
    %mul3A_930 = arith.constant 4096 : i32
    %mul3A_931 = vector.broadcast %mul3A_930 : i32 to vector<16xi32>
    %mul3A_932 = arith.muli %get3A_924, %mul3A_931 : vector<16xi32>
    %add3A_933 = arith.addi %mul3A_932, %add3A_929 : vector<16xi32>
    %swap3A_934 = arith.constant 5 : i32
    %swap3A_935 = arith.index_cast %swap3A_934 : i32 to index
    %swap3A_936 = arith.constant 96 : index
    %swap3A_937 = tpu.vector_load %arg8[%swap3A_935, %swap3A_936] {strides = array<i32>} : memref<9x128xi32, #tpu.memory_space<vmem>>, vector<1x16xi32>,
    %swap3A_938 = vector.shape_cast %swap3A_937 : vector<1x16xi32> to vector<16xi32>
    %swap3A_939 = vector.shape_cast %add3A_933 : vector<16xi32> to vector<1x16xi32>
    tpu.vector_store %arg8[%swap3A_935, %swap3A_936], %swap3A_939 {strides = array<i32>} : memref<9x128xi32, #tpu.memory_space<vmem>>, vector<1x16xi32>,
    %get3A_940 = arith.constant 5 : i32
    %get3A_941 = arith.index_cast %get3A_940 : i32 to index
    %get3A_942 = arith.constant 112 : index
    %get3A_943 = tpu.vector_load %arg6[%get3A_941, %get3A_942] {strides = array<i32>} : memref<16x128xi32, #tpu.memory_space<vmem>>, vector<1x16xi32>,
    %get3A_944 = vector.shape_cast %get3A_943 : vector<1x16xi32> to vector<16xi32>
    %add3A_945 = arith.constant 112 : i32
    %add3A_946 = arith.addi %mul3A_2, %add3A_945 : i32
    %iota3A_947 = tpu.iota {dimensions = array<i32: 0>} : vector<16xi32>
    %add3A_948 = vector.broadcast %add3A_946 : i32 to vector<16xi32>
    %add3A_949 = arith.addi %add3A_948, %iota3A_947 : vector<16xi32>
    %mul3A_950 = arith.constant 4096 : i32
    %mul3A_951 = vector.broadcast %mul3A_950 : i32 to vector<16xi32>
    %mul3A_952 = arith.muli %get3A_944, %mul3A_951 : vector<16xi32>
    %add3A_953 = arith.addi %mul3A_952, %add3A_949 : vector<16xi32>
    %swap3A_954 = arith.constant 5 : i32
    %swap3A_955 = arith.index_cast %swap3A_954 : i32 to index
    %swap3A_956 = arith.constant 112 : index
    %swap3A_957 = tpu.vector_load %arg8[%swap3A_955, %swap3A_956] {strides = array<i32>} : memref<9x128xi32, #tpu.memory_space<vmem>>, vector<1x16xi32>,
    %swap3A_958 = vector.shape_cast %swap3A_957 : vector<1x16xi32> to vector<16xi32>
    %swap3A_959 = vector.shape_cast %add3A_953 : vector<16xi32> to vector<1x16xi32>
    tpu.vector_store %arg8[%swap3A_955, %swap3A_956], %swap3A_959 {strides = array<i32>} : memref<9x128xi32, #tpu.memory_space<vmem>>, vector<1x16xi32>,
    %get3A_960 = arith.constant 6 : i32
    %get3A_961 = arith.index_cast %get3A_960 : i32 to index
    %get3A_962 = arith.constant 0 : index
    %get3A_963 = tpu.vector_load %arg6[%get3A_961, %get3A_962] {strides = array<i32>} : memref<16x128xi32, #tpu.memory_space<vmem>>, vector<1x16xi32>,
    %get3A_964 = vector.shape_cast %get3A_963 : vector<1x16xi32> to vector<16xi32>
    %add3A_965 = arith.constant 0 : i32
    %add3A_966 = arith.addi %mul3A_2, %add3A_965 : i32
    %iota3A_967 = tpu.iota {dimensions = array<i32: 0>} : vector<16xi32>
    %add3A_968 = vector.broadcast %add3A_966 : i32 to vector<16xi32>
    %add3A_969 = arith.addi %add3A_968, %iota3A_967 : vector<16xi32>
    %mul3A_970 = arith.constant 4096 : i32
    %mul3A_971 = vector.broadcast %mul3A_970 : i32 to vector<16xi32>
    %mul3A_972 = arith.muli %get3A_964, %mul3A_971 : vector<16xi32>
    %add3A_973 = arith.addi %mul3A_972, %add3A_969 : vector<16xi32>
    %swap3A_974 = arith.constant 6 : i32
    %swap3A_975 = arith.index_cast %swap3A_974 : i32 to index
    %swap3A_976 = arith.constant 0 : index
    %swap3A_977 = tpu.vector_load %arg8[%swap3A_975, %swap3A_976] {strides = array<i32>} : memref<9x128xi32, #tpu.memory_space<vmem>>, vector<1x16xi32>,
    %swap3A_978 = vector.shape_cast %swap3A_977 : vector<1x16xi32> to vector<16xi32>
    %swap3A_979 = vector.shape_cast %add3A_973 : vector<16xi32> to vector<1x16xi32>
    tpu.vector_store %arg8[%swap3A_975, %swap3A_976], %swap3A_979 {strides = array<i32>} : memref<9x128xi32, #tpu.memory_space<vmem>>, vector<1x16xi32>,
    %get3A_980 = arith.constant 6 : i32
    %get3A_981 = arith.index_cast %get3A_980 : i32 to index
    %get3A_982 = arith.constant 16 : index
    %get3A_983 = tpu.vector_load %arg6[%get3A_981, %get3A_982] {strides = array<i32>} : memref<16x128xi32, #tpu.memory_space<vmem>>, vector<1x16xi32>,
    %get3A_984 = vector.shape_cast %get3A_983 : vector<1x16xi32> to vector<16xi32>
    %add3A_985 = arith.constant 16 : i32
    %add3A_986 = arith.addi %mul3A_2, %add3A_985 : i32
    %iota3A_987 = tpu.iota {dimensions = array<i32: 0>} : vector<16xi32>
    %add3A_988 = vector.broadcast %add3A_986 : i32 to vector<16xi32>
    %add3A_989 = arith.addi %add3A_988, %iota3A_987 : vector<16xi32>
    %mul3A_990 = arith.constant 4096 : i32
    %mul3A_991 = vector.broadcast %mul3A_990 : i32 to vector<16xi32>
    %mul3A_992 = arith.muli %get3A_984, %mul3A_991 : vector<16xi32>
    %add3A_993 = arith.addi %mul3A_992, %add3A_989 : vector<16xi32>
    %swap3A_994 = arith.constant 6 : i32
    %swap3A_995 = arith.index_cast %swap3A_994 : i32 to index
    %swap3A_996 = arith.constant 16 : index
    %swap3A_997 = tpu.vector_load %arg8[%swap3A_995, %swap3A_996] {strides = array<i32>} : memref<9x128xi32, #tpu.memory_space<vmem>>, vector<1x16xi32>,
    %swap3A_998 = vector.shape_cast %swap3A_997 : vector<1x16xi32> to vector<16xi32>
    %swap3A_999 = vector.shape_cast %add3A_993 : vector<16xi32> to vector<1x16xi32>
    tpu.vector_store %arg8[%swap3A_995, %swap3A_996], %swap3A_999 {strides = array<i32>} : memref<9x128xi32, #tpu.memory_space<vmem>>, vector<1x16xi32>,
    %get3A_1000 = arith.constant 6 : i32
    %get3A_1001 = arith.index_cast %get3A_1000 : i32 to index
    %get3A_1002 = arith.constant 32 : index
    %get3A_1003 = tpu.vector_load %arg6[%get3A_1001, %get3A_1002] {strides = array<i32>} : memref<16x128xi32, #tpu.memory_space<vmem>>, vector<1x16xi32>,
    %get3A_1004 = vector.shape_cast %get3A_1003 : vector<1x16xi32> to vector<16xi32>
    %add3A_1005 = arith.constant 32 : i32
    %add3A_1006 = arith.addi %mul3A_2, %add3A_1005 : i32
    %iota3A_1007 = tpu.iota {dimensions = array<i32: 0>} : vector<16xi32>
    %add3A_1008 = vector.broadcast %add3A_1006 : i32 to vector<16xi32>
    %add3A_1009 = arith.addi %add3A_1008, %iota3A_1007 : vector<16xi32>
    %mul3A_1010 = arith.constant 4096 : i32
    %mul3A_1011 = vector.broadcast %mul3A_1010 : i32 to vector<16xi32>
    %mul3A_1012 = arith.muli %get3A_1004, %mul3A_1011 : vector<16xi32>
    %add3A_1013 = arith.addi %mul3A_1012, %add3A_1009 : vector<16xi32>
    %swap3A_1014 = arith.constant 6 : i32
    %swap3A_1015 = arith.index_cast %swap3A_1014 : i32 to index
    %swap3A_1016 = arith.constant 32 : index
    %swap3A_1017 = tpu.vector_load %arg8[%swap3A_1015, %swap3A_1016] {strides = array<i32>} : memref<9x128xi32, #tpu.memory_space<vmem>>, vector<1x16xi32>,
    %swap3A_1018 = vector.shape_cast %swap3A_1017 : vector<1x16xi32> to vector<16xi32>
    %swap3A_1019 = vector.shape_cast %add3A_1013 : vector<16xi32> to vector<1x16xi32>
    tpu.vector_store %arg8[%swap3A_1015, %swap3A_1016], %swap3A_1019 {strides = array<i32>} : memref<9x128xi32, #tpu.memory_space<vmem>>, vector<1x16xi32>,
    %get3A_1020 = arith.constant 6 : i32
    %get3A_1021 = arith.index_cast %get3A_1020 : i32 to index
    %get3A_1022 = arith.constant 48 : index
    %get3A_1023 = tpu.vector_load %arg6[%get3A_1021, %get3A_1022] {strides = array<i32>} : memref<16x128xi32, #tpu.memory_space<vmem>>, vector<1x16xi32>,
    %get3A_1024 = vector.shape_cast %get3A_1023 : vector<1x16xi32> to vector<16xi32>
    %add3A_1025 = arith.constant 48 : i32
    %add3A_1026 = arith.addi %mul3A_2, %add3A_1025 : i32
    %iota3A_1027 = tpu.iota {dimensions = array<i32: 0>} : vector<16xi32>
    %add3A_1028 = vector.broadcast %add3A_1026 : i32 to vector<16xi32>
    %add3A_1029 = arith.addi %add3A_1028, %iota3A_1027 : vector<16xi32>
    %mul3A_1030 = arith.constant 4096 : i32
    %mul3A_1031 = vector.broadcast %mul3A_1030 : i32 to vector<16xi32>
    %mul3A_1032 = arith.muli %get3A_1024, %mul3A_1031 : vector<16xi32>
    %add3A_1033 = arith.addi %mul3A_1032, %add3A_1029 : vector<16xi32>
    %swap3A_1034 = arith.constant 6 : i32
    %swap3A_1035 = arith.index_cast %swap3A_1034 : i32 to index
    %swap3A_1036 = arith.constant 48 : index
    %swap3A_1037 = tpu.vector_load %arg8[%swap3A_1035, %swap3A_1036] {strides = array<i32>} : memref<9x128xi32, #tpu.memory_space<vmem>>, vector<1x16xi32>,
    %swap3A_1038 = vector.shape_cast %swap3A_1037 : vector<1x16xi32> to vector<16xi32>
    %swap3A_1039 = vector.shape_cast %add3A_1033 : vector<16xi32> to vector<1x16xi32>
    tpu.vector_store %arg8[%swap3A_1035, %swap3A_1036], %swap3A_1039 {strides = array<i32>} : memref<9x128xi32, #tpu.memory_space<vmem>>, vector<1x16xi32>,
    %get3A_1040 = arith.constant 6 : i32
    %get3A_1041 = arith.index_cast %get3A_1040 : i32 to index
    %get3A_1042 = arith.constant 64 : index
    %get3A_1043 = tpu.vector_load %arg6[%get3A_1041, %get3A_1042] {strides = array<i32>} : memref<16x128xi32, #tpu.memory_space<vmem>>, vector<1x16xi32>,
    %get3A_1044 = vector.shape_cast %get3A_1043 : vector<1x16xi32> to vector<16xi32>
    %add3A_1045 = arith.constant 64 : i32
    %add3A_1046 = arith.addi %mul3A_2, %add3A_1045 : i32
    %iota3A_1047 = tpu.iota {dimensions = array<i32: 0>} : vector<16xi32>
    %add3A_1048 = vector.broadcast %add3A_1046 : i32 to vector<16xi32>
    %add3A_1049 = arith.addi %add3A_1048, %iota3A_1047 : vector<16xi32>
    %mul3A_1050 = arith.constant 4096 : i32
    %mul3A_1051 = vector.broadcast %mul3A_1050 : i32 to vector<16xi32>
    %mul3A_1052 = arith.muli %get3A_1044, %mul3A_1051 : vector<16xi32>
    %add3A_1053 = arith.addi %mul3A_1052, %add3A_1049 : vector<16xi32>
    %swap3A_1054 = arith.constant 6 : i32
    %swap3A_1055 = arith.index_cast %swap3A_1054 : i32 to index
    %swap3A_1056 = arith.constant 64 : index
    %swap3A_1057 = tpu.vector_load %arg8[%swap3A_1055, %swap3A_1056] {strides = array<i32>} : memref<9x128xi32, #tpu.memory_space<vmem>>, vector<1x16xi32>,
    %swap3A_1058 = vector.shape_cast %swap3A_1057 : vector<1x16xi32> to vector<16xi32>
    %swap3A_1059 = vector.shape_cast %add3A_1053 : vector<16xi32> to vector<1x16xi32>
    tpu.vector_store %arg8[%swap3A_1055, %swap3A_1056], %swap3A_1059 {strides = array<i32>} : memref<9x128xi32, #tpu.memory_space<vmem>>, vector<1x16xi32>,
    %get3A_1060 = arith.constant 6 : i32
    %get3A_1061 = arith.index_cast %get3A_1060 : i32 to index
    %get3A_1062 = arith.constant 80 : index
    %get3A_1063 = tpu.vector_load %arg6[%get3A_1061, %get3A_1062] {strides = array<i32>} : memref<16x128xi32, #tpu.memory_space<vmem>>, vector<1x16xi32>,
    %get3A_1064 = vector.shape_cast %get3A_1063 : vector<1x16xi32> to vector<16xi32>
    %add3A_1065 = arith.constant 80 : i32
    %add3A_1066 = arith.addi %mul3A_2, %add3A_1065 : i32
    %iota3A_1067 = tpu.iota {dimensions = array<i32: 0>} : vector<16xi32>
    %add3A_1068 = vector.broadcast %add3A_1066 : i32 to vector<16xi32>
    %add3A_1069 = arith.addi %add3A_1068, %iota3A_1067 : vector<16xi32>
    %mul3A_1070 = arith.constant 4096 : i32
    %mul3A_1071 = vector.broadcast %mul3A_1070 : i32 to vector<16xi32>
    %mul3A_1072 = arith.muli %get3A_1064, %mul3A_1071 : vector<16xi32>
    %add3A_1073 = arith.addi %mul3A_1072, %add3A_1069 : vector<16xi32>
    %swap3A_1074 = arith.constant 6 : i32
    %swap3A_1075 = arith.index_cast %swap3A_1074 : i32 to index
    %swap3A_1076 = arith.constant 80 : index
    %swap3A_1077 = tpu.vector_load %arg8[%swap3A_1075, %swap3A_1076] {strides = array<i32>} : memref<9x128xi32, #tpu.memory_space<vmem>>, vector<1x16xi32>,
    %swap3A_1078 = vector.shape_cast %swap3A_1077 : vector<1x16xi32> to vector<16xi32>
    %swap3A_1079 = vector.shape_cast %add3A_1073 : vector<16xi32> to vector<1x16xi32>
    tpu.vector_store %arg8[%swap3A_1075, %swap3A_1076], %swap3A_1079 {strides = array<i32>} : memref<9x128xi32, #tpu.memory_space<vmem>>, vector<1x16xi32>,
    %get3A_1080 = arith.constant 6 : i32
    %get3A_1081 = arith.index_cast %get3A_1080 : i32 to index
    %get3A_1082 = arith.constant 96 : index
    %get3A_1083 = tpu.vector_load %arg6[%get3A_1081, %get3A_1082] {strides = array<i32>} : memref<16x128xi32, #tpu.memory_space<vmem>>, vector<1x16xi32>,
    %get3A_1084 = vector.shape_cast %get3A_1083 : vector<1x16xi32> to vector<16xi32>
    %add3A_1085 = arith.constant 96 : i32
    %add3A_1086 = arith.addi %mul3A_2, %add3A_1085 : i32
    %iota3A_1087 = tpu.iota {dimensions = array<i32: 0>} : vector<16xi32>
    %add3A_1088 = vector.broadcast %add3A_1086 : i32 to vector<16xi32>
    %add3A_1089 = arith.addi %add3A_1088, %iota3A_1087 : vector<16xi32>
    %mul3A_1090 = arith.constant 4096 : i32
    %mul3A_1091 = vector.broadcast %mul3A_1090 : i32 to vector<16xi32>
    %mul3A_1092 = arith.muli %get3A_1084, %mul3A_1091 : vector<16xi32>
    %add3A_1093 = arith.addi %mul3A_1092, %add3A_1089 : vector<16xi32>
    %swap3A_1094 = arith.constant 6 : i32
    %swap3A_1095 = arith.index_cast %swap3A_1094 : i32 to index
    %swap3A_1096 = arith.constant 96 : index
    %swap3A_1097 = tpu.vector_load %arg8[%swap3A_1095, %swap3A_1096] {strides = array<i32>} : memref<9x128xi32, #tpu.memory_space<vmem>>, vector<1x16xi32>,
    %swap3A_1098 = vector.shape_cast %swap3A_1097 : vector<1x16xi32> to vector<16xi32>
    %swap3A_1099 = vector.shape_cast %add3A_1093 : vector<16xi32> to vector<1x16xi32>
    tpu.vector_store %arg8[%swap3A_1095, %swap3A_1096], %swap3A_1099 {strides = array<i32>} : memref<9x128xi32, #tpu.memory_space<vmem>>, vector<1x16xi32>,
    %get3A_1100 = arith.constant 6 : i32
    %get3A_1101 = arith.index_cast %get3A_1100 : i32 to index
    %get3A_1102 = arith.constant 112 : index
    %get3A_1103 = tpu.vector_load %arg6[%get3A_1101, %get3A_1102] {strides = array<i32>} : memref<16x128xi32, #tpu.memory_space<vmem>>, vector<1x16xi32>,
    %get3A_1104 = vector.shape_cast %get3A_1103 : vector<1x16xi32> to vector<16xi32>
    %add3A_1105 = arith.constant 112 : i32
    %add3A_1106 = arith.addi %mul3A_2, %add3A_1105 : i32
    %iota3A_1107 = tpu.iota {dimensions = array<i32: 0>} : vector<16xi32>
    %add3A_1108 = vector.broadcast %add3A_1106 : i32 to vector<16xi32>
    %add3A_1109 = arith.addi %add3A_1108, %iota3A_1107 : vector<16xi32>
    %mul3A_1110 = arith.constant 4096 : i32
    %mul3A_1111 = vector.broadcast %mul3A_1110 : i32 to vector<16xi32>
    %mul3A_1112 = arith.muli %get3A_1104, %mul3A_1111 : vector<16xi32>
    %add3A_1113 = arith.addi %mul3A_1112, %add3A_1109 : vector<16xi32>
    %swap3A_1114 = arith.constant 6 : i32
    %swap3A_1115 = arith.index_cast %swap3A_1114 : i32 to index
    %swap3A_1116 = arith.constant 112 : index
    %swap3A_1117 = tpu.vector_load %arg8[%swap3A_1115, %swap3A_1116] {strides = array<i32>} : memref<9x128xi32, #tpu.memory_space<vmem>>, vector<1x16xi32>,
    %swap3A_1118 = vector.shape_cast %swap3A_1117 : vector<1x16xi32> to vector<16xi32>
    %swap3A_1119 = vector.shape_cast %add3A_1113 : vector<16xi32> to vector<1x16xi32>
    tpu.vector_store %arg8[%swap3A_1115, %swap3A_1116], %swap3A_1119 {strides = array<i32>} : memref<9x128xi32, #tpu.memory_space<vmem>>, vector<1x16xi32>,
    %get3A_1120 = arith.constant 7 : i32
    %get3A_1121 = arith.index_cast %get3A_1120 : i32 to index
    %get3A_1122 = arith.constant 0 : index
    %get3A_1123 = tpu.vector_load %arg6[%get3A_1121, %get3A_1122] {strides = array<i32>} : memref<16x128xi32, #tpu.memory_space<vmem>>, vector<1x16xi32>,
    %get3A_1124 = vector.shape_cast %get3A_1123 : vector<1x16xi32> to vector<16xi32>
    %add3A_1125 = arith.constant 0 : i32
    %add3A_1126 = arith.addi %mul3A_2, %add3A_1125 : i32
    %iota3A_1127 = tpu.iota {dimensions = array<i32: 0>} : vector<16xi32>
    %add3A_1128 = vector.broadcast %add3A_1126 : i32 to vector<16xi32>
    %add3A_1129 = arith.addi %add3A_1128, %iota3A_1127 : vector<16xi32>
    %mul3A_1130 = arith.constant 4096 : i32
    %mul3A_1131 = vector.broadcast %mul3A_1130 : i32 to vector<16xi32>
    %mul3A_1132 = arith.muli %get3A_1124, %mul3A_1131 : vector<16xi32>
    %add3A_1133 = arith.addi %mul3A_1132, %add3A_1129 : vector<16xi32>
    %swap3A_1134 = arith.constant 7 : i32
    %swap3A_1135 = arith.index_cast %swap3A_1134 : i32 to index
    %swap3A_1136 = arith.constant 0 : index
    %swap3A_1137 = tpu.vector_load %arg8[%swap3A_1135, %swap3A_1136] {strides = array<i32>} : memref<9x128xi32, #tpu.memory_space<vmem>>, vector<1x16xi32>,
    %swap3A_1138 = vector.shape_cast %swap3A_1137 : vector<1x16xi32> to vector<16xi32>
    %swap3A_1139 = vector.shape_cast %add3A_1133 : vector<16xi32> to vector<1x16xi32>
    tpu.vector_store %arg8[%swap3A_1135, %swap3A_1136], %swap3A_1139 {strides = array<i32>} : memref<9x128xi32, #tpu.memory_space<vmem>>, vector<1x16xi32>,
    %get3A_1140 = arith.constant 7 : i32
    %get3A_1141 = arith.index_cast %get3A_1140 : i32 to index
    %get3A_1142 = arith.constant 16 : index
    %get3A_1143 = tpu.vector_load %arg6[%get3A_1141, %get3A_1142] {strides = array<i32>} : memref<16x128xi32, #tpu.memory_space<vmem>>, vector<1x16xi32>,
    %get3A_1144 = vector.shape_cast %get3A_1143 : vector<1x16xi32> to vector<16xi32>
    %add3A_1145 = arith.constant 16 : i32
    %add3A_1146 = arith.addi %mul3A_2, %add3A_1145 : i32
    %iota3A_1147 = tpu.iota {dimensions = array<i32: 0>} : vector<16xi32>
    %add3A_1148 = vector.broadcast %add3A_1146 : i32 to vector<16xi32>
    %add3A_1149 = arith.addi %add3A_1148, %iota3A_1147 : vector<16xi32>
    %mul3A_1150 = arith.constant 4096 : i32
    %mul3A_1151 = vector.broadcast %mul3A_1150 : i32 to vector<16xi32>
    %mul3A_1152 = arith.muli %get3A_1144, %mul3A_1151 : vector<16xi32>
    %add3A_1153 = arith.addi %mul3A_1152, %add3A_1149 : vector<16xi32>
    %swap3A_1154 = arith.constant 7 : i32
    %swap3A_1155 = arith.index_cast %swap3A_1154 : i32 to index
    %swap3A_1156 = arith.constant 16 : index
    %swap3A_1157 = tpu.vector_load %arg8[%swap3A_1155, %swap3A_1156] {strides = array<i32>} : memref<9x128xi32, #tpu.memory_space<vmem>>, vector<1x16xi32>,
    %swap3A_1158 = vector.shape_cast %swap3A_1157 : vector<1x16xi32> to vector<16xi32>
    %swap3A_1159 = vector.shape_cast %add3A_1153 : vector<16xi32> to vector<1x16xi32>
    tpu.vector_store %arg8[%swap3A_1155, %swap3A_1156], %swap3A_1159 {strides = array<i32>} : memref<9x128xi32, #tpu.memory_space<vmem>>, vector<1x16xi32>,
    %get3A_1160 = arith.constant 7 : i32
    %get3A_1161 = arith.index_cast %get3A_1160 : i32 to index
    %get3A_1162 = arith.constant 32 : index
    %get3A_1163 = tpu.vector_load %arg6[%get3A_1161, %get3A_1162] {strides = array<i32>} : memref<16x128xi32, #tpu.memory_space<vmem>>, vector<1x16xi32>,
    %get3A_1164 = vector.shape_cast %get3A_1163 : vector<1x16xi32> to vector<16xi32>
    %add3A_1165 = arith.constant 32 : i32
    %add3A_1166 = arith.addi %mul3A_2, %add3A_1165 : i32
    %iota3A_1167 = tpu.iota {dimensions = array<i32: 0>} : vector<16xi32>
    %add3A_1168 = vector.broadcast %add3A_1166 : i32 to vector<16xi32>
    %add3A_1169 = arith.addi %add3A_1168, %iota3A_1167 : vector<16xi32>
    %mul3A_1170 = arith.constant 4096 : i32
    %mul3A_1171 = vector.broadcast %mul3A_1170 : i32 to vector<16xi32>
    %mul3A_1172 = arith.muli %get3A_1164, %mul3A_1171 : vector<16xi32>
    %add3A_1173 = arith.addi %mul3A_1172, %add3A_1169 : vector<16xi32>
    %swap3A_1174 = arith.constant 7 : i32
    %swap3A_1175 = arith.index_cast %swap3A_1174 : i32 to index
    %swap3A_1176 = arith.constant 32 : index
    %swap3A_1177 = tpu.vector_load %arg8[%swap3A_1175, %swap3A_1176] {strides = array<i32>} : memref<9x128xi32, #tpu.memory_space<vmem>>, vector<1x16xi32>,
    %swap3A_1178 = vector.shape_cast %swap3A_1177 : vector<1x16xi32> to vector<16xi32>
    %swap3A_1179 = vector.shape_cast %add3A_1173 : vector<16xi32> to vector<1x16xi32>
    tpu.vector_store %arg8[%swap3A_1175, %swap3A_1176], %swap3A_1179 {strides = array<i32>} : memref<9x128xi32, #tpu.memory_space<vmem>>, vector<1x16xi32>,
    %get3A_1180 = arith.constant 7 : i32
    %get3A_1181 = arith.index_cast %get3A_1180 : i32 to index
    %get3A_1182 = arith.constant 48 : index
    %get3A_1183 = tpu.vector_load %arg6[%get3A_1181, %get3A_1182] {strides = array<i32>} : memref<16x128xi32, #tpu.memory_space<vmem>>, vector<1x16xi32>,
    %get3A_1184 = vector.shape_cast %get3A_1183 : vector<1x16xi32> to vector<16xi32>
    %add3A_1185 = arith.constant 48 : i32
    %add3A_1186 = arith.addi %mul3A_2, %add3A_1185 : i32
    %iota3A_1187 = tpu.iota {dimensions = array<i32: 0>} : vector<16xi32>
    %add3A_1188 = vector.broadcast %add3A_1186 : i32 to vector<16xi32>
    %add3A_1189 = arith.addi %add3A_1188, %iota3A_1187 : vector<16xi32>
    %mul3A_1190 = arith.constant 4096 : i32
    %mul3A_1191 = vector.broadcast %mul3A_1190 : i32 to vector<16xi32>
    %mul3A_1192 = arith.muli %get3A_1184, %mul3A_1191 : vector<16xi32>
    %add3A_1193 = arith.addi %mul3A_1192, %add3A_1189 : vector<16xi32>
    %swap3A_1194 = arith.constant 7 : i32
    %swap3A_1195 = arith.index_cast %swap3A_1194 : i32 to index
    %swap3A_1196 = arith.constant 48 : index
    %swap3A_1197 = tpu.vector_load %arg8[%swap3A_1195, %swap3A_1196] {strides = array<i32>} : memref<9x128xi32, #tpu.memory_space<vmem>>, vector<1x16xi32>,
    %swap3A_1198 = vector.shape_cast %swap3A_1197 : vector<1x16xi32> to vector<16xi32>
    %swap3A_1199 = vector.shape_cast %add3A_1193 : vector<16xi32> to vector<1x16xi32>
    tpu.vector_store %arg8[%swap3A_1195, %swap3A_1196], %swap3A_1199 {strides = array<i32>} : memref<9x128xi32, #tpu.memory_space<vmem>>, vector<1x16xi32>,
    %get3A_1200 = arith.constant 7 : i32
    %get3A_1201 = arith.index_cast %get3A_1200 : i32 to index
    %get3A_1202 = arith.constant 64 : index
    %get3A_1203 = tpu.vector_load %arg6[%get3A_1201, %get3A_1202] {strides = array<i32>} : memref<16x128xi32, #tpu.memory_space<vmem>>, vector<1x16xi32>,
    %get3A_1204 = vector.shape_cast %get3A_1203 : vector<1x16xi32> to vector<16xi32>
    %add3A_1205 = arith.constant 64 : i32
    %add3A_1206 = arith.addi %mul3A_2, %add3A_1205 : i32
    %iota3A_1207 = tpu.iota {dimensions = array<i32: 0>} : vector<16xi32>
    %add3A_1208 = vector.broadcast %add3A_1206 : i32 to vector<16xi32>
    %add3A_1209 = arith.addi %add3A_1208, %iota3A_1207 : vector<16xi32>
    %mul3A_1210 = arith.constant 4096 : i32
    %mul3A_1211 = vector.broadcast %mul3A_1210 : i32 to vector<16xi32>
    %mul3A_1212 = arith.muli %get3A_1204, %mul3A_1211 : vector<16xi32>
    %add3A_1213 = arith.addi %mul3A_1212, %add3A_1209 : vector<16xi32>
    %swap3A_1214 = arith.constant 7 : i32
    %swap3A_1215 = arith.index_cast %swap3A_1214 : i32 to index
    %swap3A_1216 = arith.constant 64 : index
    %swap3A_1217 = tpu.vector_load %arg8[%swap3A_1215, %swap3A_1216] {strides = array<i32>} : memref<9x128xi32, #tpu.memory_space<vmem>>, vector<1x16xi32>,
    %swap3A_1218 = vector.shape_cast %swap3A_1217 : vector<1x16xi32> to vector<16xi32>
    %swap3A_1219 = vector.shape_cast %add3A_1213 : vector<16xi32> to vector<1x16xi32>
    tpu.vector_store %arg8[%swap3A_1215, %swap3A_1216], %swap3A_1219 {strides = array<i32>} : memref<9x128xi32, #tpu.memory_space<vmem>>, vector<1x16xi32>,
    %get3A_1220 = arith.constant 7 : i32
    %get3A_1221 = arith.index_cast %get3A_1220 : i32 to index
    %get3A_1222 = arith.constant 80 : index
    %get3A_1223 = tpu.vector_load %arg6[%get3A_1221, %get3A_1222] {strides = array<i32>} : memref<16x128xi32, #tpu.memory_space<vmem>>, vector<1x16xi32>,
    %get3A_1224 = vector.shape_cast %get3A_1223 : vector<1x16xi32> to vector<16xi32>
    %add3A_1225 = arith.constant 80 : i32
    %add3A_1226 = arith.addi %mul3A_2, %add3A_1225 : i32
    %iota3A_1227 = tpu.iota {dimensions = array<i32: 0>} : vector<16xi32>
    %add3A_1228 = vector.broadcast %add3A_1226 : i32 to vector<16xi32>
    %add3A_1229 = arith.addi %add3A_1228, %iota3A_1227 : vector<16xi32>
    %mul3A_1230 = arith.constant 4096 : i32
    %mul3A_1231 = vector.broadcast %mul3A_1230 : i32 to vector<16xi32>
    %mul3A_1232 = arith.muli %get3A_1224, %mul3A_1231 : vector<16xi32>
    %add3A_1233 = arith.addi %mul3A_1232, %add3A_1229 : vector<16xi32>
    %swap3A_1234 = arith.constant 7 : i32
    %swap3A_1235 = arith.index_cast %swap3A_1234 : i32 to index
    %swap3A_1236 = arith.constant 80 : index
    %swap3A_1237 = tpu.vector_load %arg8[%swap3A_1235, %swap3A_1236] {strides = array<i32>} : memref<9x128xi32, #tpu.memory_space<vmem>>, vector<1x16xi32>,
    %swap3A_1238 = vector.shape_cast %swap3A_1237 : vector<1x16xi32> to vector<16xi32>
    %swap3A_1239 = vector.shape_cast %add3A_1233 : vector<16xi32> to vector<1x16xi32>
    tpu.vector_store %arg8[%swap3A_1235, %swap3A_1236], %swap3A_1239 {strides = array<i32>} : memref<9x128xi32, #tpu.memory_space<vmem>>, vector<1x16xi32>,
    %get3A_1240 = arith.constant 7 : i32
    %get3A_1241 = arith.index_cast %get3A_1240 : i32 to index
    %get3A_1242 = arith.constant 96 : index
    %get3A_1243 = tpu.vector_load %arg6[%get3A_1241, %get3A_1242] {strides = array<i32>} : memref<16x128xi32, #tpu.memory_space<vmem>>, vector<1x16xi32>,
    %get3A_1244 = vector.shape_cast %get3A_1243 : vector<1x16xi32> to vector<16xi32>
    %add3A_1245 = arith.constant 96 : i32
    %add3A_1246 = arith.addi %mul3A_2, %add3A_1245 : i32
    %iota3A_1247 = tpu.iota {dimensions = array<i32: 0>} : vector<16xi32>
    %add3A_1248 = vector.broadcast %add3A_1246 : i32 to vector<16xi32>
    %add3A_1249 = arith.addi %add3A_1248, %iota3A_1247 : vector<16xi32>
    %mul3A_1250 = arith.constant 4096 : i32
    %mul3A_1251 = vector.broadcast %mul3A_1250 : i32 to vector<16xi32>
    %mul3A_1252 = arith.muli %get3A_1244, %mul3A_1251 : vector<16xi32>
    %add3A_1253 = arith.addi %mul3A_1252, %add3A_1249 : vector<16xi32>
    %swap3A_1254 = arith.constant 7 : i32
    %swap3A_1255 = arith.index_cast %swap3A_1254 : i32 to index
    %swap3A_1256 = arith.constant 96 : index
    %swap3A_1257 = tpu.vector_load %arg8[%swap3A_1255, %swap3A_1256] {strides = array<i32>} : memref<9x128xi32, #tpu.memory_space<vmem>>, vector<1x16xi32>,
    %swap3A_1258 = vector.shape_cast %swap3A_1257 : vector<1x16xi32> to vector<16xi32>
    %swap3A_1259 = vector.shape_cast %add3A_1253 : vector<16xi32> to vector<1x16xi32>
    tpu.vector_store %arg8[%swap3A_1255, %swap3A_1256], %swap3A_1259 {strides = array<i32>} : memref<9x128xi32, #tpu.memory_space<vmem>>, vector<1x16xi32>,
    %get3A_1260 = arith.constant 7 : i32
    %get3A_1261 = arith.index_cast %get3A_1260 : i32 to index
    %get3A_1262 = arith.constant 112 : index
    %get3A_1263 = tpu.vector_load %arg6[%get3A_1261, %get3A_1262] {strides = array<i32>} : memref<16x128xi32, #tpu.memory_space<vmem>>, vector<1x16xi32>,
    %get3A_1264 = vector.shape_cast %get3A_1263 : vector<1x16xi32> to vector<16xi32>
    %add3A_1265 = arith.constant 112 : i32
    %add3A_1266 = arith.addi %mul3A_2, %add3A_1265 : i32
    %iota3A_1267 = tpu.iota {dimensions = array<i32: 0>} : vector<16xi32>
    %add3A_1268 = vector.broadcast %add3A_1266 : i32 to vector<16xi32>
    %add3A_1269 = arith.addi %add3A_1268, %iota3A_1267 : vector<16xi32>
    %mul3A_1270 = arith.constant 4096 : i32
    %mul3A_1271 = vector.broadcast %mul3A_1270 : i32 to vector<16xi32>
    %mul3A_1272 = arith.muli %get3A_1264, %mul3A_1271 : vector<16xi32>
    %add3A_1273 = arith.addi %mul3A_1272, %add3A_1269 : vector<16xi32>
    %swap3A_1274 = arith.constant 7 : i32
    %swap3A_1275 = arith.index_cast %swap3A_1274 : i32 to index
    %swap3A_1276 = arith.constant 112 : index
    %swap3A_1277 = tpu.vector_load %arg8[%swap3A_1275, %swap3A_1276] {strides = array<i32>} : memref<9x128xi32, #tpu.memory_space<vmem>>, vector<1x16xi32>,
    %swap3A_1278 = vector.shape_cast %swap3A_1277 : vector<1x16xi32> to vector<16xi32>
    %swap3A_1279 = vector.shape_cast %add3A_1273 : vector<16xi32> to vector<1x16xi32>
    tpu.vector_store %arg8[%swap3A_1275, %swap3A_1276], %swap3A_1279 {strides = array<i32>} : memref<9x128xi32, #tpu.memory_space<vmem>>, vector<1x16xi32>,
    %get3A_1280 = arith.constant 8 : i32
    %get3A_1281 = arith.index_cast %get3A_1280 : i32 to index
    %get3A_1282 = arith.constant 0 : index
    %get3A_1283 = tpu.vector_load %arg6[%get3A_1281, %get3A_1282] {strides = array<i32>} : memref<16x128xi32, #tpu.memory_space<vmem>>, vector<1x16xi32>,
    %get3A_1284 = vector.shape_cast %get3A_1283 : vector<1x16xi32> to vector<16xi32>
    %add3A_1285 = arith.constant 0 : i32
    %add3A_1286 = arith.addi %mul3A_2, %add3A_1285 : i32
    %iota3A_1287 = tpu.iota {dimensions = array<i32: 0>} : vector<16xi32>
    %add3A_1288 = vector.broadcast %add3A_1286 : i32 to vector<16xi32>
    %add3A_1289 = arith.addi %add3A_1288, %iota3A_1287 : vector<16xi32>
    %mul3A_1290 = arith.constant 4096 : i32
    %mul3A_1291 = vector.broadcast %mul3A_1290 : i32 to vector<16xi32>
    %mul3A_1292 = arith.muli %get3A_1284, %mul3A_1291 : vector<16xi32>
    %add3A_1293 = arith.addi %mul3A_1292, %add3A_1289 : vector<16xi32>
    %swap3A_1294 = arith.constant 8 : i32
    %swap3A_1295 = arith.index_cast %swap3A_1294 : i32 to index
    %swap3A_1296 = arith.constant 0 : index
    %swap3A_1297 = tpu.vector_load %arg8[%swap3A_1295, %swap3A_1296] {strides = array<i32>} : memref<9x128xi32, #tpu.memory_space<vmem>>, vector<1x16xi32>,
    %swap3A_1298 = vector.shape_cast %swap3A_1297 : vector<1x16xi32> to vector<16xi32>
    %swap3A_1299 = vector.shape_cast %add3A_1293 : vector<16xi32> to vector<1x16xi32>
    tpu.vector_store %arg8[%swap3A_1295, %swap3A_1296], %swap3A_1299 {strides = array<i32>} : memref<9x128xi32, #tpu.memory_space<vmem>>, vector<1x16xi32>,
    %get3A_1300 = arith.constant 8 : i32
    %get3A_1301 = arith.index_cast %get3A_1300 : i32 to index
    %get3A_1302 = arith.constant 16 : index
    %get3A_1303 = tpu.vector_load %arg6[%get3A_1301, %get3A_1302] {strides = array<i32>} : memref<16x128xi32, #tpu.memory_space<vmem>>, vector<1x16xi32>,
    %get3A_1304 = vector.shape_cast %get3A_1303 : vector<1x16xi32> to vector<16xi32>
    %add3A_1305 = arith.constant 16 : i32
    %add3A_1306 = arith.addi %mul3A_2, %add3A_1305 : i32
    %iota3A_1307 = tpu.iota {dimensions = array<i32: 0>} : vector<16xi32>
    %add3A_1308 = vector.broadcast %add3A_1306 : i32 to vector<16xi32>
    %add3A_1309 = arith.addi %add3A_1308, %iota3A_1307 : vector<16xi32>
    %mul3A_1310 = arith.constant 4096 : i32
    %mul3A_1311 = vector.broadcast %mul3A_1310 : i32 to vector<16xi32>
    %mul3A_1312 = arith.muli %get3A_1304, %mul3A_1311 : vector<16xi32>
    %add3A_1313 = arith.addi %mul3A_1312, %add3A_1309 : vector<16xi32>
    %swap3A_1314 = arith.constant 8 : i32
    %swap3A_1315 = arith.index_cast %swap3A_1314 : i32 to index
    %swap3A_1316 = arith.constant 16 : index
    %swap3A_1317 = tpu.vector_load %arg8[%swap3A_1315, %swap3A_1316] {strides = array<i32>} : memref<9x128xi32, #tpu.memory_space<vmem>>, vector<1x16xi32>,
    %swap3A_1318 = vector.shape_cast %swap3A_1317 : vector<1x16xi32> to vector<16xi32>
    %swap3A_1319 = vector.shape_cast %add3A_1313 : vector<16xi32> to vector<1x16xi32>
    tpu.vector_store %arg8[%swap3A_1315, %swap3A_1316], %swap3A_1319 {strides = array<i32>} : memref<9x128xi32, #tpu.memory_space<vmem>>, vector<1x16xi32>,
    %get3A_1320 = arith.constant 8 : i32
    %get3A_1321 = arith.index_cast %get3A_1320 : i32 to index
    %get3A_1322 = arith.constant 32 : index
    %get3A_1323 = tpu.vector_load %arg6[%get3A_1321, %get3A_1322] {strides = array<i32>} : memref<16x128xi32, #tpu.memory_space<vmem>>, vector<1x16xi32>,
    %get3A_1324 = vector.shape_cast %get3A_1323 : vector<1x16xi32> to vector<16xi32>
    %add3A_1325 = arith.constant 32 : i32
    %add3A_1326 = arith.addi %mul3A_2, %add3A_1325 : i32
    %iota3A_1327 = tpu.iota {dimensions = array<i32: 0>} : vector<16xi32>
    %add3A_1328 = vector.broadcast %add3A_1326 : i32 to vector<16xi32>
    %add3A_1329 = arith.addi %add3A_1328, %iota3A_1327 : vector<16xi32>
    %mul3A_1330 = arith.constant 4096 : i32
    %mul3A_1331 = vector.broadcast %mul3A_1330 : i32 to vector<16xi32>
    %mul3A_1332 = arith.muli %get3A_1324, %mul3A_1331 : vector<16xi32>
    %add3A_1333 = arith.addi %mul3A_1332, %add3A_1329 : vector<16xi32>
    %swap3A_1334 = arith.constant 8 : i32
    %swap3A_1335 = arith.index_cast %swap3A_1334 : i32 to index
    %swap3A_1336 = arith.constant 32 : index
    %swap3A_1337 = tpu.vector_load %arg8[%swap3A_1335, %swap3A_1336] {strides = array<i32>} : memref<9x128xi32, #tpu.memory_space<vmem>>, vector<1x16xi32>,
    %swap3A_1338 = vector.shape_cast %swap3A_1337 : vector<1x16xi32> to vector<16xi32>
    %swap3A_1339 = vector.shape_cast %add3A_1333 : vector<16xi32> to vector<1x16xi32>
    tpu.vector_store %arg8[%swap3A_1335, %swap3A_1336], %swap3A_1339 {strides = array<i32>} : memref<9x128xi32, #tpu.memory_space<vmem>>, vector<1x16xi32>,
    %get3A_1340 = arith.constant 8 : i32
    %get3A_1341 = arith.index_cast %get3A_1340 : i32 to index
    %get3A_1342 = arith.constant 48 : index
    %get3A_1343 = tpu.vector_load %arg6[%get3A_1341, %get3A_1342] {strides = array<i32>} : memref<16x128xi32, #tpu.memory_space<vmem>>, vector<1x16xi32>,
    %get3A_1344 = vector.shape_cast %get3A_1343 : vector<1x16xi32> to vector<16xi32>
    %add3A_1345 = arith.constant 48 : i32
    %add3A_1346 = arith.addi %mul3A_2, %add3A_1345 : i32
    %iota3A_1347 = tpu.iota {dimensions = array<i32: 0>} : vector<16xi32>
    %add3A_1348 = vector.broadcast %add3A_1346 : i32 to vector<16xi32>
    %add3A_1349 = arith.addi %add3A_1348, %iota3A_1347 : vector<16xi32>
    %mul3A_1350 = arith.constant 4096 : i32
    %mul3A_1351 = vector.broadcast %mul3A_1350 : i32 to vector<16xi32>
    %mul3A_1352 = arith.muli %get3A_1344, %mul3A_1351 : vector<16xi32>
    %add3A_1353 = arith.addi %mul3A_1352, %add3A_1349 : vector<16xi32>
    %swap3A_1354 = arith.constant 8 : i32
    %swap3A_1355 = arith.index_cast %swap3A_1354 : i32 to index
    %swap3A_1356 = arith.constant 48 : index
    %swap3A_1357 = tpu.vector_load %arg8[%swap3A_1355, %swap3A_1356] {strides = array<i32>} : memref<9x128xi32, #tpu.memory_space<vmem>>, vector<1x16xi32>,
    %swap3A_1358 = vector.shape_cast %swap3A_1357 : vector<1x16xi32> to vector<16xi32>
    %swap3A_1359 = vector.shape_cast %add3A_1353 : vector<16xi32> to vector<1x16xi32>
    tpu.vector_store %arg8[%swap3A_1355, %swap3A_1356], %swap3A_1359 {strides = array<i32>} : memref<9x128xi32, #tpu.memory_space<vmem>>, vector<1x16xi32>,
    %get3A_1360 = arith.constant 8 : i32
    %get3A_1361 = arith.index_cast %get3A_1360 : i32 to index
    %get3A_1362 = arith.constant 64 : index
    %get3A_1363 = tpu.vector_load %arg6[%get3A_1361, %get3A_1362] {strides = array<i32>} : memref<16x128xi32, #tpu.memory_space<vmem>>, vector<1x16xi32>,
    %get3A_1364 = vector.shape_cast %get3A_1363 : vector<1x16xi32> to vector<16xi32>
    %add3A_1365 = arith.constant 64 : i32
    %add3A_1366 = arith.addi %mul3A_2, %add3A_1365 : i32
    %iota3A_1367 = tpu.iota {dimensions = array<i32: 0>} : vector<16xi32>
    %add3A_1368 = vector.broadcast %add3A_1366 : i32 to vector<16xi32>
    %add3A_1369 = arith.addi %add3A_1368, %iota3A_1367 : vector<16xi32>
    %mul3A_1370 = arith.constant 4096 : i32
    %mul3A_1371 = vector.broadcast %mul3A_1370 : i32 to vector<16xi32>
    %mul3A_1372 = arith.muli %get3A_1364, %mul3A_1371 : vector<16xi32>
    %add3A_1373 = arith.addi %mul3A_1372, %add3A_1369 : vector<16xi32>
    %swap3A_1374 = arith.constant 8 : i32
    %swap3A_1375 = arith.index_cast %swap3A_1374 : i32 to index
    %swap3A_1376 = arith.constant 64 : index
    %swap3A_1377 = tpu.vector_load %arg8[%swap3A_1375, %swap3A_1376] {strides = array<i32>} : memref<9x128xi32, #tpu.memory_space<vmem>>, vector<1x16xi32>,
    %swap3A_1378 = vector.shape_cast %swap3A_1377 : vector<1x16xi32> to vector<16xi32>
    %swap3A_1379 = vector.shape_cast %add3A_1373 : vector<16xi32> to vector<1x16xi32>
    tpu.vector_store %arg8[%swap3A_1375, %swap3A_1376], %swap3A_1379 {strides = array<i32>} : memref<9x128xi32, #tpu.memory_space<vmem>>, vector<1x16xi32>,
    %get3A_1380 = arith.constant 8 : i32
    %get3A_1381 = arith.index_cast %get3A_1380 : i32 to index
    %get3A_1382 = arith.constant 80 : index
    %get3A_1383 = tpu.vector_load %arg6[%get3A_1381, %get3A_1382] {strides = array<i32>} : memref<16x128xi32, #tpu.memory_space<vmem>>, vector<1x16xi32>,
    %get3A_1384 = vector.shape_cast %get3A_1383 : vector<1x16xi32> to vector<16xi32>
    %add3A_1385 = arith.constant 80 : i32
    %add3A_1386 = arith.addi %mul3A_2, %add3A_1385 : i32
    %iota3A_1387 = tpu.iota {dimensions = array<i32: 0>} : vector<16xi32>
    %add3A_1388 = vector.broadcast %add3A_1386 : i32 to vector<16xi32>
    %add3A_1389 = arith.addi %add3A_1388, %iota3A_1387 : vector<16xi32>
    %mul3A_1390 = arith.constant 4096 : i32
    %mul3A_1391 = vector.broadcast %mul3A_1390 : i32 to vector<16xi32>
    %mul3A_1392 = arith.muli %get3A_1384, %mul3A_1391 : vector<16xi32>
    %add3A_1393 = arith.addi %mul3A_1392, %add3A_1389 : vector<16xi32>
    %swap3A_1394 = arith.constant 8 : i32
    %swap3A_1395 = arith.index_cast %swap3A_1394 : i32 to index
    %swap3A_1396 = arith.constant 80 : index
    %swap3A_1397 = tpu.vector_load %arg8[%swap3A_1395, %swap3A_1396] {strides = array<i32>} : memref<9x128xi32, #tpu.memory_space<vmem>>, vector<1x16xi32>,
    %swap3A_1398 = vector.shape_cast %swap3A_1397 : vector<1x16xi32> to vector<16xi32>
    %swap3A_1399 = vector.shape_cast %add3A_1393 : vector<16xi32> to vector<1x16xi32>
    tpu.vector_store %arg8[%swap3A_1395, %swap3A_1396], %swap3A_1399 {strides = array<i32>} : memref<9x128xi32, #tpu.memory_space<vmem>>, vector<1x16xi32>,
    %get3A_1400 = arith.constant 8 : i32
    %get3A_1401 = arith.index_cast %get3A_1400 : i32 to index
    %get3A_1402 = arith.constant 96 : index
    %get3A_1403 = tpu.vector_load %arg6[%get3A_1401, %get3A_1402] {strides = array<i32>} : memref<16x128xi32, #tpu.memory_space<vmem>>, vector<1x16xi32>,
    %get3A_1404 = vector.shape_cast %get3A_1403 : vector<1x16xi32> to vector<16xi32>
    %add3A_1405 = arith.constant 96 : i32
    %add3A_1406 = arith.addi %mul3A_2, %add3A_1405 : i32
    %iota3A_1407 = tpu.iota {dimensions = array<i32: 0>} : vector<16xi32>
    %add3A_1408 = vector.broadcast %add3A_1406 : i32 to vector<16xi32>
    %add3A_1409 = arith.addi %add3A_1408, %iota3A_1407 : vector<16xi32>
    %mul3A_1410 = arith.constant 4096 : i32
    %mul3A_1411 = vector.broadcast %mul3A_1410 : i32 to vector<16xi32>
    %mul3A_1412 = arith.muli %get3A_1404, %mul3A_1411 : vector<16xi32>
    %add3A_1413 = arith.addi %mul3A_1412, %add3A_1409 : vector<16xi32>
    %swap3A_1414 = arith.constant 8 : i32
    %swap3A_1415 = arith.index_cast %swap3A_1414 : i32 to index
    %swap3A_1416 = arith.constant 96 : index
    %swap3A_1417 = tpu.vector_load %arg8[%swap3A_1415, %swap3A_1416] {strides = array<i32>} : memref<9x128xi32, #tpu.memory_space<vmem>>, vector<1x16xi32>,
    %swap3A_1418 = vector.shape_cast %swap3A_1417 : vector<1x16xi32> to vector<16xi32>
    %swap3A_1419 = vector.shape_cast %add3A_1413 : vector<16xi32> to vector<1x16xi32>
    tpu.vector_store %arg8[%swap3A_1415, %swap3A_1416], %swap3A_1419 {strides = array<i32>} : memref<9x128xi32, #tpu.memory_space<vmem>>, vector<1x16xi32>,
    %get3A_1420 = arith.constant 8 : i32
    %get3A_1421 = arith.index_cast %get3A_1420 : i32 to index
    %get3A_1422 = arith.constant 112 : index
    %get3A_1423 = tpu.vector_load %arg6[%get3A_1421, %get3A_1422] {strides = array<i32>} : memref<16x128xi32, #tpu.memory_space<vmem>>, vector<1x16xi32>,
    %get3A_1424 = vector.shape_cast %get3A_1423 : vector<1x16xi32> to vector<16xi32>
    %add3A_1425 = arith.constant 112 : i32
    %add3A_1426 = arith.addi %mul3A_2, %add3A_1425 : i32
    %iota3A_1427 = tpu.iota {dimensions = array<i32: 0>} : vector<16xi32>
    %add3A_1428 = vector.broadcast %add3A_1426 : i32 to vector<16xi32>
    %add3A_1429 = arith.addi %add3A_1428, %iota3A_1427 : vector<16xi32>
    %mul3A_1430 = arith.constant 4096 : i32
    %mul3A_1431 = vector.broadcast %mul3A_1430 : i32 to vector<16xi32>
    %mul3A_1432 = arith.muli %get3A_1424, %mul3A_1431 : vector<16xi32>
    %add3A_1433 = arith.addi %mul3A_1432, %add3A_1429 : vector<16xi32>
    %swap3A_1434 = arith.constant 8 : i32
    %swap3A_1435 = arith.index_cast %swap3A_1434 : i32 to index
    %swap3A_1436 = arith.constant 112 : index
    %swap3A_1437 = tpu.vector_load %arg8[%swap3A_1435, %swap3A_1436] {strides = array<i32>} : memref<9x128xi32, #tpu.memory_space<vmem>>, vector<1x16xi32>,
    %swap3A_1438 = vector.shape_cast %swap3A_1437 : vector<1x16xi32> to vector<16xi32>
    %swap3A_1439 = vector.shape_cast %add3A_1433 : vector<16xi32> to vector<1x16xi32>
    tpu.vector_store %arg8[%swap3A_1435, %swap3A_1436], %swap3A_1439 {strides = array<i32>} : memref<9x128xi32, #tpu.memory_space<vmem>>, vector<1x16xi32>,
    %dma_start3A = arith.constant 0 : i32
    %dma_start3A_1440 = arith.constant 0 : i32
    %dma_start3A_1441 = arith.constant 0 : i32
    %dma_start3A_1442 = tpu.memref_slice %arg7[%dma_start3A, %dma_start3A_1441] : memref<16x128xf32, #tpu.memory_space<vmem>> -> memref<1x128xf32, #tpu.memory_space<vmem>>
    %dma_start3A_1443 = tpu.memref_squeeze %dma_start3A_1442 : memref<1x128xf32, #tpu.memory_space<vmem>> -> memref<128xf32, #tpu.memory_space<vmem>>
    %dma_start3A_1444 = arith.constant 0 : i32
    %dma_start3A_1445 = tpu.memref_slice %arg8[%dma_start3A_1440, %dma_start3A_1444] : memref<9x128xi32, #tpu.memory_space<vmem>> -> memref<1x128xi32, #tpu.memory_space<vmem>>
    %dma_start3A_1446 = tpu.memref_squeeze %dma_start3A_1445 : memref<1x128xi32, #tpu.memory_space<vmem>> -> memref<128xi32, #tpu.memory_space<vmem>>
    %dma_start3A_1447 = arith.constant 0 : i32
    %dma_start3A_1448 = tpu.memref_slice %arg5[%dma_start3A_1447] : memref<16777216xf32, #tpu.memory_space<hbm>> -> memref<16777216xf32, #tpu.memory_space<hbm>>
    tpu.enqueue_indirect_dma source(%dma_start3A_1443 : memref<128xf32, #tpu.memory_space<vmem>>) target(%dma_start3A_1448 : memref<16777216xf32, #tpu.memory_space<hbm>>) offsets(%dma_start3A_1446 : memref<128xi32, #tpu.memory_space<vmem>>) semaphore(%arg9 : memref<!tpu.dma_semaphore, #tpu.memory_space<semaphore_mem>>)
    %dma_start3A_1449 = arith.constant 1 : i32
    %dma_start3A_1450 = arith.constant 1 : i32
    %dma_start3A_1451 = arith.constant 0 : i32
    %dma_start3A_1452 = tpu.memref_slice %arg7[%dma_start3A_1449, %dma_start3A_1451] : memref<16x128xf32, #tpu.memory_space<vmem>> -> memref<1x128xf32, #tpu.memory_space<vmem>>
    %dma_start3A_1453 = tpu.memref_squeeze %dma_start3A_1452 : memref<1x128xf32, #tpu.memory_space<vmem>> -> memref<128xf32, #tpu.memory_space<vmem>>
    %dma_start3A_1454 = arith.constant 0 : i32
    %dma_start3A_1455 = tpu.memref_slice %arg8[%dma_start3A_1450, %dma_start3A_1454] : memref<9x128xi32, #tpu.memory_space<vmem>> -> memref<1x128xi32, #tpu.memory_space<vmem>>
    %dma_start3A_1456 = tpu.memref_squeeze %dma_start3A_1455 : memref<1x128xi32, #tpu.memory_space<vmem>> -> memref<128xi32, #tpu.memory_space<vmem>>
    %dma_start3A_1457 = arith.constant 0 : i32
    %dma_start3A_1458 = tpu.memref_slice %arg5[%dma_start3A_1457] : memref<16777216xf32, #tpu.memory_space<hbm>> -> memref<16777216xf32, #tpu.memory_space<hbm>>
    tpu.enqueue_indirect_dma source(%dma_start3A_1453 : memref<128xf32, #tpu.memory_space<vmem>>) target(%dma_start3A_1458 : memref<16777216xf32, #tpu.memory_space<hbm>>) offsets(%dma_start3A_1456 : memref<128xi32, #tpu.memory_space<vmem>>) semaphore(%arg9 : memref<!tpu.dma_semaphore, #tpu.memory_space<semaphore_mem>>)
    %dma_start3A_1459 = arith.constant 2 : i32
    %dma_start3A_1460 = arith.constant 2 : i32
    %dma_start3A_1461 = arith.constant 0 : i32
    %dma_start3A_1462 = tpu.memref_slice %arg7[%dma_start3A_1459, %dma_start3A_1461] : memref<16x128xf32, #tpu.memory_space<vmem>> -> memref<1x128xf32, #tpu.memory_space<vmem>>
    %dma_start3A_1463 = tpu.memref_squeeze %dma_start3A_1462 : memref<1x128xf32, #tpu.memory_space<vmem>> -> memref<128xf32, #tpu.memory_space<vmem>>
    %dma_start3A_1464 = arith.constant 0 : i32
    %dma_start3A_1465 = tpu.memref_slice %arg8[%dma_start3A_1460, %dma_start3A_1464] : memref<9x128xi32, #tpu.memory_space<vmem>> -> memref<1x128xi32, #tpu.memory_space<vmem>>
    %dma_start3A_1466 = tpu.memref_squeeze %dma_start3A_1465 : memref<1x128xi32, #tpu.memory_space<vmem>> -> memref<128xi32, #tpu.memory_space<vmem>>
    %dma_start3A_1467 = arith.constant 0 : i32
    %dma_start3A_1468 = tpu.memref_slice %arg5[%dma_start3A_1467] : memref<16777216xf32, #tpu.memory_space<hbm>> -> memref<16777216xf32, #tpu.memory_space<hbm>>
    tpu.enqueue_indirect_dma source(%dma_start3A_1463 : memref<128xf32, #tpu.memory_space<vmem>>) target(%dma_start3A_1468 : memref<16777216xf32, #tpu.memory_space<hbm>>) offsets(%dma_start3A_1466 : memref<128xi32, #tpu.memory_space<vmem>>) semaphore(%arg9 : memref<!tpu.dma_semaphore, #tpu.memory_space<semaphore_mem>>)
    %dma_start3A_1469 = arith.constant 3 : i32
    %dma_start3A_1470 = arith.constant 3 : i32
    %dma_start3A_1471 = arith.constant 0 : i32
    %dma_start3A_1472 = tpu.memref_slice %arg7[%dma_start3A_1469, %dma_start3A_1471] : memref<16x128xf32, #tpu.memory_space<vmem>> -> memref<1x128xf32, #tpu.memory_space<vmem>>
    %dma_start3A_1473 = tpu.memref_squeeze %dma_start3A_1472 : memref<1x128xf32, #tpu.memory_space<vmem>> -> memref<128xf32, #tpu.memory_space<vmem>>
    %dma_start3A_1474 = arith.constant 0 : i32
    %dma_start3A_1475 = tpu.memref_slice %arg8[%dma_start3A_1470, %dma_start3A_1474] : memref<9x128xi32, #tpu.memory_space<vmem>> -> memref<1x128xi32, #tpu.memory_space<vmem>>
    %dma_start3A_1476 = tpu.memref_squeeze %dma_start3A_1475 : memref<1x128xi32, #tpu.memory_space<vmem>> -> memref<128xi32, #tpu.memory_space<vmem>>
    %dma_start3A_1477 = arith.constant 0 : i32
    %dma_start3A_1478 = tpu.memref_slice %arg5[%dma_start3A_1477] : memref<16777216xf32, #tpu.memory_space<hbm>> -> memref<16777216xf32, #tpu.memory_space<hbm>>
    tpu.enqueue_indirect_dma source(%dma_start3A_1473 : memref<128xf32, #tpu.memory_space<vmem>>) target(%dma_start3A_1478 : memref<16777216xf32, #tpu.memory_space<hbm>>) offsets(%dma_start3A_1476 : memref<128xi32, #tpu.memory_space<vmem>>) semaphore(%arg9 : memref<!tpu.dma_semaphore, #tpu.memory_space<semaphore_mem>>)
    %dma_start3A_1479 = arith.constant 4 : i32
    %dma_start3A_1480 = arith.constant 4 : i32
    %dma_start3A_1481 = arith.constant 0 : i32
    %dma_start3A_1482 = tpu.memref_slice %arg7[%dma_start3A_1479, %dma_start3A_1481] : memref<16x128xf32, #tpu.memory_space<vmem>> -> memref<1x128xf32, #tpu.memory_space<vmem>>
    %dma_start3A_1483 = tpu.memref_squeeze %dma_start3A_1482 : memref<1x128xf32, #tpu.memory_space<vmem>> -> memref<128xf32, #tpu.memory_space<vmem>>
    %dma_start3A_1484 = arith.constant 0 : i32
    %dma_start3A_1485 = tpu.memref_slice %arg8[%dma_start3A_1480, %dma_start3A_1484] : memref<9x128xi32, #tpu.memory_space<vmem>> -> memref<1x128xi32, #tpu.memory_space<vmem>>
    %dma_start3A_1486 = tpu.memref_squeeze %dma_start3A_1485 : memref<1x128xi32, #tpu.memory_space<vmem>> -> memref<128xi32, #tpu.memory_space<vmem>>
    %dma_start3A_1487 = arith.constant 0 : i32
    %dma_start3A_1488 = tpu.memref_slice %arg5[%dma_start3A_1487] : memref<16777216xf32, #tpu.memory_space<hbm>> -> memref<16777216xf32, #tpu.memory_space<hbm>>
    tpu.enqueue_indirect_dma source(%dma_start3A_1483 : memref<128xf32, #tpu.memory_space<vmem>>) target(%dma_start3A_1488 : memref<16777216xf32, #tpu.memory_space<hbm>>) offsets(%dma_start3A_1486 : memref<128xi32, #tpu.memory_space<vmem>>) semaphore(%arg9 : memref<!tpu.dma_semaphore, #tpu.memory_space<semaphore_mem>>)
    %dma_start3A_1489 = arith.constant 5 : i32
    %dma_start3A_1490 = arith.constant 5 : i32
    %dma_start3A_1491 = arith.constant 0 : i32
    %dma_start3A_1492 = tpu.memref_slice %arg7[%dma_start3A_1489, %dma_start3A_1491] : memref<16x128xf32, #tpu.memory_space<vmem>> -> memref<1x128xf32, #tpu.memory_space<vmem>>
    %dma_start3A_1493 = tpu.memref_squeeze %dma_start3A_1492 : memref<1x128xf32, #tpu.memory_space<vmem>> -> memref<128xf32, #tpu.memory_space<vmem>>
    %dma_start3A_1494 = arith.constant 0 : i32
    %dma_start3A_1495 = tpu.memref_slice %arg8[%dma_start3A_1490, %dma_start3A_1494] : memref<9x128xi32, #tpu.memory_space<vmem>> -> memref<1x128xi32, #tpu.memory_space<vmem>>
    %dma_start3A_1496 = tpu.memref_squeeze %dma_start3A_1495 : memref<1x128xi32, #tpu.memory_space<vmem>> -> memref<128xi32, #tpu.memory_space<vmem>>
    %dma_start3A_1497 = arith.constant 0 : i32
    %dma_start3A_1498 = tpu.memref_slice %arg5[%dma_start3A_1497] : memref<16777216xf32, #tpu.memory_space<hbm>> -> memref<16777216xf32, #tpu.memory_space<hbm>>
    tpu.enqueue_indirect_dma source(%dma_start3A_1493 : memref<128xf32, #tpu.memory_space<vmem>>) target(%dma_start3A_1498 : memref<16777216xf32, #tpu.memory_space<hbm>>) offsets(%dma_start3A_1496 : memref<128xi32, #tpu.memory_space<vmem>>) semaphore(%arg9 : memref<!tpu.dma_semaphore, #tpu.memory_space<semaphore_mem>>)
    %dma_start3A_1499 = arith.constant 6 : i32
    %dma_start3A_1500 = arith.constant 6 : i32
    %dma_start3A_1501 = arith.constant 0 : i32
    %dma_start3A_1502 = tpu.memref_slice %arg7[%dma_start3A_1499, %dma_start3A_1501] : memref<16x128xf32, #tpu.memory_space<vmem>> -> memref<1x128xf32, #tpu.memory_space<vmem>>
    %dma_start3A_1503 = tpu.memref_squeeze %dma_start3A_1502 : memref<1x128xf32, #tpu.memory_space<vmem>> -> memref<128xf32, #tpu.memory_space<vmem>>
    %dma_start3A_1504 = arith.constant 0 : i32
    %dma_start3A_1505 = tpu.memref_slice %arg8[%dma_start3A_1500, %dma_start3A_1504] : memref<9x128xi32, #tpu.memory_space<vmem>> -> memref<1x128xi32, #tpu.memory_space<vmem>>
    %dma_start3A_1506 = tpu.memref_squeeze %dma_start3A_1505 : memref<1x128xi32, #tpu.memory_space<vmem>> -> memref<128xi32, #tpu.memory_space<vmem>>
    %dma_start3A_1507 = arith.constant 0 : i32
    %dma_start3A_1508 = tpu.memref_slice %arg5[%dma_start3A_1507] : memref<16777216xf32, #tpu.memory_space<hbm>> -> memref<16777216xf32, #tpu.memory_space<hbm>>
    tpu.enqueue_indirect_dma source(%dma_start3A_1503 : memref<128xf32, #tpu.memory_space<vmem>>) target(%dma_start3A_1508 : memref<16777216xf32, #tpu.memory_space<hbm>>) offsets(%dma_start3A_1506 : memref<128xi32, #tpu.memory_space<vmem>>) semaphore(%arg9 : memref<!tpu.dma_semaphore, #tpu.memory_space<semaphore_mem>>)
    %dma_start3A_1509 = arith.constant 7 : i32
    %dma_start3A_1510 = arith.constant 7 : i32
    %dma_start3A_1511 = arith.constant 0 : i32
    %dma_start3A_1512 = tpu.memref_slice %arg7[%dma_start3A_1509, %dma_start3A_1511] : memref<16x128xf32, #tpu.memory_space<vmem>> -> memref<1x128xf32, #tpu.memory_space<vmem>>
    %dma_start3A_1513 = tpu.memref_squeeze %dma_start3A_1512 : memref<1x128xf32, #tpu.memory_space<vmem>> -> memref<128xf32, #tpu.memory_space<vmem>>
    %dma_start3A_1514 = arith.constant 0 : i32
    %dma_start3A_1515 = tpu.memref_slice %arg8[%dma_start3A_1510, %dma_start3A_1514] : memref<9x128xi32, #tpu.memory_space<vmem>> -> memref<1x128xi32, #tpu.memory_space<vmem>>
    %dma_start3A_1516 = tpu.memref_squeeze %dma_start3A_1515 : memref<1x128xi32, #tpu.memory_space<vmem>> -> memref<128xi32, #tpu.memory_space<vmem>>
    %dma_start3A_1517 = arith.constant 0 : i32
    %dma_start3A_1518 = tpu.memref_slice %arg5[%dma_start3A_1517] : memref<16777216xf32, #tpu.memory_space<hbm>> -> memref<16777216xf32, #tpu.memory_space<hbm>>
    tpu.enqueue_indirect_dma source(%dma_start3A_1513 : memref<128xf32, #tpu.memory_space<vmem>>) target(%dma_start3A_1518 : memref<16777216xf32, #tpu.memory_space<hbm>>) offsets(%dma_start3A_1516 : memref<128xi32, #tpu.memory_space<vmem>>) semaphore(%arg9 : memref<!tpu.dma_semaphore, #tpu.memory_space<semaphore_mem>>)
    %dma_start3A_1519 = arith.constant 8 : i32
    %dma_start3A_1520 = arith.constant 8 : i32
    %dma_start3A_1521 = arith.constant 0 : i32
    %dma_start3A_1522 = tpu.memref_slice %arg7[%dma_start3A_1519, %dma_start3A_1521] : memref<16x128xf32, #tpu.memory_space<vmem>> -> memref<1x128xf32, #tpu.memory_space<vmem>>
    %dma_start3A_1523 = tpu.memref_squeeze %dma_start3A_1522 : memref<1x128xf32, #tpu.memory_space<vmem>> -> memref<128xf32, #tpu.memory_space<vmem>>
    %dma_start3A_1524 = arith.constant 0 : i32
    %dma_start3A_1525 = tpu.memref_slice %arg8[%dma_start3A_1520, %dma_start3A_1524] : memref<9x128xi32, #tpu.memory_space<vmem>> -> memref<1x128xi32, #tpu.memory_space<vmem>>
    %dma_start3A_1526 = tpu.memref_squeeze %dma_start3A_1525 : memref<1x128xi32, #tpu.memory_space<vmem>> -> memref<128xi32, #tpu.memory_space<vmem>>
    %dma_start3A_1527 = arith.constant 0 : i32
    %dma_start3A_1528 = tpu.memref_slice %arg5[%dma_start3A_1527] : memref<16777216xf32, #tpu.memory_space<hbm>> -> memref<16777216xf32, #tpu.memory_space<hbm>>
    tpu.enqueue_indirect_dma source(%dma_start3A_1523 : memref<128xf32, #tpu.memory_space<vmem>>) target(%dma_start3A_1528 : memref<16777216xf32, #tpu.memory_space<hbm>>) offsets(%dma_start3A_1526 : memref<128xi32, #tpu.memory_space<vmem>>) semaphore(%arg9 : memref<!tpu.dma_semaphore, #tpu.memory_space<semaphore_mem>>)
    %dma_wait3A = arith.constant 0 : i32
    %dma_wait3A_1529 = arith.constant 0 : i32
    %dma_wait3A_1530 = arith.constant 0 : i32
    %dma_wait3A_1531 = tpu.memref_slice %arg7[%dma_wait3A, %dma_wait3A_1530] : memref<16x128xf32, #tpu.memory_space<vmem>> -> memref<1x128xf32, #tpu.memory_space<vmem>>
    %dma_wait3A_1532 = tpu.memref_squeeze %dma_wait3A_1531 : memref<1x128xf32, #tpu.memory_space<vmem>> -> memref<128xf32, #tpu.memory_space<vmem>>
    %dma_wait3A_1533 = arith.constant 0 : i32
    %dma_wait3A_1534 = tpu.memref_slice %arg8[%dma_wait3A_1529, %dma_wait3A_1533] : memref<9x128xi32, #tpu.memory_space<vmem>> -> memref<1x128xi32, #tpu.memory_space<vmem>>
    %dma_wait3A_1535 = tpu.memref_squeeze %dma_wait3A_1534 : memref<1x128xi32, #tpu.memory_space<vmem>> -> memref<128xi32, #tpu.memory_space<vmem>>
    %dma_wait3A_1536 = arith.constant 0 : i32
    %dma_wait3A_1537 = tpu.memref_slice %arg5[%dma_wait3A_1536] : memref<16777216xf32, #tpu.memory_space<hbm>> -> memref<16777216xf32, #tpu.memory_space<hbm>>
    tpu.wait_indirect_dma semaphore(%arg9 : memref<!tpu.dma_semaphore, #tpu.memory_space<semaphore_mem>>) src(%dma_wait3A_1532 : memref<128xf32, #tpu.memory_space<vmem>>) dst(%dma_wait3A_1537 : memref<16777216xf32, #tpu.memory_space<hbm>>)
    %dma_wait3A_1538 = arith.constant 1 : i32
    %dma_wait3A_1539 = arith.constant 1 : i32
    %dma_wait3A_1540 = arith.constant 0 : i32
    %dma_wait3A_1541 = tpu.memref_slice %arg7[%dma_wait3A_1538, %dma_wait3A_1540] : memref<16x128xf32, #tpu.memory_space<vmem>> -> memref<1x128xf32, #tpu.memory_space<vmem>>
    %dma_wait3A_1542 = tpu.memref_squeeze %dma_wait3A_1541 : memref<1x128xf32, #tpu.memory_space<vmem>> -> memref<128xf32, #tpu.memory_space<vmem>>
    %dma_wait3A_1543 = arith.constant 0 : i32
    %dma_wait3A_1544 = tpu.memref_slice %arg8[%dma_wait3A_1539, %dma_wait3A_1543] : memref<9x128xi32, #tpu.memory_space<vmem>> -> memref<1x128xi32, #tpu.memory_space<vmem>>
    %dma_wait3A_1545 = tpu.memref_squeeze %dma_wait3A_1544 : memref<1x128xi32, #tpu.memory_space<vmem>> -> memref<128xi32, #tpu.memory_space<vmem>>
    %dma_wait3A_1546 = arith.constant 0 : i32
    %dma_wait3A_1547 = tpu.memref_slice %arg5[%dma_wait3A_1546] : memref<16777216xf32, #tpu.memory_space<hbm>> -> memref<16777216xf32, #tpu.memory_space<hbm>>
    tpu.wait_indirect_dma semaphore(%arg9 : memref<!tpu.dma_semaphore, #tpu.memory_space<semaphore_mem>>) src(%dma_wait3A_1542 : memref<128xf32, #tpu.memory_space<vmem>>) dst(%dma_wait3A_1547 : memref<16777216xf32, #tpu.memory_space<hbm>>)
    %dma_wait3A_1548 = arith.constant 2 : i32
    %dma_wait3A_1549 = arith.constant 2 : i32
    %dma_wait3A_1550 = arith.constant 0 : i32
    %dma_wait3A_1551 = tpu.memref_slice %arg7[%dma_wait3A_1548, %dma_wait3A_1550] : memref<16x128xf32, #tpu.memory_space<vmem>> -> memref<1x128xf32, #tpu.memory_space<vmem>>
    %dma_wait3A_1552 = tpu.memref_squeeze %dma_wait3A_1551 : memref<1x128xf32, #tpu.memory_space<vmem>> -> memref<128xf32, #tpu.memory_space<vmem>>
    %dma_wait3A_1553 = arith.constant 0 : i32
    %dma_wait3A_1554 = tpu.memref_slice %arg8[%dma_wait3A_1549, %dma_wait3A_1553] : memref<9x128xi32, #tpu.memory_space<vmem>> -> memref<1x128xi32, #tpu.memory_space<vmem>>
    %dma_wait3A_1555 = tpu.memref_squeeze %dma_wait3A_1554 : memref<1x128xi32, #tpu.memory_space<vmem>> -> memref<128xi32, #tpu.memory_space<vmem>>
    %dma_wait3A_1556 = arith.constant 0 : i32
    %dma_wait3A_1557 = tpu.memref_slice %arg5[%dma_wait3A_1556] : memref<16777216xf32, #tpu.memory_space<hbm>> -> memref<16777216xf32, #tpu.memory_space<hbm>>
    tpu.wait_indirect_dma semaphore(%arg9 : memref<!tpu.dma_semaphore, #tpu.memory_space<semaphore_mem>>) src(%dma_wait3A_1552 : memref<128xf32, #tpu.memory_space<vmem>>) dst(%dma_wait3A_1557 : memref<16777216xf32, #tpu.memory_space<hbm>>)
    %dma_wait3A_1558 = arith.constant 3 : i32
    %dma_wait3A_1559 = arith.constant 3 : i32
    %dma_wait3A_1560 = arith.constant 0 : i32
    %dma_wait3A_1561 = tpu.memref_slice %arg7[%dma_wait3A_1558, %dma_wait3A_1560] : memref<16x128xf32, #tpu.memory_space<vmem>> -> memref<1x128xf32, #tpu.memory_space<vmem>>
    %dma_wait3A_1562 = tpu.memref_squeeze %dma_wait3A_1561 : memref<1x128xf32, #tpu.memory_space<vmem>> -> memref<128xf32, #tpu.memory_space<vmem>>
    %dma_wait3A_1563 = arith.constant 0 : i32
    %dma_wait3A_1564 = tpu.memref_slice %arg8[%dma_wait3A_1559, %dma_wait3A_1563] : memref<9x128xi32, #tpu.memory_space<vmem>> -> memref<1x128xi32, #tpu.memory_space<vmem>>
    %dma_wait3A_1565 = tpu.memref_squeeze %dma_wait3A_1564 : memref<1x128xi32, #tpu.memory_space<vmem>> -> memref<128xi32, #tpu.memory_space<vmem>>
    %dma_wait3A_1566 = arith.constant 0 : i32
    %dma_wait3A_1567 = tpu.memref_slice %arg5[%dma_wait3A_1566] : memref<16777216xf32, #tpu.memory_space<hbm>> -> memref<16777216xf32, #tpu.memory_space<hbm>>
    tpu.wait_indirect_dma semaphore(%arg9 : memref<!tpu.dma_semaphore, #tpu.memory_space<semaphore_mem>>) src(%dma_wait3A_1562 : memref<128xf32, #tpu.memory_space<vmem>>) dst(%dma_wait3A_1567 : memref<16777216xf32, #tpu.memory_space<hbm>>)
    %dma_wait3A_1568 = arith.constant 4 : i32
    %dma_wait3A_1569 = arith.constant 4 : i32
    %dma_wait3A_1570 = arith.constant 0 : i32
    %dma_wait3A_1571 = tpu.memref_slice %arg7[%dma_wait3A_1568, %dma_wait3A_1570] : memref<16x128xf32, #tpu.memory_space<vmem>> -> memref<1x128xf32, #tpu.memory_space<vmem>>
    %dma_wait3A_1572 = tpu.memref_squeeze %dma_wait3A_1571 : memref<1x128xf32, #tpu.memory_space<vmem>> -> memref<128xf32, #tpu.memory_space<vmem>>
    %dma_wait3A_1573 = arith.constant 0 : i32
    %dma_wait3A_1574 = tpu.memref_slice %arg8[%dma_wait3A_1569, %dma_wait3A_1573] : memref<9x128xi32, #tpu.memory_space<vmem>> -> memref<1x128xi32, #tpu.memory_space<vmem>>
    %dma_wait3A_1575 = tpu.memref_squeeze %dma_wait3A_1574 : memref<1x128xi32, #tpu.memory_space<vmem>> -> memref<128xi32, #tpu.memory_space<vmem>>
    %dma_wait3A_1576 = arith.constant 0 : i32
    %dma_wait3A_1577 = tpu.memref_slice %arg5[%dma_wait3A_1576] : memref<16777216xf32, #tpu.memory_space<hbm>> -> memref<16777216xf32, #tpu.memory_space<hbm>>
    tpu.wait_indirect_dma semaphore(%arg9 : memref<!tpu.dma_semaphore, #tpu.memory_space<semaphore_mem>>) src(%dma_wait3A_1572 : memref<128xf32, #tpu.memory_space<vmem>>) dst(%dma_wait3A_1577 : memref<16777216xf32, #tpu.memory_space<hbm>>)
    %dma_wait3A_1578 = arith.constant 5 : i32
    %dma_wait3A_1579 = arith.constant 5 : i32
    %dma_wait3A_1580 = arith.constant 0 : i32
    %dma_wait3A_1581 = tpu.memref_slice %arg7[%dma_wait3A_1578, %dma_wait3A_1580] : memref<16x128xf32, #tpu.memory_space<vmem>> -> memref<1x128xf32, #tpu.memory_space<vmem>>
    %dma_wait3A_1582 = tpu.memref_squeeze %dma_wait3A_1581 : memref<1x128xf32, #tpu.memory_space<vmem>> -> memref<128xf32, #tpu.memory_space<vmem>>
    %dma_wait3A_1583 = arith.constant 0 : i32
    %dma_wait3A_1584 = tpu.memref_slice %arg8[%dma_wait3A_1579, %dma_wait3A_1583] : memref<9x128xi32, #tpu.memory_space<vmem>> -> memref<1x128xi32, #tpu.memory_space<vmem>>
    %dma_wait3A_1585 = tpu.memref_squeeze %dma_wait3A_1584 : memref<1x128xi32, #tpu.memory_space<vmem>> -> memref<128xi32, #tpu.memory_space<vmem>>
    %dma_wait3A_1586 = arith.constant 0 : i32
    %dma_wait3A_1587 = tpu.memref_slice %arg5[%dma_wait3A_1586] : memref<16777216xf32, #tpu.memory_space<hbm>> -> memref<16777216xf32, #tpu.memory_space<hbm>>
    tpu.wait_indirect_dma semaphore(%arg9 : memref<!tpu.dma_semaphore, #tpu.memory_space<semaphore_mem>>) src(%dma_wait3A_1582 : memref<128xf32, #tpu.memory_space<vmem>>) dst(%dma_wait3A_1587 : memref<16777216xf32, #tpu.memory_space<hbm>>)
    %dma_wait3A_1588 = arith.constant 6 : i32
    %dma_wait3A_1589 = arith.constant 6 : i32
    %dma_wait3A_1590 = arith.constant 0 : i32
    %dma_wait3A_1591 = tpu.memref_slice %arg7[%dma_wait3A_1588, %dma_wait3A_1590] : memref<16x128xf32, #tpu.memory_space<vmem>> -> memref<1x128xf32, #tpu.memory_space<vmem>>
    %dma_wait3A_1592 = tpu.memref_squeeze %dma_wait3A_1591 : memref<1x128xf32, #tpu.memory_space<vmem>> -> memref<128xf32, #tpu.memory_space<vmem>>
    %dma_wait3A_1593 = arith.constant 0 : i32
    %dma_wait3A_1594 = tpu.memref_slice %arg8[%dma_wait3A_1589, %dma_wait3A_1593] : memref<9x128xi32, #tpu.memory_space<vmem>> -> memref<1x128xi32, #tpu.memory_space<vmem>>
    %dma_wait3A_1595 = tpu.memref_squeeze %dma_wait3A_1594 : memref<1x128xi32, #tpu.memory_space<vmem>> -> memref<128xi32, #tpu.memory_space<vmem>>
    %dma_wait3A_1596 = arith.constant 0 : i32
    %dma_wait3A_1597 = tpu.memref_slice %arg5[%dma_wait3A_1596] : memref<16777216xf32, #tpu.memory_space<hbm>> -> memref<16777216xf32, #tpu.memory_space<hbm>>
    tpu.wait_indirect_dma semaphore(%arg9 : memref<!tpu.dma_semaphore, #tpu.memory_space<semaphore_mem>>) src(%dma_wait3A_1592 : memref<128xf32, #tpu.memory_space<vmem>>) dst(%dma_wait3A_1597 : memref<16777216xf32, #tpu.memory_space<hbm>>)
    %dma_wait3A_1598 = arith.constant 7 : i32
    %dma_wait3A_1599 = arith.constant 7 : i32
    %dma_wait3A_1600 = arith.constant 0 : i32
    %dma_wait3A_1601 = tpu.memref_slice %arg7[%dma_wait3A_1598, %dma_wait3A_1600] : memref<16x128xf32, #tpu.memory_space<vmem>> -> memref<1x128xf32, #tpu.memory_space<vmem>>
    %dma_wait3A_1602 = tpu.memref_squeeze %dma_wait3A_1601 : memref<1x128xf32, #tpu.memory_space<vmem>> -> memref<128xf32, #tpu.memory_space<vmem>>
    %dma_wait3A_1603 = arith.constant 0 : i32
    %dma_wait3A_1604 = tpu.memref_slice %arg8[%dma_wait3A_1599, %dma_wait3A_1603] : memref<9x128xi32, #tpu.memory_space<vmem>> -> memref<1x128xi32, #tpu.memory_space<vmem>>
    %dma_wait3A_1605 = tpu.memref_squeeze %dma_wait3A_1604 : memref<1x128xi32, #tpu.memory_space<vmem>> -> memref<128xi32, #tpu.memory_space<vmem>>
    %dma_wait3A_1606 = arith.constant 0 : i32
    %dma_wait3A_1607 = tpu.memref_slice %arg5[%dma_wait3A_1606] : memref<16777216xf32, #tpu.memory_space<hbm>> -> memref<16777216xf32, #tpu.memory_space<hbm>>
    tpu.wait_indirect_dma semaphore(%arg9 : memref<!tpu.dma_semaphore, #tpu.memory_space<semaphore_mem>>) src(%dma_wait3A_1602 : memref<128xf32, #tpu.memory_space<vmem>>) dst(%dma_wait3A_1607 : memref<16777216xf32, #tpu.memory_space<hbm>>)
    %dma_wait3A_1608 = arith.constant 8 : i32
    %dma_wait3A_1609 = arith.constant 8 : i32
    %dma_wait3A_1610 = arith.constant 0 : i32
    %dma_wait3A_1611 = tpu.memref_slice %arg7[%dma_wait3A_1608, %dma_wait3A_1610] : memref<16x128xf32, #tpu.memory_space<vmem>> -> memref<1x128xf32, #tpu.memory_space<vmem>>
    %dma_wait3A_1612 = tpu.memref_squeeze %dma_wait3A_1611 : memref<1x128xf32, #tpu.memory_space<vmem>> -> memref<128xf32, #tpu.memory_space<vmem>>
    %dma_wait3A_1613 = arith.constant 0 : i32
    %dma_wait3A_1614 = tpu.memref_slice %arg8[%dma_wait3A_1609, %dma_wait3A_1613] : memref<9x128xi32, #tpu.memory_space<vmem>> -> memref<1x128xi32, #tpu.memory_space<vmem>>
    %dma_wait3A_1615 = tpu.memref_squeeze %dma_wait3A_1614 : memref<1x128xi32, #tpu.memory_space<vmem>> -> memref<128xi32, #tpu.memory_space<vmem>>
    %dma_wait3A_1616 = arith.constant 0 : i32
    %dma_wait3A_1617 = tpu.memref_slice %arg5[%dma_wait3A_1616] : memref<16777216xf32, #tpu.memory_space<hbm>> -> memref<16777216xf32, #tpu.memory_space<hbm>>
    tpu.wait_indirect_dma semaphore(%arg9 : memref<!tpu.dma_semaphore, #tpu.memory_space<semaphore_mem>>) src(%dma_wait3A_1612 : memref<128xf32, #tpu.memory_space<vmem>>) dst(%dma_wait3A_1617 : memref<16777216xf32, #tpu.memory_space<hbm>>)
    return
  }
}

module attributes {stable_mosaic.version = 14 : i64} {
  func.func @_fused_body(%arg0: i32, %arg1: memref<512x512xf32, #tpu.memory_space<vmem>>, %arg2: memref<512x256xf32, #tpu.memory_space<vmem>>, %arg3: memref<512x128xf32, #tpu.memory_space<vmem>>, %arg4: memref<512x128xf32, #tpu.memory_space<vmem>>, %arg5: memref<256x128xf32, #tpu.memory_space<vmem>>, %arg6: memref<128x128xf32, #tpu.memory_space<vmem>>, %arg7: memref<1x128xf32, #tpu.memory_space<vmem>>, %arg8: memref<1x128xf32, #tpu.memory_space<vmem>>, %arg9: memref<1x128xf32, #tpu.memory_space<vmem>>, %arg10: memref<1x128xf32, #tpu.memory_space<vmem>>, %arg11: memref<1x128xf32, #tpu.memory_space<vmem>>, %arg12: memref<1x128xf32, #tpu.memory_space<vmem>>, %arg13: memref<1x128xf32, #tpu.memory_space<vmem>>, %arg14: memref<1x128xf32, #tpu.memory_space<vmem>>, %arg15: memref<1x128xf32, #tpu.memory_space<vmem>>, %arg16: memref<128x384xf32, #tpu.memory_space<vmem>>, %arg17: memref<1x384xf32, #tpu.memory_space<vmem>>, %arg18: memref<128x128xf32, #tpu.memory_space<vmem>>, %arg19: memref<1x128xf32, #tpu.memory_space<vmem>>, %arg20: memref<128x64xf32, #tpu.memory_space<vmem>>, %arg21: memref<1x64xf32, #tpu.memory_space<vmem>>, %arg22: memref<64x1xf32, #tpu.memory_space<vmem>>, %arg23: memref<1x1xf32, #tpu.memory_space<vmem>>, %arg24: memref<128x4xf32, #tpu.memory_space<vmem>>, %arg25: memref<4x128xf32, #tpu.memory_space<vmem>>, %arg26: memref<512x128xf32, #tpu.memory_space<vmem>>, %arg27: memref<128x512xf32, #tpu.memory_space<vmem>>, %arg28: memref<512x1xf32, #tpu.memory_space<vmem>>) attributes {dimension_semantics = [#tpu.dimension_semantics<arbitrary>], iteration_bounds = array<i64: 8>, scalar_prefetch = 0 : i64, scratch_operands = 0 : i64, tpu.core_type = #tpu.core_type<tc>, window_params = [{transform_indices = @transform_0, window_bounds = array<i64: 512, 512>}, {transform_indices = @transform_1, window_bounds = array<i64: 512, 256>}, {transform_indices = @transform_2, window_bounds = array<i64: 512, 128>}, {pipeline_mode = #tpu.pipeline_mode<synchronous>, transform_indices = @transform_3, window_bounds = array<i64: 512, 128>}, {pipeline_mode = #tpu.pipeline_mode<synchronous>, transform_indices = @transform_4, window_bounds = array<i64: 256, 128>}, {pipeline_mode = #tpu.pipeline_mode<synchronous>, transform_indices = @transform_5, window_bounds = array<i64: 128, 128>}, {pipeline_mode = #tpu.pipeline_mode<synchronous>, transform_indices = @transform_6, window_bounds = array<i64: 1, 128>}, {pipeline_mode = #tpu.pipeline_mode<synchronous>, transform_indices = @transform_7, window_bounds = array<i64: 1, 128>}, {pipeline_mode = #tpu.pipeline_mode<synchronous>, transform_indices = @transform_8, window_bounds = array<i64: 1, 128>}, {pipeline_mode = #tpu.pipeline_mode<synchronous>, transform_indices = @transform_9, window_bounds = array<i64: 1, 128>}, {pipeline_mode = #tpu.pipeline_mode<synchronous>, transform_indices = @transform_10, window_bounds = array<i64: 1, 128>}, {pipeline_mode = #tpu.pipeline_mode<synchronous>, transform_indices = @transform_11, window_bounds = array<i64: 1, 128>}, {pipeline_mode = #tpu.pipeline_mode<synchronous>, transform_indices = @transform_12, window_bounds = array<i64: 1, 128>}, {pipeline_mode = #tpu.pipeline_mode<synchronous>, transform_indices = @transform_13, window_bounds = array<i64: 1, 128>}, {pipeline_mode = #tpu.pipeline_mode<synchronous>, transform_indices = @transform_14, window_bounds = array<i64: 1, 128>}, {pipeline_mode = #tpu.pipeline_mode<synchronous>, transform_indices = @transform_15, window_bounds = array<i64: 128, 384>}, {pipeline_mode = #tpu.pipeline_mode<synchronous>, transform_indices = @transform_16, window_bounds = array<i64: 1, 384>}, {pipeline_mode = #tpu.pipeline_mode<synchronous>, transform_indices = @transform_17, window_bounds = array<i64: 128, 128>}, {pipeline_mode = #tpu.pipeline_mode<synchronous>, transform_indices = @transform_18, window_bounds = array<i64: 1, 128>}, {pipeline_mode = #tpu.pipeline_mode<synchronous>, transform_indices = @transform_19, window_bounds = array<i64: 128, 64>}, {pipeline_mode = #tpu.pipeline_mode<synchronous>, transform_indices = @transform_20, window_bounds = array<i64: 1, 64>}, {pipeline_mode = #tpu.pipeline_mode<synchronous>, transform_indices = @transform_21, window_bounds = array<i64: 64, 1>}, {pipeline_mode = #tpu.pipeline_mode<synchronous>, transform_indices = @transform_22, window_bounds = array<i64: 1, 1>}, {pipeline_mode = #tpu.pipeline_mode<synchronous>, transform_indices = @transform_23, window_bounds = array<i64: 128, 4>}, {pipeline_mode = #tpu.pipeline_mode<synchronous>, transform_indices = @transform_24, window_bounds = array<i64: 4, 128>}, {transform_indices = @transform_25, window_bounds = array<i64: 512, 128>}, {transform_indices = @transform_26, window_bounds = array<i64: 128, 512>}, {transform_indices = @transform_27, window_bounds = array<i64: 512, 1>}]} {
    %get3A = arith.constant 0 : index
    %get3A_0 = arith.constant 0 : index
    %get3A_1 = vector.load %arg1[%get3A, %get3A_0] : memref<512x512xf32, #tpu.memory_space<vmem>>, vector<512x512xf32>
    %get3A_2 = arith.constant 0 : index
    %get3A_3 = arith.constant 0 : index
    %get3A_4 = vector.load %arg4[%get3A_2, %get3A_3] : memref<512x128xf32, #tpu.memory_space<vmem>>, vector<512x128xf32>
    %dot_general3A = arith.constant dense<0.000000e+00> : vector<512x128xf32>
    %dot_general3A_5 = tpu.matmul %get3A_1, %get3A_4, %dot_general3A {dimension_numbers = #tpu.dot_dimension_numbers<[1], [0], [0], [1], [0, 0, 1, 1], [], []>, transpose_lhs_hint = false} : vector<512x512xf32>, vector<512x128xf32>, vector<512x128xf32> -> vector<512x128xf32>
    %get3A_6 = arith.constant 0 : index
    %get3A_7 = arith.constant 0 : index
    %get3A_8 = vector.load %arg7[%get3A_6, %get3A_7] : memref<1x128xf32, #tpu.memory_space<vmem>>, vector<1x128xf32>
    %add3A = vector.broadcast %get3A_8 : vector<1x128xf32> to vector<512x128xf32>
    %add3A_9 = arith.addf %dot_general3A_5, %add3A : vector<512x128xf32>
    %max3A = arith.constant 0.000000e+00 : f32
    %max3A_10 = vector.broadcast %max3A : f32 to vector<512x128xf32>
    %max3A_11 = arith.maximumf %add3A_9, %max3A_10 : vector<512x128xf32>
    %reduce_sum3A = arith.constant dense<0.000000e+00> : vector<512xf32>
    %reduce_sum3A_12 = vector.multi_reduction <add>, %max3A_11, %reduce_sum3A [1] : vector<512x128xf32> to vector<512xf32>
    %broadcast_in_dim3A = vector.shape_cast %reduce_sum3A_12 : vector<512xf32> to vector<512x1xf32>
    %mul3A = arith.constant 7.812500e-03 : f32
    %mul3A_13 = vector.broadcast %mul3A : f32 to vector<512x1xf32>
    %mul3A_14 = arith.mulf %broadcast_in_dim3A, %mul3A_13 : vector<512x1xf32>
    %sub3A = vector.broadcast %mul3A_14 : vector<512x1xf32> to vector<512x128xf32>
    %sub3A_15 = arith.subf %max3A_11, %sub3A : vector<512x128xf32>
    %mul3A_16 = arith.mulf %sub3A_15, %sub3A_15 : vector<512x128xf32>
    %reduce_sum3A_17 = arith.constant dense<0.000000e+00> : vector<512xf32>
    %reduce_sum3A_18 = vector.multi_reduction <add>, %mul3A_16, %reduce_sum3A_17 [1] : vector<512x128xf32> to vector<512xf32>
    %broadcast_in_dim3A_19 = vector.shape_cast %reduce_sum3A_18 : vector<512xf32> to vector<512x1xf32>
    %mul3A_20 = arith.constant 7.812500e-03 : f32
    %mul3A_21 = vector.broadcast %mul3A_20 : f32 to vector<512x1xf32>
    %mul3A_22 = arith.mulf %broadcast_in_dim3A_19, %mul3A_21 : vector<512x1xf32>
    %add3A_23 = arith.constant 9.99999974E-6 : f32
    %add3A_24 = vector.broadcast %add3A_23 : f32 to vector<512x1xf32>
    %add3A_25 = arith.addf %mul3A_22, %add3A_24 : vector<512x1xf32>
    %rsqrt3A = math.rsqrt %add3A_25 : vector<512x1xf32>
    %mul3A_26 = vector.broadcast %rsqrt3A : vector<512x1xf32> to vector<512x128xf32>
    %mul3A_27 = arith.mulf %sub3A_15, %mul3A_26 : vector<512x128xf32>
    %get3A_28 = arith.constant 0 : index
    %get3A_29 = arith.constant 0 : index
    %get3A_30 = vector.load %arg10[%get3A_28, %get3A_29] : memref<1x128xf32, #tpu.memory_space<vmem>>, vector<1x128xf32>
    %mul3A_31 = vector.broadcast %get3A_30 : vector<1x128xf32> to vector<512x128xf32>
    %mul3A_32 = arith.mulf %mul3A_27, %mul3A_31 : vector<512x128xf32>
    %get3A_33 = arith.constant 0 : index
    %get3A_34 = arith.constant 0 : index
    %get3A_35 = vector.load %arg11[%get3A_33, %get3A_34] : memref<1x128xf32, #tpu.memory_space<vmem>>, vector<1x128xf32>
    %add3A_36 = vector.broadcast %get3A_35 : vector<1x128xf32> to vector<512x128xf32>
    %add3A_37 = arith.addf %mul3A_32, %add3A_36 : vector<512x128xf32>
    %get3A_38 = arith.constant 0 : index
    %get3A_39 = arith.constant 0 : index
    %get3A_40 = vector.load %arg2[%get3A_38, %get3A_39] : memref<512x256xf32, #tpu.memory_space<vmem>>, vector<512x256xf32>
    %get3A_41 = arith.constant 0 : index
    %get3A_42 = arith.constant 0 : index
    %get3A_43 = vector.load %arg5[%get3A_41, %get3A_42] : memref<256x128xf32, #tpu.memory_space<vmem>>, vector<256x128xf32>
    %dot_general3A_44 = arith.constant dense<0.000000e+00> : vector<512x128xf32>
    %dot_general3A_45 = tpu.matmul %get3A_40, %get3A_43, %dot_general3A_44 {dimension_numbers = #tpu.dot_dimension_numbers<[1], [0], [0], [1], [0, 0, 1, 1], [], []>, transpose_lhs_hint = false} : vector<512x256xf32>, vector<256x128xf32>, vector<512x128xf32> -> vector<512x128xf32>
    %get3A_46 = arith.constant 0 : index
    %get3A_47 = arith.constant 0 : index
    %get3A_48 = vector.load %arg8[%get3A_46, %get3A_47] : memref<1x128xf32, #tpu.memory_space<vmem>>, vector<1x128xf32>
    %add3A_49 = vector.broadcast %get3A_48 : vector<1x128xf32> to vector<512x128xf32>
    %add3A_50 = arith.addf %dot_general3A_45, %add3A_49 : vector<512x128xf32>
    %max3A_51 = arith.constant 0.000000e+00 : f32
    %max3A_52 = vector.broadcast %max3A_51 : f32 to vector<512x128xf32>
    %max3A_53 = arith.maximumf %add3A_50, %max3A_52 : vector<512x128xf32>
    %reduce_sum3A_54 = arith.constant dense<0.000000e+00> : vector<512xf32>
    %reduce_sum3A_55 = vector.multi_reduction <add>, %max3A_53, %reduce_sum3A_54 [1] : vector<512x128xf32> to vector<512xf32>
    %broadcast_in_dim3A_56 = vector.shape_cast %reduce_sum3A_55 : vector<512xf32> to vector<512x1xf32>
    %mul3A_57 = arith.constant 7.812500e-03 : f32
    %mul3A_58 = vector.broadcast %mul3A_57 : f32 to vector<512x1xf32>
    %mul3A_59 = arith.mulf %broadcast_in_dim3A_56, %mul3A_58 : vector<512x1xf32>
    %sub3A_60 = vector.broadcast %mul3A_59 : vector<512x1xf32> to vector<512x128xf32>
    %sub3A_61 = arith.subf %max3A_53, %sub3A_60 : vector<512x128xf32>
    %mul3A_62 = arith.mulf %sub3A_61, %sub3A_61 : vector<512x128xf32>
    %reduce_sum3A_63 = arith.constant dense<0.000000e+00> : vector<512xf32>
    %reduce_sum3A_64 = vector.multi_reduction <add>, %mul3A_62, %reduce_sum3A_63 [1] : vector<512x128xf32> to vector<512xf32>
    %broadcast_in_dim3A_65 = vector.shape_cast %reduce_sum3A_64 : vector<512xf32> to vector<512x1xf32>
    %mul3A_66 = arith.constant 7.812500e-03 : f32
    %mul3A_67 = vector.broadcast %mul3A_66 : f32 to vector<512x1xf32>
    %mul3A_68 = arith.mulf %broadcast_in_dim3A_65, %mul3A_67 : vector<512x1xf32>
    %add3A_69 = arith.constant 9.99999974E-6 : f32
    %add3A_70 = vector.broadcast %add3A_69 : f32 to vector<512x1xf32>
    %add3A_71 = arith.addf %mul3A_68, %add3A_70 : vector<512x1xf32>
    %rsqrt3A_72 = math.rsqrt %add3A_71 : vector<512x1xf32>
    %mul3A_73 = vector.broadcast %rsqrt3A_72 : vector<512x1xf32> to vector<512x128xf32>
    %mul3A_74 = arith.mulf %sub3A_61, %mul3A_73 : vector<512x128xf32>
    %get3A_75 = arith.constant 0 : index
    %get3A_76 = arith.constant 0 : index
    %get3A_77 = vector.load %arg12[%get3A_75, %get3A_76] : memref<1x128xf32, #tpu.memory_space<vmem>>, vector<1x128xf32>
    %mul3A_78 = vector.broadcast %get3A_77 : vector<1x128xf32> to vector<512x128xf32>
    %mul3A_79 = arith.mulf %mul3A_74, %mul3A_78 : vector<512x128xf32>
    %get3A_80 = arith.constant 0 : index
    %get3A_81 = arith.constant 0 : index
    %get3A_82 = vector.load %arg13[%get3A_80, %get3A_81] : memref<1x128xf32, #tpu.memory_space<vmem>>, vector<1x128xf32>
    %add3A_83 = vector.broadcast %get3A_82 : vector<1x128xf32> to vector<512x128xf32>
    %add3A_84 = arith.addf %mul3A_79, %add3A_83 : vector<512x128xf32>
    %get3A_85 = arith.constant 0 : index
    %get3A_86 = arith.constant 0 : index
    %get3A_87 = vector.load %arg3[%get3A_85, %get3A_86] : memref<512x128xf32, #tpu.memory_space<vmem>>, vector<512x128xf32>
    %get3A_88 = arith.constant 0 : index
    %get3A_89 = arith.constant 0 : index
    %get3A_90 = vector.load %arg6[%get3A_88, %get3A_89] : memref<128x128xf32, #tpu.memory_space<vmem>>, vector<128x128xf32>
    %dot_general3A_91 = arith.constant dense<0.000000e+00> : vector<512x128xf32>
    %dot_general3A_92 = tpu.matmul %get3A_87, %get3A_90, %dot_general3A_91 {dimension_numbers = #tpu.dot_dimension_numbers<[1], [0], [0], [1], [0, 0, 1, 1], [], []>, transpose_lhs_hint = false} : vector<512x128xf32>, vector<128x128xf32>, vector<512x128xf32> -> vector<512x128xf32>
    %get3A_93 = arith.constant 0 : index
    %get3A_94 = arith.constant 0 : index
    %get3A_95 = vector.load %arg9[%get3A_93, %get3A_94] : memref<1x128xf32, #tpu.memory_space<vmem>>, vector<1x128xf32>
    %add3A_96 = vector.broadcast %get3A_95 : vector<1x128xf32> to vector<512x128xf32>
    %add3A_97 = arith.addf %dot_general3A_92, %add3A_96 : vector<512x128xf32>
    %max3A_98 = arith.constant 0.000000e+00 : f32
    %max3A_99 = vector.broadcast %max3A_98 : f32 to vector<512x128xf32>
    %max3A_100 = arith.maximumf %add3A_97, %max3A_99 : vector<512x128xf32>
    %reduce_sum3A_101 = arith.constant dense<0.000000e+00> : vector<512xf32>
    %reduce_sum3A_102 = vector.multi_reduction <add>, %max3A_100, %reduce_sum3A_101 [1] : vector<512x128xf32> to vector<512xf32>
    %broadcast_in_dim3A_103 = vector.shape_cast %reduce_sum3A_102 : vector<512xf32> to vector<512x1xf32>
    %mul3A_104 = arith.constant 7.812500e-03 : f32
    %mul3A_105 = vector.broadcast %mul3A_104 : f32 to vector<512x1xf32>
    %mul3A_106 = arith.mulf %broadcast_in_dim3A_103, %mul3A_105 : vector<512x1xf32>
    %sub3A_107 = vector.broadcast %mul3A_106 : vector<512x1xf32> to vector<512x128xf32>
    %sub3A_108 = arith.subf %max3A_100, %sub3A_107 : vector<512x128xf32>
    %mul3A_109 = arith.mulf %sub3A_108, %sub3A_108 : vector<512x128xf32>
    %reduce_sum3A_110 = arith.constant dense<0.000000e+00> : vector<512xf32>
    %reduce_sum3A_111 = vector.multi_reduction <add>, %mul3A_109, %reduce_sum3A_110 [1] : vector<512x128xf32> to vector<512xf32>
    %broadcast_in_dim3A_112 = vector.shape_cast %reduce_sum3A_111 : vector<512xf32> to vector<512x1xf32>
    %mul3A_113 = arith.constant 7.812500e-03 : f32
    %mul3A_114 = vector.broadcast %mul3A_113 : f32 to vector<512x1xf32>
    %mul3A_115 = arith.mulf %broadcast_in_dim3A_112, %mul3A_114 : vector<512x1xf32>
    %add3A_116 = arith.constant 9.99999974E-6 : f32
    %add3A_117 = vector.broadcast %add3A_116 : f32 to vector<512x1xf32>
    %add3A_118 = arith.addf %mul3A_115, %add3A_117 : vector<512x1xf32>
    %rsqrt3A_119 = math.rsqrt %add3A_118 : vector<512x1xf32>
    %mul3A_120 = vector.broadcast %rsqrt3A_119 : vector<512x1xf32> to vector<512x128xf32>
    %mul3A_121 = arith.mulf %sub3A_108, %mul3A_120 : vector<512x128xf32>
    %get3A_122 = arith.constant 0 : index
    %get3A_123 = arith.constant 0 : index
    %get3A_124 = vector.load %arg14[%get3A_122, %get3A_123] : memref<1x128xf32, #tpu.memory_space<vmem>>, vector<1x128xf32>
    %mul3A_125 = vector.broadcast %get3A_124 : vector<1x128xf32> to vector<512x128xf32>
    %mul3A_126 = arith.mulf %mul3A_121, %mul3A_125 : vector<512x128xf32>
    %get3A_127 = arith.constant 0 : index
    %get3A_128 = arith.constant 0 : index
    %get3A_129 = vector.load %arg15[%get3A_127, %get3A_128] : memref<1x128xf32, #tpu.memory_space<vmem>>, vector<1x128xf32>
    %add3A_130 = vector.broadcast %get3A_129 : vector<1x128xf32> to vector<512x128xf32>
    %add3A_131 = arith.addf %mul3A_126, %add3A_130 : vector<512x128xf32>
    %get3A_132 = arith.constant 0 : index
    %get3A_133 = arith.constant 0 : index
    %get3A_134 = vector.load %arg16[%get3A_132, %get3A_133] : memref<128x384xf32, #tpu.memory_space<vmem>>, vector<128x384xf32>
    %get3A_135 = arith.constant 0 : index
    %get3A_136 = arith.constant 0 : index
    %get3A_137 = vector.load %arg17[%get3A_135, %get3A_136] : memref<1x384xf32, #tpu.memory_space<vmem>>, vector<1x384xf32>
    %slice3A = vector.extract_strided_slice %get3A_134 {offsets = [0, 0], sizes = [128, 128], strides = [1, 1]} : vector<128x384xf32> to vector<128x128xf32>
    %dot_general3A_138 = arith.constant dense<0.000000e+00> : vector<512x128xf32>
    %dot_general3A_139 = tpu.matmul %add3A_37, %slice3A, %dot_general3A_138 {dimension_numbers = #tpu.dot_dimension_numbers<[1], [0], [0], [1], [0, 0, 1, 1], [], []>, transpose_lhs_hint = false} : vector<512x128xf32>, vector<128x128xf32>, vector<512x128xf32> -> vector<512x128xf32>
    %slice3A_140 = vector.extract_strided_slice %get3A_137 {offsets = [0, 0], sizes = [1, 128], strides = [1, 1]} : vector<1x384xf32> to vector<1x128xf32>
    %add3A_141 = vector.broadcast %slice3A_140 : vector<1x128xf32> to vector<512x128xf32>
    %add3A_142 = arith.addf %dot_general3A_139, %add3A_141 : vector<512x128xf32>
    %slice3A_143 = vector.extract_strided_slice %get3A_134 {offsets = [0, 0], sizes = [128, 128], strides = [1, 1]} : vector<128x384xf32> to vector<128x128xf32>
    %dot_general3A_144 = arith.constant dense<0.000000e+00> : vector<512x128xf32>
    %dot_general3A_145 = tpu.matmul %add3A_84, %slice3A_143, %dot_general3A_144 {dimension_numbers = #tpu.dot_dimension_numbers<[1], [0], [0], [1], [0, 0, 1, 1], [], []>, transpose_lhs_hint = false} : vector<512x128xf32>, vector<128x128xf32>, vector<512x128xf32> -> vector<512x128xf32>
    %slice3A_146 = vector.extract_strided_slice %get3A_137 {offsets = [0, 0], sizes = [1, 128], strides = [1, 1]} : vector<1x384xf32> to vector<1x128xf32>
    %add3A_147 = vector.broadcast %slice3A_146 : vector<1x128xf32> to vector<512x128xf32>
    %add3A_148 = arith.addf %dot_general3A_145, %add3A_147 : vector<512x128xf32>
    %slice3A_149 = vector.extract_strided_slice %get3A_134 {offsets = [0, 0], sizes = [128, 128], strides = [1, 1]} : vector<128x384xf32> to vector<128x128xf32>
    %dot_general3A_150 = arith.constant dense<0.000000e+00> : vector<512x128xf32>
    %dot_general3A_151 = tpu.matmul %add3A_131, %slice3A_149, %dot_general3A_150 {dimension_numbers = #tpu.dot_dimension_numbers<[1], [0], [0], [1], [0, 0, 1, 1], [], []>, transpose_lhs_hint = false} : vector<512x128xf32>, vector<128x128xf32>, vector<512x128xf32> -> vector<512x128xf32>
    %slice3A_152 = vector.extract_strided_slice %get3A_137 {offsets = [0, 0], sizes = [1, 128], strides = [1, 1]} : vector<1x384xf32> to vector<1x128xf32>
    %add3A_153 = vector.broadcast %slice3A_152 : vector<1x128xf32> to vector<512x128xf32>
    %add3A_154 = arith.addf %dot_general3A_151, %add3A_153 : vector<512x128xf32>
    %slice3A_155 = vector.extract_strided_slice %get3A_134 {offsets = [0, 128], sizes = [128, 128], strides = [1, 1]} : vector<128x384xf32> to vector<128x128xf32>
    %dot_general3A_156 = arith.constant dense<0.000000e+00> : vector<512x128xf32>
    %dot_general3A_157 = tpu.matmul %add3A_37, %slice3A_155, %dot_general3A_156 {dimension_numbers = #tpu.dot_dimension_numbers<[1], [0], [0], [1], [0, 0, 1, 1], [], []>, transpose_lhs_hint = false} : vector<512x128xf32>, vector<128x128xf32>, vector<512x128xf32> -> vector<512x128xf32>
    %slice3A_158 = vector.extract_strided_slice %get3A_137 {offsets = [0, 128], sizes = [1, 128], strides = [1, 1]} : vector<1x384xf32> to vector<1x128xf32>
    %add3A_159 = vector.broadcast %slice3A_158 : vector<1x128xf32> to vector<512x128xf32>
    %add3A_160 = arith.addf %dot_general3A_157, %add3A_159 : vector<512x128xf32>
    %slice3A_161 = vector.extract_strided_slice %get3A_134 {offsets = [0, 128], sizes = [128, 128], strides = [1, 1]} : vector<128x384xf32> to vector<128x128xf32>
    %dot_general3A_162 = arith.constant dense<0.000000e+00> : vector<512x128xf32>
    %dot_general3A_163 = tpu.matmul %add3A_84, %slice3A_161, %dot_general3A_162 {dimension_numbers = #tpu.dot_dimension_numbers<[1], [0], [0], [1], [0, 0, 1, 1], [], []>, transpose_lhs_hint = false} : vector<512x128xf32>, vector<128x128xf32>, vector<512x128xf32> -> vector<512x128xf32>
    %slice3A_164 = vector.extract_strided_slice %get3A_137 {offsets = [0, 128], sizes = [1, 128], strides = [1, 1]} : vector<1x384xf32> to vector<1x128xf32>
    %add3A_165 = vector.broadcast %slice3A_164 : vector<1x128xf32> to vector<512x128xf32>
    %add3A_166 = arith.addf %dot_general3A_163, %add3A_165 : vector<512x128xf32>
    %slice3A_167 = vector.extract_strided_slice %get3A_134 {offsets = [0, 128], sizes = [128, 128], strides = [1, 1]} : vector<128x384xf32> to vector<128x128xf32>
    %dot_general3A_168 = arith.constant dense<0.000000e+00> : vector<512x128xf32>
    %dot_general3A_169 = tpu.matmul %add3A_131, %slice3A_167, %dot_general3A_168 {dimension_numbers = #tpu.dot_dimension_numbers<[1], [0], [0], [1], [0, 0, 1, 1], [], []>, transpose_lhs_hint = false} : vector<512x128xf32>, vector<128x128xf32>, vector<512x128xf32> -> vector<512x128xf32>
    %slice3A_170 = vector.extract_strided_slice %get3A_137 {offsets = [0, 128], sizes = [1, 128], strides = [1, 1]} : vector<1x384xf32> to vector<1x128xf32>
    %add3A_171 = vector.broadcast %slice3A_170 : vector<1x128xf32> to vector<512x128xf32>
    %add3A_172 = arith.addf %dot_general3A_169, %add3A_171 : vector<512x128xf32>
    %slice3A_173 = vector.extract_strided_slice %get3A_134 {offsets = [0, 256], sizes = [128, 128], strides = [1, 1]} : vector<128x384xf32> to vector<128x128xf32>
    %dot_general3A_174 = arith.constant dense<0.000000e+00> : vector<512x128xf32>
    %dot_general3A_175 = tpu.matmul %add3A_37, %slice3A_173, %dot_general3A_174 {dimension_numbers = #tpu.dot_dimension_numbers<[1], [0], [0], [1], [0, 0, 1, 1], [], []>, transpose_lhs_hint = false} : vector<512x128xf32>, vector<128x128xf32>, vector<512x128xf32> -> vector<512x128xf32>
    %slice3A_176 = vector.extract_strided_slice %get3A_137 {offsets = [0, 256], sizes = [1, 128], strides = [1, 1]} : vector<1x384xf32> to vector<1x128xf32>
    %add3A_177 = vector.broadcast %slice3A_176 : vector<1x128xf32> to vector<512x128xf32>
    %add3A_178 = arith.addf %dot_general3A_175, %add3A_177 : vector<512x128xf32>
    %slice3A_179 = vector.extract_strided_slice %get3A_134 {offsets = [0, 256], sizes = [128, 128], strides = [1, 1]} : vector<128x384xf32> to vector<128x128xf32>
    %dot_general3A_180 = arith.constant dense<0.000000e+00> : vector<512x128xf32>
    %dot_general3A_181 = tpu.matmul %add3A_84, %slice3A_179, %dot_general3A_180 {dimension_numbers = #tpu.dot_dimension_numbers<[1], [0], [0], [1], [0, 0, 1, 1], [], []>, transpose_lhs_hint = false} : vector<512x128xf32>, vector<128x128xf32>, vector<512x128xf32> -> vector<512x128xf32>
    %slice3A_182 = vector.extract_strided_slice %get3A_137 {offsets = [0, 256], sizes = [1, 128], strides = [1, 1]} : vector<1x384xf32> to vector<1x128xf32>
    %add3A_183 = vector.broadcast %slice3A_182 : vector<1x128xf32> to vector<512x128xf32>
    %add3A_184 = arith.addf %dot_general3A_181, %add3A_183 : vector<512x128xf32>
    %slice3A_185 = vector.extract_strided_slice %get3A_134 {offsets = [0, 256], sizes = [128, 128], strides = [1, 1]} : vector<128x384xf32> to vector<128x128xf32>
    %dot_general3A_186 = arith.constant dense<0.000000e+00> : vector<512x128xf32>
    %dot_general3A_187 = tpu.matmul %add3A_131, %slice3A_185, %dot_general3A_186 {dimension_numbers = #tpu.dot_dimension_numbers<[1], [0], [0], [1], [0, 0, 1, 1], [], []>, transpose_lhs_hint = false} : vector<512x128xf32>, vector<128x128xf32>, vector<512x128xf32> -> vector<512x128xf32>
    %slice3A_188 = vector.extract_strided_slice %get3A_137 {offsets = [0, 256], sizes = [1, 128], strides = [1, 1]} : vector<1x384xf32> to vector<1x128xf32>
    %add3A_189 = vector.broadcast %slice3A_188 : vector<1x128xf32> to vector<512x128xf32>
    %add3A_190 = arith.addf %dot_general3A_187, %add3A_189 : vector<512x128xf32>
    %get3A_191 = arith.constant 0 : index
    %get3A_192 = arith.constant 0 : index
    %get3A_193 = vector.load %arg24[%get3A_191, %get3A_192] : memref<128x4xf32, #tpu.memory_space<vmem>>, vector<128x4xf32>
    %get3A_194 = arith.constant 0 : index
    %get3A_195 = arith.constant 0 : index
    %get3A_196 = vector.load %arg25[%get3A_194, %get3A_195] : memref<4x128xf32, #tpu.memory_space<vmem>>, vector<4x128xf32>
    %mul3A_197 = arith.mulf %add3A_142, %add3A_160 : vector<512x128xf32>
    %dot_general3A_198 = arith.constant dense<0.000000e+00> : vector<512x4xf32>
    %dot_general3A_199 = tpu.matmul %mul3A_197, %get3A_193, %dot_general3A_198 {dimension_numbers = #tpu.dot_dimension_numbers<[1], [0], [0], [1], [0, 0, 1, 1], [], []>, transpose_lhs_hint = false} : vector<512x128xf32>, vector<128x4xf32>, vector<512x4xf32> -> vector<512x4xf32>
    %mul3A_200 = arith.constant 0.176776692 : f32
    %mul3A_201 = vector.broadcast %mul3A_200 : f32 to vector<512x4xf32>
    %mul3A_202 = arith.mulf %dot_general3A_199, %mul3A_201 : vector<512x4xf32>
    %mul3A_203 = arith.mulf %add3A_142, %add3A_166 : vector<512x128xf32>
    %dot_general3A_204 = arith.constant dense<0.000000e+00> : vector<512x4xf32>
    %dot_general3A_205 = tpu.matmul %mul3A_203, %get3A_193, %dot_general3A_204 {dimension_numbers = #tpu.dot_dimension_numbers<[1], [0], [0], [1], [0, 0, 1, 1], [], []>, transpose_lhs_hint = false} : vector<512x128xf32>, vector<128x4xf32>, vector<512x4xf32> -> vector<512x4xf32>
    %mul3A_206 = arith.constant 0.176776692 : f32
    %mul3A_207 = vector.broadcast %mul3A_206 : f32 to vector<512x4xf32>
    %mul3A_208 = arith.mulf %dot_general3A_205, %mul3A_207 : vector<512x4xf32>
    %mul3A_209 = arith.mulf %add3A_142, %add3A_172 : vector<512x128xf32>
    %dot_general3A_210 = arith.constant dense<0.000000e+00> : vector<512x4xf32>
    %dot_general3A_211 = tpu.matmul %mul3A_209, %get3A_193, %dot_general3A_210 {dimension_numbers = #tpu.dot_dimension_numbers<[1], [0], [0], [1], [0, 0, 1, 1], [], []>, transpose_lhs_hint = false} : vector<512x128xf32>, vector<128x4xf32>, vector<512x4xf32> -> vector<512x4xf32>
    %mul3A_212 = arith.constant 0.176776692 : f32
    %mul3A_213 = vector.broadcast %mul3A_212 : f32 to vector<512x4xf32>
    %mul3A_214 = arith.mulf %dot_general3A_211, %mul3A_213 : vector<512x4xf32>
    %max3A_215 = arith.maximumf %mul3A_202, %mul3A_208 : vector<512x4xf32>
    %max3A_216 = arith.maximumf %max3A_215, %mul3A_214 : vector<512x4xf32>
    %sub3A_217 = arith.subf %mul3A_202, %max3A_216 : vector<512x4xf32>
    %exp3A = math.exp %sub3A_217 : vector<512x4xf32>
    %sub3A_218 = arith.subf %mul3A_208, %max3A_216 : vector<512x4xf32>
    %exp3A_219 = math.exp %sub3A_218 : vector<512x4xf32>
    %sub3A_220 = arith.subf %mul3A_214, %max3A_216 : vector<512x4xf32>
    %exp3A_221 = math.exp %sub3A_220 : vector<512x4xf32>
    %add3A_222 = arith.addf %exp3A, %exp3A_219 : vector<512x4xf32>
    %add3A_223 = arith.addf %add3A_222, %exp3A_221 : vector<512x4xf32>
    %div3A = arith.divf %exp3A, %add3A_223 : vector<512x4xf32>
    %dot_general3A_224 = arith.constant dense<0.000000e+00> : vector<512x128xf32>
    %dot_general3A_225 = tpu.matmul %div3A, %get3A_196, %dot_general3A_224 {dimension_numbers = #tpu.dot_dimension_numbers<[1], [0], [0], [1], [0, 0, 1, 1], [], []>, transpose_lhs_hint = false} : vector<512x4xf32>, vector<4x128xf32>, vector<512x128xf32> -> vector<512x128xf32>
    %mul3A_226 = arith.mulf %dot_general3A_225, %add3A_178 : vector<512x128xf32>
    %div3A_227 = arith.divf %exp3A_219, %add3A_223 : vector<512x4xf32>
    %dot_general3A_228 = arith.constant dense<0.000000e+00> : vector<512x128xf32>
    %dot_general3A_229 = tpu.matmul %div3A_227, %get3A_196, %dot_general3A_228 {dimension_numbers = #tpu.dot_dimension_numbers<[1], [0], [0], [1], [0, 0, 1, 1], [], []>, transpose_lhs_hint = false} : vector<512x4xf32>, vector<4x128xf32>, vector<512x128xf32> -> vector<512x128xf32>
    %mul3A_230 = arith.mulf %dot_general3A_229, %add3A_184 : vector<512x128xf32>
    %add3A_231 = arith.addf %mul3A_226, %mul3A_230 : vector<512x128xf32>
    %div3A_232 = arith.divf %exp3A_221, %add3A_223 : vector<512x4xf32>
    %dot_general3A_233 = arith.constant dense<0.000000e+00> : vector<512x128xf32>
    %dot_general3A_234 = tpu.matmul %div3A_232, %get3A_196, %dot_general3A_233 {dimension_numbers = #tpu.dot_dimension_numbers<[1], [0], [0], [1], [0, 0, 1, 1], [], []>, transpose_lhs_hint = false} : vector<512x4xf32>, vector<4x128xf32>, vector<512x128xf32> -> vector<512x128xf32>
    %mul3A_235 = arith.mulf %dot_general3A_234, %add3A_190 : vector<512x128xf32>
    %add3A_236 = arith.addf %add3A_231, %mul3A_235 : vector<512x128xf32>
    %mul3A_237 = arith.mulf %add3A_148, %add3A_160 : vector<512x128xf32>
    %dot_general3A_238 = arith.constant dense<0.000000e+00> : vector<512x4xf32>
    %dot_general3A_239 = tpu.matmul %mul3A_237, %get3A_193, %dot_general3A_238 {dimension_numbers = #tpu.dot_dimension_numbers<[1], [0], [0], [1], [0, 0, 1, 1], [], []>, transpose_lhs_hint = false} : vector<512x128xf32>, vector<128x4xf32>, vector<512x4xf32> -> vector<512x4xf32>
    %mul3A_240 = arith.constant 0.176776692 : f32
    %mul3A_241 = vector.broadcast %mul3A_240 : f32 to vector<512x4xf32>
    %mul3A_242 = arith.mulf %dot_general3A_239, %mul3A_241 : vector<512x4xf32>
    %mul3A_243 = arith.mulf %add3A_148, %add3A_166 : vector<512x128xf32>
    %dot_general3A_244 = arith.constant dense<0.000000e+00> : vector<512x4xf32>
    %dot_general3A_245 = tpu.matmul %mul3A_243, %get3A_193, %dot_general3A_244 {dimension_numbers = #tpu.dot_dimension_numbers<[1], [0], [0], [1], [0, 0, 1, 1], [], []>, transpose_lhs_hint = false} : vector<512x128xf32>, vector<128x4xf32>, vector<512x4xf32> -> vector<512x4xf32>
    %mul3A_246 = arith.constant 0.176776692 : f32
    %mul3A_247 = vector.broadcast %mul3A_246 : f32 to vector<512x4xf32>
    %mul3A_248 = arith.mulf %dot_general3A_245, %mul3A_247 : vector<512x4xf32>
    %mul3A_249 = arith.mulf %add3A_148, %add3A_172 : vector<512x128xf32>
    %dot_general3A_250 = arith.constant dense<0.000000e+00> : vector<512x4xf32>
    %dot_general3A_251 = tpu.matmul %mul3A_249, %get3A_193, %dot_general3A_250 {dimension_numbers = #tpu.dot_dimension_numbers<[1], [0], [0], [1], [0, 0, 1, 1], [], []>, transpose_lhs_hint = false} : vector<512x128xf32>, vector<128x4xf32>, vector<512x4xf32> -> vector<512x4xf32>
    %mul3A_252 = arith.constant 0.176776692 : f32
    %mul3A_253 = vector.broadcast %mul3A_252 : f32 to vector<512x4xf32>
    %mul3A_254 = arith.mulf %dot_general3A_251, %mul3A_253 : vector<512x4xf32>
    %max3A_255 = arith.maximumf %mul3A_242, %mul3A_248 : vector<512x4xf32>
    %max3A_256 = arith.maximumf %max3A_255, %mul3A_254 : vector<512x4xf32>
    %sub3A_257 = arith.subf %mul3A_242, %max3A_256 : vector<512x4xf32>
    %exp3A_258 = math.exp %sub3A_257 : vector<512x4xf32>
    %sub3A_259 = arith.subf %mul3A_248, %max3A_256 : vector<512x4xf32>
    %exp3A_260 = math.exp %sub3A_259 : vector<512x4xf32>
    %sub3A_261 = arith.subf %mul3A_254, %max3A_256 : vector<512x4xf32>
    %exp3A_262 = math.exp %sub3A_261 : vector<512x4xf32>
    %add3A_263 = arith.addf %exp3A_258, %exp3A_260 : vector<512x4xf32>
    %add3A_264 = arith.addf %add3A_263, %exp3A_262 : vector<512x4xf32>
    %div3A_265 = arith.divf %exp3A_258, %add3A_264 : vector<512x4xf32>
    %dot_general3A_266 = arith.constant dense<0.000000e+00> : vector<512x128xf32>
    %dot_general3A_267 = tpu.matmul %div3A_265, %get3A_196, %dot_general3A_266 {dimension_numbers = #tpu.dot_dimension_numbers<[1], [0], [0], [1], [0, 0, 1, 1], [], []>, transpose_lhs_hint = false} : vector<512x4xf32>, vector<4x128xf32>, vector<512x128xf32> -> vector<512x128xf32>
    %mul3A_268 = arith.mulf %dot_general3A_267, %add3A_178 : vector<512x128xf32>
    %div3A_269 = arith.divf %exp3A_260, %add3A_264 : vector<512x4xf32>
    %dot_general3A_270 = arith.constant dense<0.000000e+00> : vector<512x128xf32>
    %dot_general3A_271 = tpu.matmul %div3A_269, %get3A_196, %dot_general3A_270 {dimension_numbers = #tpu.dot_dimension_numbers<[1], [0], [0], [1], [0, 0, 1, 1], [], []>, transpose_lhs_hint = false} : vector<512x4xf32>, vector<4x128xf32>, vector<512x128xf32> -> vector<512x128xf32>
    %mul3A_272 = arith.mulf %dot_general3A_271, %add3A_184 : vector<512x128xf32>
    %add3A_273 = arith.addf %mul3A_268, %mul3A_272 : vector<512x128xf32>
    %div3A_274 = arith.divf %exp3A_262, %add3A_264 : vector<512x4xf32>
    %dot_general3A_275 = arith.constant dense<0.000000e+00> : vector<512x128xf32>
    %dot_general3A_276 = tpu.matmul %div3A_274, %get3A_196, %dot_general3A_275 {dimension_numbers = #tpu.dot_dimension_numbers<[1], [0], [0], [1], [0, 0, 1, 1], [], []>, transpose_lhs_hint = false} : vector<512x4xf32>, vector<4x128xf32>, vector<512x128xf32> -> vector<512x128xf32>
    %mul3A_277 = arith.mulf %dot_general3A_276, %add3A_190 : vector<512x128xf32>
    %add3A_278 = arith.addf %add3A_273, %mul3A_277 : vector<512x128xf32>
    %add3A_279 = arith.addf %add3A_236, %add3A_278 : vector<512x128xf32>
    %mul3A_280 = arith.mulf %add3A_154, %add3A_160 : vector<512x128xf32>
    %dot_general3A_281 = arith.constant dense<0.000000e+00> : vector<512x4xf32>
    %dot_general3A_282 = tpu.matmul %mul3A_280, %get3A_193, %dot_general3A_281 {dimension_numbers = #tpu.dot_dimension_numbers<[1], [0], [0], [1], [0, 0, 1, 1], [], []>, transpose_lhs_hint = false} : vector<512x128xf32>, vector<128x4xf32>, vector<512x4xf32> -> vector<512x4xf32>
    %mul3A_283 = arith.constant 0.176776692 : f32
    %mul3A_284 = vector.broadcast %mul3A_283 : f32 to vector<512x4xf32>
    %mul3A_285 = arith.mulf %dot_general3A_282, %mul3A_284 : vector<512x4xf32>
    %mul3A_286 = arith.mulf %add3A_154, %add3A_166 : vector<512x128xf32>
    %dot_general3A_287 = arith.constant dense<0.000000e+00> : vector<512x4xf32>
    %dot_general3A_288 = tpu.matmul %mul3A_286, %get3A_193, %dot_general3A_287 {dimension_numbers = #tpu.dot_dimension_numbers<[1], [0], [0], [1], [0, 0, 1, 1], [], []>, transpose_lhs_hint = false} : vector<512x128xf32>, vector<128x4xf32>, vector<512x4xf32> -> vector<512x4xf32>
    %mul3A_289 = arith.constant 0.176776692 : f32
    %mul3A_290 = vector.broadcast %mul3A_289 : f32 to vector<512x4xf32>
    %mul3A_291 = arith.mulf %dot_general3A_288, %mul3A_290 : vector<512x4xf32>
    %mul3A_292 = arith.mulf %add3A_154, %add3A_172 : vector<512x128xf32>
    %dot_general3A_293 = arith.constant dense<0.000000e+00> : vector<512x4xf32>
    %dot_general3A_294 = tpu.matmul %mul3A_292, %get3A_193, %dot_general3A_293 {dimension_numbers = #tpu.dot_dimension_numbers<[1], [0], [0], [1], [0, 0, 1, 1], [], []>, transpose_lhs_hint = false} : vector<512x128xf32>, vector<128x4xf32>, vector<512x4xf32> -> vector<512x4xf32>
    %mul3A_295 = arith.constant 0.176776692 : f32
    %mul3A_296 = vector.broadcast %mul3A_295 : f32 to vector<512x4xf32>
    %mul3A_297 = arith.mulf %dot_general3A_294, %mul3A_296 : vector<512x4xf32>
    %max3A_298 = arith.maximumf %mul3A_285, %mul3A_291 : vector<512x4xf32>
    %max3A_299 = arith.maximumf %max3A_298, %mul3A_297 : vector<512x4xf32>
    %sub3A_300 = arith.subf %mul3A_285, %max3A_299 : vector<512x4xf32>
    %exp3A_301 = math.exp %sub3A_300 : vector<512x4xf32>
    %sub3A_302 = arith.subf %mul3A_291, %max3A_299 : vector<512x4xf32>
    %exp3A_303 = math.exp %sub3A_302 : vector<512x4xf32>
    %sub3A_304 = arith.subf %mul3A_297, %max3A_299 : vector<512x4xf32>
    %exp3A_305 = math.exp %sub3A_304 : vector<512x4xf32>
    %add3A_306 = arith.addf %exp3A_301, %exp3A_303 : vector<512x4xf32>
    %add3A_307 = arith.addf %add3A_306, %exp3A_305 : vector<512x4xf32>
    %div3A_308 = arith.divf %exp3A_301, %add3A_307 : vector<512x4xf32>
    %dot_general3A_309 = arith.constant dense<0.000000e+00> : vector<512x128xf32>
    %dot_general3A_310 = tpu.matmul %div3A_308, %get3A_196, %dot_general3A_309 {dimension_numbers = #tpu.dot_dimension_numbers<[1], [0], [0], [1], [0, 0, 1, 1], [], []>, transpose_lhs_hint = false} : vector<512x4xf32>, vector<4x128xf32>, vector<512x128xf32> -> vector<512x128xf32>
    %mul3A_311 = arith.mulf %dot_general3A_310, %add3A_178 : vector<512x128xf32>
    %div3A_312 = arith.divf %exp3A_303, %add3A_307 : vector<512x4xf32>
    %dot_general3A_313 = arith.constant dense<0.000000e+00> : vector<512x128xf32>
    %dot_general3A_314 = tpu.matmul %div3A_312, %get3A_196, %dot_general3A_313 {dimension_numbers = #tpu.dot_dimension_numbers<[1], [0], [0], [1], [0, 0, 1, 1], [], []>, transpose_lhs_hint = false} : vector<512x4xf32>, vector<4x128xf32>, vector<512x128xf32> -> vector<512x128xf32>
    %mul3A_315 = arith.mulf %dot_general3A_314, %add3A_184 : vector<512x128xf32>
    %add3A_316 = arith.addf %mul3A_311, %mul3A_315 : vector<512x128xf32>
    %div3A_317 = arith.divf %exp3A_305, %add3A_307 : vector<512x4xf32>
    %dot_general3A_318 = arith.constant dense<0.000000e+00> : vector<512x128xf32>
    %dot_general3A_319 = tpu.matmul %div3A_317, %get3A_196, %dot_general3A_318 {dimension_numbers = #tpu.dot_dimension_numbers<[1], [0], [0], [1], [0, 0, 1, 1], [], []>, transpose_lhs_hint = false} : vector<512x4xf32>, vector<4x128xf32>, vector<512x128xf32> -> vector<512x128xf32>
    %mul3A_320 = arith.mulf %dot_general3A_319, %add3A_190 : vector<512x128xf32>
    %add3A_321 = arith.addf %add3A_316, %mul3A_320 : vector<512x128xf32>
    %add3A_322 = arith.addf %add3A_279, %add3A_321 : vector<512x128xf32>
    %mul3A_323 = arith.constant 0.333333343 : f32
    %mul3A_324 = vector.broadcast %mul3A_323 : f32 to vector<512x128xf32>
    %mul3A_325 = arith.mulf %add3A_322, %mul3A_324 : vector<512x128xf32>
    %get3A_326 = arith.constant 0 : index
    %get3A_327 = arith.constant 0 : index
    %get3A_328 = vector.load %arg18[%get3A_326, %get3A_327] : memref<128x128xf32, #tpu.memory_space<vmem>>, vector<128x128xf32>
    %dot_general3A_329 = arith.constant dense<0.000000e+00> : vector<512x128xf32>
    %dot_general3A_330 = tpu.matmul %mul3A_325, %get3A_328, %dot_general3A_329 {dimension_numbers = #tpu.dot_dimension_numbers<[1], [0], [0], [1], [0, 0, 1, 1], [], []>, transpose_lhs_hint = false} : vector<512x128xf32>, vector<128x128xf32>, vector<512x128xf32> -> vector<512x128xf32>
    %get3A_331 = arith.constant 0 : index
    %get3A_332 = arith.constant 0 : index
    %get3A_333 = vector.load %arg19[%get3A_331, %get3A_332] : memref<1x128xf32, #tpu.memory_space<vmem>>, vector<1x128xf32>
    %add3A_334 = vector.broadcast %get3A_333 : vector<1x128xf32> to vector<512x128xf32>
    %add3A_335 = arith.addf %dot_general3A_330, %add3A_334 : vector<512x128xf32>
    %swap3A = arith.constant 0 : index
    %swap3A_336 = arith.constant 0 : index
    %swap3A_337 = vector.load %arg26[%swap3A, %swap3A_336] : memref<512x128xf32, #tpu.memory_space<vmem>>, vector<512x128xf32>
    tpu.vector_store %arg26[%swap3A, %swap3A_336], %add3A_335 {strides = array<i32>} : memref<512x128xf32, #tpu.memory_space<vmem>>, vector<512x128xf32>,
    %transpose3A = tpu.transpose %add3A_335, [1, 0] : vector<512x128xf32> -> vector<128x512xf32>
    %swap3A_338 = arith.constant 0 : index
    %swap3A_339 = arith.constant 0 : index
    %swap3A_340 = vector.load %arg27[%swap3A_338, %swap3A_339] : memref<128x512xf32, #tpu.memory_space<vmem>>, vector<128x512xf32>
    tpu.vector_store %arg27[%swap3A_338, %swap3A_339], %transpose3A {strides = array<i32>} : memref<128x512xf32, #tpu.memory_space<vmem>>, vector<128x512xf32>,
    %get3A_341 = arith.constant 0 : index
    %get3A_342 = arith.constant 0 : index
    %get3A_343 = vector.load %arg20[%get3A_341, %get3A_342] : memref<128x64xf32, #tpu.memory_space<vmem>>, vector<128x64xf32>
    %dot_general3A_344 = arith.constant dense<0.000000e+00> : vector<512x64xf32>
    %dot_general3A_345 = tpu.matmul %add3A_335, %get3A_343, %dot_general3A_344 {dimension_numbers = #tpu.dot_dimension_numbers<[1], [0], [0], [1], [0, 0, 1, 1], [], []>, transpose_lhs_hint = false} : vector<512x128xf32>, vector<128x64xf32>, vector<512x64xf32> -> vector<512x64xf32>
    %get3A_346 = arith.constant 0 : index
    %get3A_347 = arith.constant 0 : index
    %get3A_348 = vector.load %arg21[%get3A_346, %get3A_347] : memref<1x64xf32, #tpu.memory_space<vmem>>, vector<1x64xf32>
    %add3A_349 = vector.broadcast %get3A_348 : vector<1x64xf32> to vector<512x64xf32>
    %add3A_350 = arith.addf %dot_general3A_345, %add3A_349 : vector<512x64xf32>
    %max3A_351 = arith.constant 0.000000e+00 : f32
    %max3A_352 = vector.broadcast %max3A_351 : f32 to vector<512x64xf32>
    %max3A_353 = arith.maximumf %add3A_350, %max3A_352 : vector<512x64xf32>
    %get3A_354 = arith.constant 0 : index
    %get3A_355 = arith.constant 0 : index
    %get3A_356 = vector.load %arg22[%get3A_354, %get3A_355] : memref<64x1xf32, #tpu.memory_space<vmem>>, vector<64x1xf32>
    %dot_general3A_357 = arith.constant dense<0.000000e+00> : vector<512x1xf32>
    %dot_general3A_358 = tpu.matmul %max3A_353, %get3A_356, %dot_general3A_357 {dimension_numbers = #tpu.dot_dimension_numbers<[1], [0], [0], [1], [0, 0, 1, 1], [], []>, transpose_lhs_hint = false} : vector<512x64xf32>, vector<64x1xf32>, vector<512x1xf32> -> vector<512x1xf32>
    %get3A_359 = arith.constant 0 : index
    %get3A_360 = arith.constant 0 : index
    %get3A_361 = vector.load %arg23[%get3A_359, %get3A_360] : memref<1x1xf32, #tpu.memory_space<vmem>>, vector<1x1xf32>
    %add3A_362 = vector.broadcast %get3A_361 : vector<1x1xf32> to vector<512x1xf32>
    %add3A_363 = arith.addf %dot_general3A_358, %add3A_362 : vector<512x1xf32>
    %neg3A = arith.constant 0.000000e+00 : f32
    %neg3A_364 = vector.broadcast %neg3A : f32 to vector<512x1xf32>
    %neg3A_365 = arith.subf %neg3A_364, %add3A_363 : vector<512x1xf32>
    %exp3A_366 = math.exp %neg3A_365 : vector<512x1xf32>
    %add3A_367 = arith.constant 1.000000e+00 : f32
    %add3A_368 = vector.broadcast %add3A_367 : f32 to vector<512x1xf32>
    %add3A_369 = arith.addf %add3A_368, %exp3A_366 : vector<512x1xf32>
    %div3A_370 = arith.constant 1.000000e+00 : f32
    %div3A_371 = vector.broadcast %div3A_370 : f32 to vector<512x1xf32>
    %div3A_372 = arith.divf %div3A_371, %add3A_369 : vector<512x1xf32>
    %max3A_373 = arith.constant 9.99999993E-9 : f32
    %max3A_374 = vector.broadcast %max3A_373 : f32 to vector<512x1xf32>
    %max3A_375 = arith.maximumf %div3A_372, %max3A_374 : vector<512x1xf32>
    %swap3A_376 = arith.constant 0 : index
    %swap3A_377 = arith.constant 0 : index
    %swap3A_378 = vector.load %arg28[%swap3A_376, %swap3A_377] : memref<512x1xf32, #tpu.memory_space<vmem>>, vector<512x1xf32>
    tpu.vector_store %arg28[%swap3A_376, %swap3A_377], %max3A_375 {strides = array<i32>} : memref<512x1xf32, #tpu.memory_space<vmem>>, vector<512x1xf32>,
    return
  }
  func.func @transform_0(%arg0: i32) -> (i32, i32) {
    %c0_i32 = arith.constant 0 : i32
    %c0_i32_0 = arith.constant 0 : i32
    return %arg0, %c0_i32 : i32, i32
  }
  func.func @transform_1(%arg0: i32) -> (i32, i32) {
    %c0_i32 = arith.constant 0 : i32
    %c0_i32_0 = arith.constant 0 : i32
    return %arg0, %c0_i32 : i32, i32
  }
  func.func @transform_2(%arg0: i32) -> (i32, i32) {
    %c0_i32 = arith.constant 0 : i32
    %c0_i32_0 = arith.constant 0 : i32
    return %arg0, %c0_i32 : i32, i32
  }
  func.func @transform_3(%arg0: i32) -> (i32, i32) {
    %c0_i32 = arith.constant 0 : i32
    %c0_i32_0 = arith.constant 0 : i32
    %c0_i32_1 = arith.constant 0 : i32
    return %c0_i32, %c0_i32_0 : i32, i32
  }
  func.func @transform_4(%arg0: i32) -> (i32, i32) {
    %c0_i32 = arith.constant 0 : i32
    %c0_i32_0 = arith.constant 0 : i32
    %c0_i32_1 = arith.constant 0 : i32
    return %c0_i32, %c0_i32_0 : i32, i32
  }
  func.func @transform_5(%arg0: i32) -> (i32, i32) {
    %c0_i32 = arith.constant 0 : i32
    %c0_i32_0 = arith.constant 0 : i32
    %c0_i32_1 = arith.constant 0 : i32
    return %c0_i32, %c0_i32_0 : i32, i32
  }
  func.func @transform_6(%arg0: i32) -> (i32, i32) {
    %c0_i32 = arith.constant 0 : i32
    %c0_i32_0 = arith.constant 0 : i32
    %c0_i32_1 = arith.constant 0 : i32
    return %c0_i32, %c0_i32_0 : i32, i32
  }
  func.func @transform_7(%arg0: i32) -> (i32, i32) {
    %c0_i32 = arith.constant 0 : i32
    %c0_i32_0 = arith.constant 0 : i32
    %c0_i32_1 = arith.constant 0 : i32
    return %c0_i32, %c0_i32_0 : i32, i32
  }
  func.func @transform_8(%arg0: i32) -> (i32, i32) {
    %c0_i32 = arith.constant 0 : i32
    %c0_i32_0 = arith.constant 0 : i32
    %c0_i32_1 = arith.constant 0 : i32
    return %c0_i32, %c0_i32_0 : i32, i32
  }
  func.func @transform_9(%arg0: i32) -> (i32, i32) {
    %c0_i32 = arith.constant 0 : i32
    %c0_i32_0 = arith.constant 0 : i32
    %c0_i32_1 = arith.constant 0 : i32
    return %c0_i32, %c0_i32_0 : i32, i32
  }
  func.func @transform_10(%arg0: i32) -> (i32, i32) {
    %c0_i32 = arith.constant 0 : i32
    %c0_i32_0 = arith.constant 0 : i32
    %c0_i32_1 = arith.constant 0 : i32
    return %c0_i32, %c0_i32_0 : i32, i32
  }
  func.func @transform_11(%arg0: i32) -> (i32, i32) {
    %c0_i32 = arith.constant 0 : i32
    %c0_i32_0 = arith.constant 0 : i32
    %c0_i32_1 = arith.constant 0 : i32
    return %c0_i32, %c0_i32_0 : i32, i32
  }
  func.func @transform_12(%arg0: i32) -> (i32, i32) {
    %c0_i32 = arith.constant 0 : i32
    %c0_i32_0 = arith.constant 0 : i32
    %c0_i32_1 = arith.constant 0 : i32
    return %c0_i32, %c0_i32_0 : i32, i32
  }
  func.func @transform_13(%arg0: i32) -> (i32, i32) {
    %c0_i32 = arith.constant 0 : i32
    %c0_i32_0 = arith.constant 0 : i32
    %c0_i32_1 = arith.constant 0 : i32
    return %c0_i32, %c0_i32_0 : i32, i32
  }
  func.func @transform_14(%arg0: i32) -> (i32, i32) {
    %c0_i32 = arith.constant 0 : i32
    %c0_i32_0 = arith.constant 0 : i32
    %c0_i32_1 = arith.constant 0 : i32
    return %c0_i32, %c0_i32_0 : i32, i32
  }
  func.func @transform_15(%arg0: i32) -> (i32, i32) {
    %c0_i32 = arith.constant 0 : i32
    %c0_i32_0 = arith.constant 0 : i32
    %c0_i32_1 = arith.constant 0 : i32
    return %c0_i32, %c0_i32_0 : i32, i32
  }
  func.func @transform_16(%arg0: i32) -> (i32, i32) {
    %c0_i32 = arith.constant 0 : i32
    %c0_i32_0 = arith.constant 0 : i32
    %c0_i32_1 = arith.constant 0 : i32
    return %c0_i32, %c0_i32_0 : i32, i32
  }
  func.func @transform_17(%arg0: i32) -> (i32, i32) {
    %c0_i32 = arith.constant 0 : i32
    %c0_i32_0 = arith.constant 0 : i32
    %c0_i32_1 = arith.constant 0 : i32
    return %c0_i32, %c0_i32_0 : i32, i32
  }
  func.func @transform_18(%arg0: i32) -> (i32, i32) {
    %c0_i32 = arith.constant 0 : i32
    %c0_i32_0 = arith.constant 0 : i32
    %c0_i32_1 = arith.constant 0 : i32
    return %c0_i32, %c0_i32_0 : i32, i32
  }
  func.func @transform_19(%arg0: i32) -> (i32, i32) {
    %c0_i32 = arith.constant 0 : i32
    %c0_i32_0 = arith.constant 0 : i32
    %c0_i32_1 = arith.constant 0 : i32
    return %c0_i32, %c0_i32_0 : i32, i32
  }
  func.func @transform_20(%arg0: i32) -> (i32, i32) {
    %c0_i32 = arith.constant 0 : i32
    %c0_i32_0 = arith.constant 0 : i32
    %c0_i32_1 = arith.constant 0 : i32
    return %c0_i32, %c0_i32_0 : i32, i32
  }
  func.func @transform_21(%arg0: i32) -> (i32, i32) {
    %c0_i32 = arith.constant 0 : i32
    %c0_i32_0 = arith.constant 0 : i32
    %c0_i32_1 = arith.constant 0 : i32
    return %c0_i32, %c0_i32_0 : i32, i32
  }
  func.func @transform_22(%arg0: i32) -> (i32, i32) {
    %c0_i32 = arith.constant 0 : i32
    %c0_i32_0 = arith.constant 0 : i32
    %c0_i32_1 = arith.constant 0 : i32
    return %c0_i32, %c0_i32_0 : i32, i32
  }
  func.func @transform_23(%arg0: i32) -> (i32, i32) {
    %c0_i32 = arith.constant 0 : i32
    %c0_i32_0 = arith.constant 0 : i32
    %c0_i32_1 = arith.constant 0 : i32
    return %c0_i32, %c0_i32_0 : i32, i32
  }
  func.func @transform_24(%arg0: i32) -> (i32, i32) {
    %c0_i32 = arith.constant 0 : i32
    %c0_i32_0 = arith.constant 0 : i32
    %c0_i32_1 = arith.constant 0 : i32
    return %c0_i32, %c0_i32_0 : i32, i32
  }
  func.func @transform_25(%arg0: i32) -> (i32, i32) {
    %c0_i32 = arith.constant 0 : i32
    %c0_i32_0 = arith.constant 0 : i32
    return %arg0, %c0_i32 : i32, i32
  }
  func.func @transform_26(%arg0: i32) -> (i32, i32) {
    %c0_i32 = arith.constant 0 : i32
    %c0_i32_0 = arith.constant 0 : i32
    return %c0_i32, %arg0 : i32, i32
  }
  func.func @transform_27(%arg0: i32) -> (i32, i32) {
    %c0_i32 = arith.constant 0 : i32
    %c0_i32_0 = arith.constant 0 : i32
    return %arg0, %c0_i32 : i32, i32
  }
}

module attributes {stable_mosaic.version = 14 : i64} {
  func.func @_topk_body(%arg0: i32, %arg1: memref<512x128xf32, #tpu.memory_space<vmem>>, %arg2: memref<128x4096xf32, #tpu.memory_space<vmem>>, %arg3: memref<16x512xi32, #tpu.memory_space<vmem>>, %arg4: memref<16x512xf32, #tpu.memory_space<vmem>>) attributes {dimension_semantics = [#tpu.dimension_semantics<arbitrary>], iteration_bounds = array<i64: 8>, scalar_prefetch = 0 : i64, scratch_operands = 0 : i64, tpu.core_type = #tpu.core_type<tc>, window_params = [{transform_indices = @transform_0, window_bounds = array<i64: 512, 128>}, {pipeline_mode = #tpu.pipeline_mode<synchronous>, transform_indices = @transform_1, window_bounds = array<i64: 128, 4096>}, {transform_indices = @transform_2, window_bounds = array<i64: 16, 512>}, {transform_indices = @transform_3, window_bounds = array<i64: 16, 512>}]} {
    %get3A = arith.constant 0 : index
    %get3A_0 = arith.constant 0 : index
    %get3A_1 = vector.load %arg1[%get3A, %get3A_0] : memref<512x128xf32, #tpu.memory_space<vmem>>, vector<512x128xf32>
    %get3A_2 = arith.constant 0 : index
    %get3A_3 = arith.constant 0 : index
    %get3A_4 = vector.load %arg2[%get3A_2, %get3A_3] : memref<128x4096xf32, #tpu.memory_space<vmem>>, vector<128x4096xf32>
    %dot_general3A = arith.constant dense<0.000000e+00> : vector<512x4096xf32>
    %dot_general3A_5 = tpu.matmul %get3A_1, %get3A_4, %dot_general3A {dimension_numbers = #tpu.dot_dimension_numbers<[1], [0], [0], [1], [0, 0, 1, 1], [], []>, transpose_lhs_hint = false} : vector<512x128xf32>, vector<128x4096xf32>, vector<512x4096xf32> -> vector<512x4096xf32>
    %reduce_max3A = arith.constant dense<0xFF800000> : vector<512xf32>
    %reduce_max3A_6 = vector.multi_reduction <maximumf>, %dot_general3A_5, %reduce_max3A [1] : vector<512x4096xf32> to vector<512xf32>
    %broadcast_in_dim3A = vector.shape_cast %reduce_max3A_6 : vector<512xf32> to vector<512x1xf32>
    %sub3A = vector.broadcast %broadcast_in_dim3A : vector<512x1xf32> to vector<512x4096xf32>
    %sub3A_7 = arith.subf %dot_general3A_5, %sub3A : vector<512x4096xf32>
    %exp3A = math.exp %sub3A_7 : vector<512x4096xf32>
    %reduce_sum3A = arith.constant dense<0.000000e+00> : vector<512xf32>
    %reduce_sum3A_8 = vector.multi_reduction <add>, %exp3A, %reduce_sum3A [1] : vector<512x4096xf32> to vector<512xf32>
    %broadcast_in_dim3A_9 = vector.shape_cast %reduce_sum3A_8 : vector<512xf32> to vector<512x1xf32>
    %iota3A = tpu.iota {dimensions = array<i32: 1>} : vector<512x4096xi32>
    %sub3A_10 = arith.constant 4095 : i32
    %sub3A_11 = vector.broadcast %sub3A_10 : i32 to vector<512x4096xi32>
    %sub3A_12 = arith.subi %sub3A_11, %iota3A : vector<512x4096xi32>
    %bitcast_convert_type3A = tpu.bitcast %exp3A : vector<512x4096xf32> -> vector<512x4096xi32>
    %add3A = arith.constant 2048 : i32
    %add3A_13 = vector.broadcast %add3A : i32 to vector<512x4096xi32>
    %add3A_14 = arith.addi %bitcast_convert_type3A, %add3A_13 : vector<512x4096xi32>
    %and3A = arith.constant -4096 : i32
    %and3A_15 = vector.broadcast %and3A : i32 to vector<512x4096xi32>
    %and3A_16 = arith.andi %add3A_14, %and3A_15 : vector<512x4096xi32>
    %or3A = arith.ori %and3A_16, %sub3A_12 : vector<512x4096xi32>
    %bitcast_convert_type3A_17 = tpu.bitcast %or3A : vector<512x4096xi32> -> vector<512x4096xf32>
    %iota3A_18 = tpu.iota {dimensions = array<i32: 1>} : vector<512x8xi32>
    %broadcast_in_dim3A_19 = arith.constant 0 : i32
    %broadcast_in_dim3A_20 = vector.broadcast %broadcast_in_dim3A_19 : i32 to vector<512x8xi32>
    %broadcast_in_dim3A_21 = arith.constant 0 : i32
    %broadcast_in_dim3A_22 = vector.broadcast %broadcast_in_dim3A_21 : i32 to vector<512x8xi32>
    %reduce_max3A_23 = arith.constant dense<0xFF800000> : vector<512xf32>
    %reduce_max3A_24 = vector.multi_reduction <maximumf>, %bitcast_convert_type3A_17, %reduce_max3A_23 [1] : vector<512x4096xf32> to vector<512xf32>
    %broadcast_in_dim3A_25 = vector.shape_cast %reduce_max3A_24 : vector<512xf32> to vector<512x1xf32>
    %eq3A = vector.broadcast %broadcast_in_dim3A_25 : vector<512x1xf32> to vector<512x4096xf32>
    %eq3A_26 = arith.cmpf oeq, %bitcast_convert_type3A_17, %eq3A : vector<512x4096xf32>
    %jit3A = arith.constant 0.000000e+00 : f32
    %broadcast_in_dim3A_27 = vector.broadcast %jit3A : f32 to vector<512x4096xf32>
    %select_n3A = arith.select %eq3A_26, %broadcast_in_dim3A_27, %bitcast_convert_type3A_17 : vector<512x4096xi1>, vector<512x4096xf32>
    %bitcast_convert_type3A_28 = tpu.bitcast %broadcast_in_dim3A_25 : vector<512x1xf32> -> vector<512x1xi32>
    %eq3A_29 = arith.constant 0 : i32
    %eq3A_30 = vector.broadcast %eq3A_29 : i32 to vector<512x8xi32>
    %eq3A_31 = arith.cmpi eq, %iota3A_18, %eq3A_30 : vector<512x8xi32>
    %and3A_32 = arith.constant 4095 : i32
    %and3A_33 = vector.broadcast %and3A_32 : i32 to vector<512x1xi32>
    %and3A_34 = arith.andi %bitcast_convert_type3A_28, %and3A_33 : vector<512x1xi32>
    %sub3A_35 = arith.constant 4095 : i32
    %sub3A_36 = vector.broadcast %sub3A_35 : i32 to vector<512x1xi32>
    %sub3A_37 = arith.subi %sub3A_36, %and3A_34 : vector<512x1xi32>
    %broadcast_in_dim3A_38 = vector.shape_cast %sub3A_37 : vector<512x1xi32> to vector<512x1xi32>
    %broadcast_in_dim3A_39 = vector.broadcast %broadcast_in_dim3A_38 : vector<512x1xi32> to vector<512x8xi32>
    %select_n3A_40 = arith.select %eq3A_31, %broadcast_in_dim3A_39, %broadcast_in_dim3A_20 : vector<512x8xi1>, vector<512x8xi32>
    %eq3A_41 = arith.constant 0 : i32
    %eq3A_42 = vector.broadcast %eq3A_41 : i32 to vector<512x8xi32>
    %eq3A_43 = arith.cmpi eq, %iota3A_18, %eq3A_42 : vector<512x8xi32>
    %and3A_44 = arith.constant -4096 : i32
    %and3A_45 = vector.broadcast %and3A_44 : i32 to vector<512x1xi32>
    %and3A_46 = arith.andi %bitcast_convert_type3A_28, %and3A_45 : vector<512x1xi32>
    %broadcast_in_dim3A_47 = vector.shape_cast %and3A_46 : vector<512x1xi32> to vector<512x1xi32>
    %broadcast_in_dim3A_48 = vector.broadcast %broadcast_in_dim3A_47 : vector<512x1xi32> to vector<512x8xi32>
    %select_n3A_49 = arith.select %eq3A_43, %broadcast_in_dim3A_48, %broadcast_in_dim3A_22 : vector<512x8xi1>, vector<512x8xi32>
    %reduce_max3A_50 = arith.constant dense<0xFF800000> : vector<512xf32>
    %reduce_max3A_51 = vector.multi_reduction <maximumf>, %select_n3A, %reduce_max3A_50 [1] : vector<512x4096xf32> to vector<512xf32>
    %broadcast_in_dim3A_52 = vector.shape_cast %reduce_max3A_51 : vector<512xf32> to vector<512x1xf32>
    %eq3A_53 = vector.broadcast %broadcast_in_dim3A_52 : vector<512x1xf32> to vector<512x4096xf32>
    %eq3A_54 = arith.cmpf oeq, %select_n3A, %eq3A_53 : vector<512x4096xf32>
    %jit3A_55 = arith.constant 0.000000e+00 : f32
    %broadcast_in_dim3A_56 = vector.broadcast %jit3A_55 : f32 to vector<512x4096xf32>
    %select_n3A_57 = arith.select %eq3A_54, %broadcast_in_dim3A_56, %select_n3A : vector<512x4096xi1>, vector<512x4096xf32>
    %bitcast_convert_type3A_58 = tpu.bitcast %broadcast_in_dim3A_52 : vector<512x1xf32> -> vector<512x1xi32>
    %eq3A_59 = arith.constant 1 : i32
    %eq3A_60 = vector.broadcast %eq3A_59 : i32 to vector<512x8xi32>
    %eq3A_61 = arith.cmpi eq, %iota3A_18, %eq3A_60 : vector<512x8xi32>
    %and3A_62 = arith.constant 4095 : i32
    %and3A_63 = vector.broadcast %and3A_62 : i32 to vector<512x1xi32>
    %and3A_64 = arith.andi %bitcast_convert_type3A_58, %and3A_63 : vector<512x1xi32>
    %sub3A_65 = arith.constant 4095 : i32
    %sub3A_66 = vector.broadcast %sub3A_65 : i32 to vector<512x1xi32>
    %sub3A_67 = arith.subi %sub3A_66, %and3A_64 : vector<512x1xi32>
    %broadcast_in_dim3A_68 = vector.shape_cast %sub3A_67 : vector<512x1xi32> to vector<512x1xi32>
    %broadcast_in_dim3A_69 = vector.broadcast %broadcast_in_dim3A_68 : vector<512x1xi32> to vector<512x8xi32>
    %select_n3A_70 = arith.select %eq3A_61, %broadcast_in_dim3A_69, %select_n3A_40 : vector<512x8xi1>, vector<512x8xi32>
    %eq3A_71 = arith.constant 1 : i32
    %eq3A_72 = vector.broadcast %eq3A_71 : i32 to vector<512x8xi32>
    %eq3A_73 = arith.cmpi eq, %iota3A_18, %eq3A_72 : vector<512x8xi32>
    %and3A_74 = arith.constant -4096 : i32
    %and3A_75 = vector.broadcast %and3A_74 : i32 to vector<512x1xi32>
    %and3A_76 = arith.andi %bitcast_convert_type3A_58, %and3A_75 : vector<512x1xi32>
    %broadcast_in_dim3A_77 = vector.shape_cast %and3A_76 : vector<512x1xi32> to vector<512x1xi32>
    %broadcast_in_dim3A_78 = vector.broadcast %broadcast_in_dim3A_77 : vector<512x1xi32> to vector<512x8xi32>
    %select_n3A_79 = arith.select %eq3A_73, %broadcast_in_dim3A_78, %select_n3A_49 : vector<512x8xi1>, vector<512x8xi32>
    %reduce_max3A_80 = arith.constant dense<0xFF800000> : vector<512xf32>
    %reduce_max3A_81 = vector.multi_reduction <maximumf>, %select_n3A_57, %reduce_max3A_80 [1] : vector<512x4096xf32> to vector<512xf32>
    %broadcast_in_dim3A_82 = vector.shape_cast %reduce_max3A_81 : vector<512xf32> to vector<512x1xf32>
    %eq3A_83 = vector.broadcast %broadcast_in_dim3A_82 : vector<512x1xf32> to vector<512x4096xf32>
    %eq3A_84 = arith.cmpf oeq, %select_n3A_57, %eq3A_83 : vector<512x4096xf32>
    %jit3A_85 = arith.constant 0.000000e+00 : f32
    %broadcast_in_dim3A_86 = vector.broadcast %jit3A_85 : f32 to vector<512x4096xf32>
    %select_n3A_87 = arith.select %eq3A_84, %broadcast_in_dim3A_86, %select_n3A_57 : vector<512x4096xi1>, vector<512x4096xf32>
    %bitcast_convert_type3A_88 = tpu.bitcast %broadcast_in_dim3A_82 : vector<512x1xf32> -> vector<512x1xi32>
    %eq3A_89 = arith.constant 2 : i32
    %eq3A_90 = vector.broadcast %eq3A_89 : i32 to vector<512x8xi32>
    %eq3A_91 = arith.cmpi eq, %iota3A_18, %eq3A_90 : vector<512x8xi32>
    %and3A_92 = arith.constant 4095 : i32
    %and3A_93 = vector.broadcast %and3A_92 : i32 to vector<512x1xi32>
    %and3A_94 = arith.andi %bitcast_convert_type3A_88, %and3A_93 : vector<512x1xi32>
    %sub3A_95 = arith.constant 4095 : i32
    %sub3A_96 = vector.broadcast %sub3A_95 : i32 to vector<512x1xi32>
    %sub3A_97 = arith.subi %sub3A_96, %and3A_94 : vector<512x1xi32>
    %broadcast_in_dim3A_98 = vector.shape_cast %sub3A_97 : vector<512x1xi32> to vector<512x1xi32>
    %broadcast_in_dim3A_99 = vector.broadcast %broadcast_in_dim3A_98 : vector<512x1xi32> to vector<512x8xi32>
    %select_n3A_100 = arith.select %eq3A_91, %broadcast_in_dim3A_99, %select_n3A_70 : vector<512x8xi1>, vector<512x8xi32>
    %eq3A_101 = arith.constant 2 : i32
    %eq3A_102 = vector.broadcast %eq3A_101 : i32 to vector<512x8xi32>
    %eq3A_103 = arith.cmpi eq, %iota3A_18, %eq3A_102 : vector<512x8xi32>
    %and3A_104 = arith.constant -4096 : i32
    %and3A_105 = vector.broadcast %and3A_104 : i32 to vector<512x1xi32>
    %and3A_106 = arith.andi %bitcast_convert_type3A_88, %and3A_105 : vector<512x1xi32>
    %broadcast_in_dim3A_107 = vector.shape_cast %and3A_106 : vector<512x1xi32> to vector<512x1xi32>
    %broadcast_in_dim3A_108 = vector.broadcast %broadcast_in_dim3A_107 : vector<512x1xi32> to vector<512x8xi32>
    %select_n3A_109 = arith.select %eq3A_103, %broadcast_in_dim3A_108, %select_n3A_79 : vector<512x8xi1>, vector<512x8xi32>
    %reduce_max3A_110 = arith.constant dense<0xFF800000> : vector<512xf32>
    %reduce_max3A_111 = vector.multi_reduction <maximumf>, %select_n3A_87, %reduce_max3A_110 [1] : vector<512x4096xf32> to vector<512xf32>
    %broadcast_in_dim3A_112 = vector.shape_cast %reduce_max3A_111 : vector<512xf32> to vector<512x1xf32>
    %eq3A_113 = vector.broadcast %broadcast_in_dim3A_112 : vector<512x1xf32> to vector<512x4096xf32>
    %eq3A_114 = arith.cmpf oeq, %select_n3A_87, %eq3A_113 : vector<512x4096xf32>
    %jit3A_115 = arith.constant 0.000000e+00 : f32
    %broadcast_in_dim3A_116 = vector.broadcast %jit3A_115 : f32 to vector<512x4096xf32>
    %select_n3A_117 = arith.select %eq3A_114, %broadcast_in_dim3A_116, %select_n3A_87 : vector<512x4096xi1>, vector<512x4096xf32>
    %bitcast_convert_type3A_118 = tpu.bitcast %broadcast_in_dim3A_112 : vector<512x1xf32> -> vector<512x1xi32>
    %eq3A_119 = arith.constant 3 : i32
    %eq3A_120 = vector.broadcast %eq3A_119 : i32 to vector<512x8xi32>
    %eq3A_121 = arith.cmpi eq, %iota3A_18, %eq3A_120 : vector<512x8xi32>
    %and3A_122 = arith.constant 4095 : i32
    %and3A_123 = vector.broadcast %and3A_122 : i32 to vector<512x1xi32>
    %and3A_124 = arith.andi %bitcast_convert_type3A_118, %and3A_123 : vector<512x1xi32>
    %sub3A_125 = arith.constant 4095 : i32
    %sub3A_126 = vector.broadcast %sub3A_125 : i32 to vector<512x1xi32>
    %sub3A_127 = arith.subi %sub3A_126, %and3A_124 : vector<512x1xi32>
    %broadcast_in_dim3A_128 = vector.shape_cast %sub3A_127 : vector<512x1xi32> to vector<512x1xi32>
    %broadcast_in_dim3A_129 = vector.broadcast %broadcast_in_dim3A_128 : vector<512x1xi32> to vector<512x8xi32>
    %select_n3A_130 = arith.select %eq3A_121, %broadcast_in_dim3A_129, %select_n3A_100 : vector<512x8xi1>, vector<512x8xi32>
    %eq3A_131 = arith.constant 3 : i32
    %eq3A_132 = vector.broadcast %eq3A_131 : i32 to vector<512x8xi32>
    %eq3A_133 = arith.cmpi eq, %iota3A_18, %eq3A_132 : vector<512x8xi32>
    %and3A_134 = arith.constant -4096 : i32
    %and3A_135 = vector.broadcast %and3A_134 : i32 to vector<512x1xi32>
    %and3A_136 = arith.andi %bitcast_convert_type3A_118, %and3A_135 : vector<512x1xi32>
    %broadcast_in_dim3A_137 = vector.shape_cast %and3A_136 : vector<512x1xi32> to vector<512x1xi32>
    %broadcast_in_dim3A_138 = vector.broadcast %broadcast_in_dim3A_137 : vector<512x1xi32> to vector<512x8xi32>
    %select_n3A_139 = arith.select %eq3A_133, %broadcast_in_dim3A_138, %select_n3A_109 : vector<512x8xi1>, vector<512x8xi32>
    %reduce_max3A_140 = arith.constant dense<0xFF800000> : vector<512xf32>
    %reduce_max3A_141 = vector.multi_reduction <maximumf>, %select_n3A_117, %reduce_max3A_140 [1] : vector<512x4096xf32> to vector<512xf32>
    %broadcast_in_dim3A_142 = vector.shape_cast %reduce_max3A_141 : vector<512xf32> to vector<512x1xf32>
    %eq3A_143 = vector.broadcast %broadcast_in_dim3A_142 : vector<512x1xf32> to vector<512x4096xf32>
    %eq3A_144 = arith.cmpf oeq, %select_n3A_117, %eq3A_143 : vector<512x4096xf32>
    %jit3A_145 = arith.constant 0.000000e+00 : f32
    %broadcast_in_dim3A_146 = vector.broadcast %jit3A_145 : f32 to vector<512x4096xf32>
    %select_n3A_147 = arith.select %eq3A_144, %broadcast_in_dim3A_146, %select_n3A_117 : vector<512x4096xi1>, vector<512x4096xf32>
    %bitcast_convert_type3A_148 = tpu.bitcast %broadcast_in_dim3A_142 : vector<512x1xf32> -> vector<512x1xi32>
    %eq3A_149 = arith.constant 4 : i32
    %eq3A_150 = vector.broadcast %eq3A_149 : i32 to vector<512x8xi32>
    %eq3A_151 = arith.cmpi eq, %iota3A_18, %eq3A_150 : vector<512x8xi32>
    %and3A_152 = arith.constant 4095 : i32
    %and3A_153 = vector.broadcast %and3A_152 : i32 to vector<512x1xi32>
    %and3A_154 = arith.andi %bitcast_convert_type3A_148, %and3A_153 : vector<512x1xi32>
    %sub3A_155 = arith.constant 4095 : i32
    %sub3A_156 = vector.broadcast %sub3A_155 : i32 to vector<512x1xi32>
    %sub3A_157 = arith.subi %sub3A_156, %and3A_154 : vector<512x1xi32>
    %broadcast_in_dim3A_158 = vector.shape_cast %sub3A_157 : vector<512x1xi32> to vector<512x1xi32>
    %broadcast_in_dim3A_159 = vector.broadcast %broadcast_in_dim3A_158 : vector<512x1xi32> to vector<512x8xi32>
    %select_n3A_160 = arith.select %eq3A_151, %broadcast_in_dim3A_159, %select_n3A_130 : vector<512x8xi1>, vector<512x8xi32>
    %eq3A_161 = arith.constant 4 : i32
    %eq3A_162 = vector.broadcast %eq3A_161 : i32 to vector<512x8xi32>
    %eq3A_163 = arith.cmpi eq, %iota3A_18, %eq3A_162 : vector<512x8xi32>
    %and3A_164 = arith.constant -4096 : i32
    %and3A_165 = vector.broadcast %and3A_164 : i32 to vector<512x1xi32>
    %and3A_166 = arith.andi %bitcast_convert_type3A_148, %and3A_165 : vector<512x1xi32>
    %broadcast_in_dim3A_167 = vector.shape_cast %and3A_166 : vector<512x1xi32> to vector<512x1xi32>
    %broadcast_in_dim3A_168 = vector.broadcast %broadcast_in_dim3A_167 : vector<512x1xi32> to vector<512x8xi32>
    %select_n3A_169 = arith.select %eq3A_163, %broadcast_in_dim3A_168, %select_n3A_139 : vector<512x8xi1>, vector<512x8xi32>
    %reduce_max3A_170 = arith.constant dense<0xFF800000> : vector<512xf32>
    %reduce_max3A_171 = vector.multi_reduction <maximumf>, %select_n3A_147, %reduce_max3A_170 [1] : vector<512x4096xf32> to vector<512xf32>
    %broadcast_in_dim3A_172 = vector.shape_cast %reduce_max3A_171 : vector<512xf32> to vector<512x1xf32>
    %eq3A_173 = vector.broadcast %broadcast_in_dim3A_172 : vector<512x1xf32> to vector<512x4096xf32>
    %eq3A_174 = arith.cmpf oeq, %select_n3A_147, %eq3A_173 : vector<512x4096xf32>
    %jit3A_175 = arith.constant 0.000000e+00 : f32
    %broadcast_in_dim3A_176 = vector.broadcast %jit3A_175 : f32 to vector<512x4096xf32>
    %select_n3A_177 = arith.select %eq3A_174, %broadcast_in_dim3A_176, %select_n3A_147 : vector<512x4096xi1>, vector<512x4096xf32>
    %bitcast_convert_type3A_178 = tpu.bitcast %broadcast_in_dim3A_172 : vector<512x1xf32> -> vector<512x1xi32>
    %eq3A_179 = arith.constant 5 : i32
    %eq3A_180 = vector.broadcast %eq3A_179 : i32 to vector<512x8xi32>
    %eq3A_181 = arith.cmpi eq, %iota3A_18, %eq3A_180 : vector<512x8xi32>
    %and3A_182 = arith.constant 4095 : i32
    %and3A_183 = vector.broadcast %and3A_182 : i32 to vector<512x1xi32>
    %and3A_184 = arith.andi %bitcast_convert_type3A_178, %and3A_183 : vector<512x1xi32>
    %sub3A_185 = arith.constant 4095 : i32
    %sub3A_186 = vector.broadcast %sub3A_185 : i32 to vector<512x1xi32>
    %sub3A_187 = arith.subi %sub3A_186, %and3A_184 : vector<512x1xi32>
    %broadcast_in_dim3A_188 = vector.shape_cast %sub3A_187 : vector<512x1xi32> to vector<512x1xi32>
    %broadcast_in_dim3A_189 = vector.broadcast %broadcast_in_dim3A_188 : vector<512x1xi32> to vector<512x8xi32>
    %select_n3A_190 = arith.select %eq3A_181, %broadcast_in_dim3A_189, %select_n3A_160 : vector<512x8xi1>, vector<512x8xi32>
    %eq3A_191 = arith.constant 5 : i32
    %eq3A_192 = vector.broadcast %eq3A_191 : i32 to vector<512x8xi32>
    %eq3A_193 = arith.cmpi eq, %iota3A_18, %eq3A_192 : vector<512x8xi32>
    %and3A_194 = arith.constant -4096 : i32
    %and3A_195 = vector.broadcast %and3A_194 : i32 to vector<512x1xi32>
    %and3A_196 = arith.andi %bitcast_convert_type3A_178, %and3A_195 : vector<512x1xi32>
    %broadcast_in_dim3A_197 = vector.shape_cast %and3A_196 : vector<512x1xi32> to vector<512x1xi32>
    %broadcast_in_dim3A_198 = vector.broadcast %broadcast_in_dim3A_197 : vector<512x1xi32> to vector<512x8xi32>
    %select_n3A_199 = arith.select %eq3A_193, %broadcast_in_dim3A_198, %select_n3A_169 : vector<512x8xi1>, vector<512x8xi32>
    %reduce_max3A_200 = arith.constant dense<0xFF800000> : vector<512xf32>
    %reduce_max3A_201 = vector.multi_reduction <maximumf>, %select_n3A_177, %reduce_max3A_200 [1] : vector<512x4096xf32> to vector<512xf32>
    %broadcast_in_dim3A_202 = vector.shape_cast %reduce_max3A_201 : vector<512xf32> to vector<512x1xf32>
    %eq3A_203 = vector.broadcast %broadcast_in_dim3A_202 : vector<512x1xf32> to vector<512x4096xf32>
    %eq3A_204 = arith.cmpf oeq, %select_n3A_177, %eq3A_203 : vector<512x4096xf32>
    %jit3A_205 = arith.constant 0.000000e+00 : f32
    %broadcast_in_dim3A_206 = vector.broadcast %jit3A_205 : f32 to vector<512x4096xf32>
    %select_n3A_207 = arith.select %eq3A_204, %broadcast_in_dim3A_206, %select_n3A_177 : vector<512x4096xi1>, vector<512x4096xf32>
    %bitcast_convert_type3A_208 = tpu.bitcast %broadcast_in_dim3A_202 : vector<512x1xf32> -> vector<512x1xi32>
    %eq3A_209 = arith.constant 6 : i32
    %eq3A_210 = vector.broadcast %eq3A_209 : i32 to vector<512x8xi32>
    %eq3A_211 = arith.cmpi eq, %iota3A_18, %eq3A_210 : vector<512x8xi32>
    %and3A_212 = arith.constant 4095 : i32
    %and3A_213 = vector.broadcast %and3A_212 : i32 to vector<512x1xi32>
    %and3A_214 = arith.andi %bitcast_convert_type3A_208, %and3A_213 : vector<512x1xi32>
    %sub3A_215 = arith.constant 4095 : i32
    %sub3A_216 = vector.broadcast %sub3A_215 : i32 to vector<512x1xi32>
    %sub3A_217 = arith.subi %sub3A_216, %and3A_214 : vector<512x1xi32>
    %broadcast_in_dim3A_218 = vector.shape_cast %sub3A_217 : vector<512x1xi32> to vector<512x1xi32>
    %broadcast_in_dim3A_219 = vector.broadcast %broadcast_in_dim3A_218 : vector<512x1xi32> to vector<512x8xi32>
    %select_n3A_220 = arith.select %eq3A_211, %broadcast_in_dim3A_219, %select_n3A_190 : vector<512x8xi1>, vector<512x8xi32>
    %eq3A_221 = arith.constant 6 : i32
    %eq3A_222 = vector.broadcast %eq3A_221 : i32 to vector<512x8xi32>
    %eq3A_223 = arith.cmpi eq, %iota3A_18, %eq3A_222 : vector<512x8xi32>
    %and3A_224 = arith.constant -4096 : i32
    %and3A_225 = vector.broadcast %and3A_224 : i32 to vector<512x1xi32>
    %and3A_226 = arith.andi %bitcast_convert_type3A_208, %and3A_225 : vector<512x1xi32>
    %broadcast_in_dim3A_227 = vector.shape_cast %and3A_226 : vector<512x1xi32> to vector<512x1xi32>
    %broadcast_in_dim3A_228 = vector.broadcast %broadcast_in_dim3A_227 : vector<512x1xi32> to vector<512x8xi32>
    %select_n3A_229 = arith.select %eq3A_223, %broadcast_in_dim3A_228, %select_n3A_199 : vector<512x8xi1>, vector<512x8xi32>
    %reduce_max3A_230 = arith.constant dense<0xFF800000> : vector<512xf32>
    %reduce_max3A_231 = vector.multi_reduction <maximumf>, %select_n3A_207, %reduce_max3A_230 [1] : vector<512x4096xf32> to vector<512xf32>
    %broadcast_in_dim3A_232 = vector.shape_cast %reduce_max3A_231 : vector<512xf32> to vector<512x1xf32>
    %bitcast_convert_type3A_233 = tpu.bitcast %broadcast_in_dim3A_232 : vector<512x1xf32> -> vector<512x1xi32>
    %eq3A_234 = arith.constant 7 : i32
    %eq3A_235 = vector.broadcast %eq3A_234 : i32 to vector<512x8xi32>
    %eq3A_236 = arith.cmpi eq, %iota3A_18, %eq3A_235 : vector<512x8xi32>
    %and3A_237 = arith.constant 4095 : i32
    %and3A_238 = vector.broadcast %and3A_237 : i32 to vector<512x1xi32>
    %and3A_239 = arith.andi %bitcast_convert_type3A_233, %and3A_238 : vector<512x1xi32>
    %sub3A_240 = arith.constant 4095 : i32
    %sub3A_241 = vector.broadcast %sub3A_240 : i32 to vector<512x1xi32>
    %sub3A_242 = arith.subi %sub3A_241, %and3A_239 : vector<512x1xi32>
    %broadcast_in_dim3A_243 = vector.shape_cast %sub3A_242 : vector<512x1xi32> to vector<512x1xi32>
    %broadcast_in_dim3A_244 = vector.broadcast %broadcast_in_dim3A_243 : vector<512x1xi32> to vector<512x8xi32>
    %select_n3A_245 = arith.select %eq3A_236, %broadcast_in_dim3A_244, %select_n3A_220 : vector<512x8xi1>, vector<512x8xi32>
    %eq3A_246 = arith.constant 7 : i32
    %eq3A_247 = vector.broadcast %eq3A_246 : i32 to vector<512x8xi32>
    %eq3A_248 = arith.cmpi eq, %iota3A_18, %eq3A_247 : vector<512x8xi32>
    %and3A_249 = arith.constant -4096 : i32
    %and3A_250 = vector.broadcast %and3A_249 : i32 to vector<512x1xi32>
    %and3A_251 = arith.andi %bitcast_convert_type3A_233, %and3A_250 : vector<512x1xi32>
    %broadcast_in_dim3A_252 = vector.shape_cast %and3A_251 : vector<512x1xi32> to vector<512x1xi32>
    %broadcast_in_dim3A_253 = vector.broadcast %broadcast_in_dim3A_252 : vector<512x1xi32> to vector<512x8xi32>
    %select_n3A_254 = arith.select %eq3A_248, %broadcast_in_dim3A_253, %select_n3A_229 : vector<512x8xi1>, vector<512x8xi32>
    %bitcast_convert_type3A_255 = tpu.bitcast %select_n3A_254 : vector<512x8xi32> -> vector<512x8xf32>
    %div3A = vector.broadcast %broadcast_in_dim3A_9 : vector<512x1xf32> to vector<512x8xf32>
    %div3A_256 = arith.divf %bitcast_convert_type3A_255, %div3A : vector<512x8xf32>
    %mul3A = arith.constant 512 : i32
    %mul3A_257 = arith.muli %arg0, %mul3A : i32
    %iota3A_258 = tpu.iota {dimensions = array<i32: 0>} : vector<512x1xi32>
    %add3A_259 = vector.broadcast %mul3A_257 : i32 to vector<512x1xi32>
    %add3A_260 = arith.addi %add3A_259, %iota3A_258 : vector<512x1xi32>
    %eq3A_261 = vector.broadcast %add3A_260 : vector<512x1xi32> to vector<512x8xi32>
    %eq3A_262 = arith.cmpi eq, %select_n3A_245, %eq3A_261 : vector<512x8xi32>
    %jit3A_263 = arith.constant 1 : i32
    %jit3A_264 = arith.constant 0 : i32
    %broadcast_in_dim3A_265 = vector.broadcast %jit3A_263 : i32 to vector<512x8xi32>
    %broadcast_in_dim3A_266 = vector.broadcast %jit3A_264 : i32 to vector<512x8xi32>
    %select_n3A_267 = arith.select %eq3A_262, %broadcast_in_dim3A_265, %broadcast_in_dim3A_266 : vector<512x8xi1>, vector<512x8xi32>
    %reduce_max3A_268 = arith.constant dense<-2147483648> : vector<512xi32>
    %reduce_max3A_269 = vector.multi_reduction <maxsi>, %select_n3A_267, %reduce_max3A_268 [1] : vector<512x8xi32> to vector<512xi32>
    %broadcast_in_dim3A_270 = vector.shape_cast %reduce_max3A_269 : vector<512xi32> to vector<512x1xi32>
    %gt3A = arith.constant 0 : i32
    %gt3A_271 = vector.broadcast %gt3A : i32 to vector<512x1xi32>
    %gt3A_272 = arith.cmpi sgt, %broadcast_in_dim3A_270, %gt3A_271 : vector<512x1xi32>
    %jit3A_273 = arith.constant 0.000000e+00 : f32
    %broadcast_in_dim3A_274 = vector.broadcast %jit3A_273 : f32 to vector<512x8xf32>
    %select_n3A_275 = arith.select %eq3A_262, %div3A_256, %broadcast_in_dim3A_274 : vector<512x8xi1>, vector<512x8xf32>
    %reduce_sum3A_276 = arith.constant dense<0.000000e+00> : vector<512xf32>
    %reduce_sum3A_277 = vector.multi_reduction <add>, %select_n3A_275, %reduce_sum3A_276 [1] : vector<512x8xf32> to vector<512xf32>
    %broadcast_in_dim3A_278 = vector.shape_cast %reduce_sum3A_277 : vector<512xf32> to vector<512x1xf32>
    %reduce_sum3A_279 = arith.constant dense<0.000000e+00> : vector<512xf32>
    %reduce_sum3A_280 = vector.multi_reduction <add>, %div3A_256, %reduce_sum3A_279 [1] : vector<512x8xf32> to vector<512xf32>
    %broadcast_in_dim3A_281 = vector.shape_cast %reduce_sum3A_280 : vector<512xf32> to vector<512x1xf32>
    %eq3A_282 = arith.constant 0.000000e+00 : f32
    %eq3A_283 = vector.broadcast %eq3A_282 : f32 to vector<512x1xf32>
    %eq3A_284 = arith.cmpf oeq, %broadcast_in_dim3A_281, %eq3A_283 : vector<512x1xf32>
    %jit3A_285 = arith.constant 1.000000e+00 : f32
    %broadcast_in_dim3A_286 = vector.broadcast %jit3A_285 : f32 to vector<512x1xf32>
    %select_n3A_287 = arith.select %eq3A_284, %broadcast_in_dim3A_286, %broadcast_in_dim3A_278 : vector<512x1xi1>, vector<512x1xf32>
    %jit3A_288 = arith.constant 1.000000e+00 : f32
    %broadcast_in_dim3A_289 = vector.broadcast %jit3A_288 : f32 to vector<512x1xf32>
    %select_n3A_290 = arith.select %gt3A_272, %select_n3A_287, %broadcast_in_dim3A_289 : vector<512x1xi1>, vector<512x1xf32>
    %broadcast_in_dim3A_291 = vector.shape_cast %select_n3A_290 : vector<512x1xf32> to vector<512x1xf32>
    %broadcast_in_dim3A_292 = vector.broadcast %broadcast_in_dim3A_291 : vector<512x1xf32> to vector<512x8xf32>
    %select_n3A_293 = arith.select %eq3A_262, %broadcast_in_dim3A_292, %div3A_256 : vector<512x8xi1>, vector<512x8xf32>
    %broadcast_in_dim3A_294 = arith.constant -1 : i32
    %broadcast_in_dim3A_295 = vector.broadcast %broadcast_in_dim3A_294 : i32 to vector<512x7xi32>
    %broadcast_in_dim3A_296 = arith.constant 0.000000e+00 : f32
    %broadcast_in_dim3A_297 = vector.broadcast %broadcast_in_dim3A_296 : f32 to vector<512x7xf32>
    %concatenate3A = tpu.concatenate %select_n3A_245, %add3A_260, %broadcast_in_dim3A_295 in 1 : vector<512x8xi32>, vector<512x1xi32>, vector<512x7xi32> -> vector<512x16xi32>
    %transpose3A = tpu.transpose %concatenate3A, [1, 0] : vector<512x16xi32> -> vector<16x512xi32>
    %swap3A = arith.constant 0 : index
    %swap3A_298 = arith.constant 0 : index
    %swap3A_299 = vector.load %arg3[%swap3A, %swap3A_298] : memref<16x512xi32, #tpu.memory_space<vmem>>, vector<16x512xi32>
    tpu.vector_store %arg3[%swap3A, %swap3A_298], %transpose3A {strides = array<i32>} : memref<16x512xi32, #tpu.memory_space<vmem>>, vector<16x512xi32>,
    %concatenate3A_300 = tpu.concatenate %select_n3A_293, %select_n3A_290, %broadcast_in_dim3A_297 in 1 : vector<512x8xf32>, vector<512x1xf32>, vector<512x7xf32> -> vector<512x16xf32>
    %transpose3A_301 = tpu.transpose %concatenate3A_300, [1, 0] : vector<512x16xf32> -> vector<16x512xf32>
    %swap3A_302 = arith.constant 0 : index
    %swap3A_303 = arith.constant 0 : index
    %swap3A_304 = vector.load %arg4[%swap3A_302, %swap3A_303] : memref<16x512xf32, #tpu.memory_space<vmem>>, vector<16x512xf32>
    tpu.vector_store %arg4[%swap3A_302, %swap3A_303], %transpose3A_301 {strides = array<i32>} : memref<16x512xf32, #tpu.memory_space<vmem>>, vector<16x512xf32>,
    return
  }
  func.func @transform_0(%arg0: i32) -> (i32, i32) {
    %c0_i32 = arith.constant 0 : i32
    %c0_i32_0 = arith.constant 0 : i32
    return %arg0, %c0_i32 : i32, i32
  }
  func.func @transform_1(%arg0: i32) -> (i32, i32) {
    %c0_i32 = arith.constant 0 : i32
    %c0_i32_0 = arith.constant 0 : i32
    %c0_i32_1 = arith.constant 0 : i32
    return %c0_i32, %c0_i32_0 : i32, i32
  }
  func.func @transform_2(%arg0: i32) -> (i32, i32) {
    %c0_i32 = arith.constant 0 : i32
    %c0_i32_0 = arith.constant 0 : i32
    return %c0_i32, %arg0 : i32, i32
  }
  func.func @transform_3(%arg0: i32) -> (i32, i32) {
    %c0_i32 = arith.constant 0 : i32
    %c0_i32_0 = arith.constant 0 : i32
    return %c0_i32, %arg0 : i32, i32
  }
}

</mosaic_0001>

<sc_bundles>
// kernel: kernel.5.cloned.1.call-start
scs
__scs_entry_jumppad:
0x0: {  	(pc) =	sbr.rel $0x88, $3  }
0x1: {  	(tag) =	ssettag $0x0;
	lr =	simm.s32 $0x1  }
0x2: {  	[smem:$0x3F8A] =	sst lr;
	_ =	strace $0xD0000000  }
0x3: {  	_ = 	snop  }
0x4: {  	_ = 	snop  }
0x5: {  	_ = 	snop  }
0x6: {  	_ = 	snop  }
0x7: {  	_ = 	snop  }
__scs_overlays_trampoline_lowered:
0x8: {  	[smem:$0x3F99] =	sst s0  }
0x9: {  	[smem:$0x3F9A] =	sst s1  }
0xa: {  	[smem:$0x3F9B] =	sst s2  }
0xb: {  	[smem:$0x3F9C] =	sst s3  }
0xc: {  	[smem:$0x3F9D] =	sst s4  }
0xd: {  	[smem:$0x3F9E] =	sst s5  }
0xe: {  	[smem:$0x3F9F] =	sst s6  }
0xf: {  	[smem:$0x3FA0] =	sst s7  }
0x10: {  	[smem:$0x3FA1] =	sst s8  }
0x11: {  	[smem:$0x3FA2] =	sst s9;
	s0 =	simm.s32 @!p0 $0x0  }
0x12: {  	s1 =	sld [smem:$0x3F88];
	s0 =	simm.s32 @p0 $0x1  }
0x13: {  	[smem:$0x3FA3] =	sst s0;
	s0 =	simm.s32 @!p1 $0x0  }
0x14: {  	s2 =	sld [smem:$0x3F87];
	s0 =	simm.s32 @p1 $0x1  }
0x15: {  	[smem:$0x3FA4] =	sst s0;
	s0 =	simm.s32 @!p2 $0x0  }
0x16: {  	s3 =	sld [smem:$0x3FDB];
	s0 =	simm.s32 @p2 $0x1  }
0x17: {  	s4 =	simm.s32 $0x1BF5;
	[smem:$0x3FA6] =	sst s0  }
0x18: {  	s0 =	sld [smem:$0x3F89];
	_ =	swait.ge [sflag:s4], $0x0  }
0x19: {  	s7 =	sld [smem:$0x3F8A]  }
0x1a: {  	s8 =	sadd.s32 $0xFFFFE003, lr  }
0x1b: {  	s9 =	sadd.s32 $0xFFFFFEF7, lr;
	s5 =	simm.s32 $0xFFFFFFFF;
	p2 =	slt.u32 s8, $0xFFFFF086  }
0x1c: {  	p1 =	slt.u32 s9, $0xF7A;
	s5 =	simm.s32 @!p2 $0x0  }
0x1d: {  	s5 =	simm.s32 @p1 $0x1;
	p0 =	seq.s32 s7, s2  }
0x1e: {  	s7 =	smul.u32 @!p0 $0xF7A, s2;
	p2 =	seq.s32 @!p0 s5, $0x0  }
0x1f: {  	s9 =	smul.u32 $0xF7A, s1;
	s8 =	simm.s32 @!p0 $0x1BF5;
	p2 =	por !p2, p0  }
0x20: {  	[sflag:s8] =	ssyncset.s32 @!p0 $0xFFFFF086;
	s6 =	sadd.s32 @!p0 s3, s7;
	s7 =	simm.s32 @!p0 $0x108  }
0x21: {  	s3 =	sadd.s32 s3, s9;
	s6 =	sadd.s32 @!p0 $0x88, s6;
	s7 =	simm.s32 @p2 $0x1082  }
0x22: {  	[simem:s7], [sflag:s8] =	dma.local @!p0 [hbm:s6], $0xF7A  }
0x23: {  	s9 =	sor.u32 $0xD0000000, s2;
	s6 =	simm.s32 $0x108;
	_ =	swait.ge @!p0 [sflag:s8], $0x0  }
0x24: {  	s3 =	sadd.s32 $0x88, s3;
	s6 =	simm.s32 @!p1 $0x1082;
	[sflag:s4] =	ssyncset.s32 $0xFFFFF086  }
0x25: {  	[simem:s6], [sflag:s4] =	dma.local [hbm:s3], $0xF7A  }
0x26: {  	[smem:$0x3F8A] =	sst s1;
	(tag) =	ssettag s2;
	_ =	strace s9  }
0x27: {  	s1 =	sld [smem:$0x3F9A]  }
0x28: {  	s2 =	sld [smem:$0x3F9B]  }
0x29: {  	s4 =	sld [smem:$0x3F9D]  }
0x2a: {  	p0 =	seq.s32 s5, $0x0;
	s5 =	sld [smem:$0x3F9E]  }
0x2b: {  	s6 =	sld [smem:$0x3F9F]  }
0x2c: {  	s7 =	sld [smem:$0x3FA0]  }
0x2d: {  	s3 =	simm.s32 $0x108;
	s8 =	sld [smem:$0x3FA1]  }
0x2e: {  	s3 =	simm.s32 @!p0 $0x1082;
	s9 =	sld [smem:$0x3FA2]  }
0x2f: {  	lr =	sadd.s32 s0, s3;
	s0 =	sld [smem:$0x3F99]  }
0x30: {  	s3 =	sld [smem:$0x3F9C]  }
0x31: {  	[smem:$0x3FA5] =	sst s10  }
0x32: {  	s10 =	sld [smem:$0x3FA3];
	_ =	sdelay $0x3  }
0x33: {  	p0 =	seq.s32 s10, $0x1;
	s10 =	sld [smem:$0x3FA5];
	_ =	sdelay $0x3  }
0x34: {  	[smem:$0x3FA5] =	sst s10  }
0x35: {  	s10 =	sld [smem:$0x3FA4];
	_ =	sdelay $0x3  }
0x36: {  	p1 =	seq.s32 s10, $0x1;
	s10 =	sld [smem:$0x3FA5];
	_ =	sdelay $0x3  }
0x37: {  	[smem:$0x3FA5] =	sst s10  }
0x38: {  	s10 =	sld [smem:$0x3FA6]  }
0x39: {  	_ = 	snop;
	(pc) =	sbr.ind lr, $3  }
0x3a: {  	_ = 	snop  }
0x3b: {  	_ = 	snop  }
0x3c: {  	p2 =	seq.s32 s10, $0x1;
	s10 =	sld [smem:$0x3FA5]  }
0x3d: {  	_ =	shalt  }
0x3e: {  	_ =	shalt  }
0x3f: {  	_ =	shalt  }
0x40: {  	_ =	shalt  }
0x41: {  	_ =	shalt  }
0x42: {  	_ =	shalt  }
0x43: {  	_ =	shalt  }
0x44: {  	_ =	shalt  }
0x45: {  	_ =	shalt  }
0x46: {  	_ =	shalt  }
0x47: {  	_ =	shalt  }
0x48: {  	_ =	shalt  }
0x49: {  	_ =	shalt  }
0x4a: {  	_ =	shalt  }
0x4b: {  	_ =	shalt  }
0x4c: {  	_ =	shalt  }
0x4d: {  	_ =	shalt  }
0x4e: {  	_ =	shalt  }
0x4f: {  	_ =	shalt  }
0x50: {  	_ =	shalt  }
0x51: {  	_ =	shalt  }
0x52: {  	_ =	shalt  }
0x53: {  	_ =	shalt  }
0x54: {  	_ =	shalt  }
0x55: {  	_ =	shalt  }
0x56: {  	_ =	shalt  }
0x57: {  	_ =	shalt  }
0x58: {  	_ =	shalt  }
0x59: {  	_ =	shalt  }
0x5a: {  	_ =	shalt  }
0x5b: {  	_ =	shalt  }
0x5c: {  	_ =	shalt  }
0x5d: {  	_ =	shalt  }
0x5e: {  	_ =	shalt  }
0x5f: {  	_ =	shalt  }
0x60: {  	_ =	shalt  }
0x61: {  	_ =	shalt  }
0x62: {  	_ =	shalt  }
0x63: {  	_ =	shalt  }
0x64: {  	_ =	shalt  }
0x65: {  	_ =	shalt  }
0x66: {  	_ =	shalt  }
0x67: {  	_ =	shalt  }
0x68: {  	_ =	shalt  }
0x69: {  	_ =	shalt  }
0x6a: {  	_ =	shalt  }
0x6b: {  	_ =	shalt  }
0x6c: {  	_ =	shalt  }
0x6d: {  	_ =	shalt  }
0x6e: {  	_ =	shalt  }
0x6f: {  	_ =	shalt  }
0x70: {  	_ =	shalt  }
0x71: {  	_ =	shalt  }
0x72: {  	_ =	shalt  }
0x73: {  	_ =	shalt  }
0x74: {  	_ =	shalt  }
0x75: {  	_ =	shalt  }
0x76: {  	_ =	shalt  }
0x77: {  	_ =	shalt  }
0x78: {  	_ =	shalt  }
0x79: {  	_ =	shalt  }
0x7a: {  	_ =	shalt  }
0x7b: {  	_ =	shalt  }
0x7c: {  	_ =	shalt  }
0x7d: {  	_ =	shalt  }
0x7e: {  	_ =	shalt  }
0x7f: {  	_ =	shalt  }
0x80: {  	_ =	shalt  }
0x81: {  	_ =	shalt  }
0x82: {  	_ =	shalt  }
0x83: {  	_ =	shalt  }
0x84: {  	_ =	shalt  }
0x85: {  	_ =	shalt  }
0x86: {  	_ =	shalt  }
0x87: {  	_ =	shalt  }
.Lfunc_end0:
.L_simem_size_0:
called_computation_lowered:
.L_overlay_start_0:
0x88: {  	s2 =	sld [smem:$0x3FD9]  }
0x89: {  	s3 =	sld [smem:$0x3FFE];
	_ =	sdelay $0x1  }
0x8a: {  	s1 =	srdreg.scid  }
0x8b: {  	s0 =	sand.u32 $0x1, s1  }
0x8c: {  	s16 =	sshll.u32 s0, $0xA;
	s2 =	sadd.s32 s3, s2  }
0x8d: {  	s2 =	sadd.s32 s2, s16  }
0x8e: {  	[smem:$0x3FB1] =	sst s2  }
0x8f: {  	_ = 	snop  }
0x90: {  	(tm) =	ssettm $0x1  }
0x91: {  	s17 =	sld [smem:$0x3FFB];
	_ =	sdelay $0x3  }
0x92: {  	_ =	strace s17  }
0x93: {  	s2 =	sld [smem:$0x3FFC];
	_ =	sdelay $0x3  }
0x94: {  	_ =	strace s2  }
0x95: {  	s2 =	sld [smem:$0x3FFD];
	_ =	sdelay $0x3  }
0x96: {  	_ =	strace s2  }
0x97: {  	_ =	strace $0x8FFFFFFF  }
0x98: {  	s18 =	sld [smem:$0x3FDB];
	_ =	sdelay $0x1  }
0x99: {  	s19 =	simm.s32 $_scs_section_size  }
0x9a: {  	s4 =	simm.s32 $_size__tile_overlayer_lowered;
	s5 =	simm.s32 $_tile_overlayer_lowered  }
0x9b: {  	s22 =	simm.s32 $0x1BFF;
	s21 =	sshll.u32 s5, $0x1;
	s2 =	sadd.s32 s19, s18  }
0x9c: {  	s6 =	simm.s32 $0x0;
	s20 =	sshll.u32 s4, $0x1;
	s4 =	sadd.s32 s21, s2  }
0x9d: {  	[timem:s6], [sflag:s22] =	dma.local [hbm:s4], s20  }
0x9e: {  	_ =	swait.ge [sflag:s22], s20  }
0x9f: {  	s3 =	ssub.s32 $0x0, s20;
	[sflag:s22] =	ssyncset.done $0x0  }
0xa0: {  	[sflag:s22] =	ssyncadd.s32 s3;
	_ =	sdelay $0x1  }
0xa1: {  	s23 =	simm.s32 $0x1B8B  }
0xa2: {  	_ =	swait.ge [sflag:s23], $0x1  }
0xa3: {  	[sflag:s23] =	ssyncset.done $0x0  }
0xa4: {  	s25 =	simm.s32 $0x1B8E;
	s24 =	sld [smem:$0x3FFE];
	[sflag:s23] =	ssyncadd.s32 $0xFFFFFFFF  }
0xa5: {  	s26 =	simm.s32 $execute0_lowered;
	[smem:$0x3FD2] =	sst s25  }
0xa6: {  	s4 =	sshll.u32 s26, $0x1;
	_ =	strace $0x80000046;
	[dreg:$0x1] =	wrdreg $0xFFFFFFFF  }
0xa7: {  	s28 =	simm.s32 $_size_execute0_lowered;
	s2 =	sadd.s32 s2, s4;
	[dreg:$0x0] =	wrdreg $0x0  }
0xa8: {  	s4 =	sshll.u32 s28, $0x1;
	[dreg:$0x2] =	wrdreg s2  }
0xa9: {  	[dreg:$0x3] =	wrdreg s4  }
0xaa: {  	[dreg:$0x4] =	wrdreg $0xC0  }
0xab: {  	_ =	task [dreg:s6], $0x5FFFF  }
0xac: {  	[dreg:$0x1] =	wrdreg $0xFFFFFFFF  }
0xad: {  	[dreg:$0x0] =	wrdreg $0x60  }
0xae: {  	[dreg:$0x2] =	wrdreg s24  }
0xaf: {  	[dreg:$0x3] =	wrdreg $0x9  }
0xb0: {  	_ =	task.clear_ibuf [dreg:s6], $0x4FFFF;
	_ =	strace $0x90000046  }
0xb1: {  	s29 =	simm.s32 $0x9;
	_ =	strace $0x80000048  }
0xb2: {  	_ =	swait.ge [sflag:s29], $0x1  }
0xb3: {  	[sflag:s29] =	ssyncadd.s32 $0xFFFFFFFF  }
0xb4: {  	_ =	strace $0x90000048  }
0xb5: {  	_ =	sfence  }
0xb6: {  	s30 =	sld [smem:$0x0];
	_ =	sdelay $0x2  }
0xb7: {  	s31 =	sshll.u32 s1, $0xD;
	s1 =	sshrl.u32 s1, $0x2  }
0xb8: {  	s3 =	sand.u32 $0x4000, s31;
	s1 =	sadd.s32 s1, s30  }
0xb9: {  	s0 =	sor.u32 s3, s0;
	s1 =	sshll.u32 s1, $0x11  }
0xba: {  	s0 =	sor.u32 s1, s0  }
0xbb: {  	s0 =	sadd.s32 $0x8F2B, s0  }
0xbc: {  	[sflag:s0] =	ssyncadd.remote.s32 $0x1  }
0xbd: {  	_ =	sfence.sel $0xFFFF  }
0xbe: {  	[dreg:$0x0] =	wrdreg $0xFFFFFFFF;
	(pc) =	sbr.abs _section_cstart, $3  }
0xbf: {  	[dreg:$0x1] =	wrdreg $0xFFFFFFFF  }
0xc0: {  	_ =	task.clear_ibuf [dreg:s6], $0x2FFFF;
	_ =	strace $0x9FFFFFFF  }
0xc1: {  	(tm) =	ssettm $0x7FFFFFFF  }
tec
execute0_lowered:
.L_overlay_start_1:
0x0: {  	(tag) =	ssettag $0x1  }
0x1: {  	s3 =	rddreg [dreg:$0x0]  }
0x2: {  	s0 =	rddreg [dreg:$0x1];
	s2 =	simm.s32 $0x0;
	s4 =	srdreg.scid  }
0x3: {  	s1 =	stileid.u32;
	s8 =	simm.s32 $0x8000;
	s9 =	simm.s32 $0x2  }
0x4: {  	s10 =	simm.s32 $0x800;
	s11 =	simm.s32 $0x80;
	s12 =	simm.s32 $0x1000  }
0x5: {  	s13 =	simm.s32 $0x1080;
	s14 =	simm.s32 $0x880;
	s15 =	simm.s32 $0x1100  }
0x6: {  	s16 =	simm.s32 $0x900;
	s17 =	simm.s32 $0x1180;
	s18 =	simm.s32 $0x980  }
0x7: {  	s19 =	simm.s32 $0x1200;
	s20 =	simm.s32 $0xA00;
	s4 =	sand.u32 $0x1, s4  }
0x8: {  	s23 =	simm.s32 $0x1300;
	s5 =	sshll.u32 s1, $0x8;
	s6 =	sshll.u32 s4, $0x7  }
0x9: {  	[smem:$0x7FF] =	sst s2;
	s4 =	ssub.s32 $0x2, s4;
	s21 =	sor.u32 s6, s5  }
0xa: {  	_ =	strace $0x80000047;
	s31 =	sshrl.u32 s4, $0x1;
	s6 =	sadd.s32 s21, s3  }
0xb: {  	s3 =	sadd.s32 $0x6800, s3;
	s7 =	ssub.s32 s4, s31;
	s22 =	sor.u32 $0x10, s21  }
0xc: {  	s24 =	sor.u32 $0x20, s21;
	s25 =	sor.u32 $0x30, s21;
	s26 =	sor.u32 $0x40, s21  }
0xd: {  	v7 =	vlaneseq.u32;
	s28 =	sor.u32 $0x50, s21;
	s29 =	sor.u32 $0x60, s21;
	s30 =	sor.u32 $0x70, s21  }
0xe: {  	v0 =	vor.u32 s21, v7;
	s21 =	simm.s32 $0x1280;
	s4 =	sadd.s32 $0x2800, s6;
	s5 =	sadd.s32 $0x4800, s6  }
0xf: {  	s6 =	smax.u32 s7, $0x1;
	s7 =	simm.s32 $0x400;
	v1 =	vor.u32 s22, v7;
	s22 =	simm.s32 $0xA80  }
0x10: {  	v2 =	vor.u32 s24, v7;
	v3 =	vor.u32 s25, v7;
	v4 =	vor.u32 s26, v7;
	s24 =	simm.s32 $0xB00;
	s25 =	simm.s32 $0x1380;
	s26 =	simm.s32 $0xB80  }
0x11: {  	v5 =	vor.u32 s28, v7;
	v6 =	vor.u32 s29, v7;
	v7 =	vor.u32 s30, v7;
	s28 =	simm.s32 $0x1400;
	s29 =	simm.s32 $0xC00;
	s30 =	simm.s32 $0x1  }
.LBB2_1:
0x12: {  	[tilespmem:s2], [sflag:$0x2] =	stream.strided.gather [hbm4b:s4+s7], $0x800, s8, s7, $0x38;
	[tilespmem:$0x1800] =	vst v63  }
0x13: {  	_ =	swait.ge [sflag:s9], $0x800  }
0x14: {  	[sflag:s9] =	ssyncset.done $0x0  }
0x15: {  	[sflag:s9] =	ssyncadd.s32 $0xFFFFF800  }
0x16: {  	[tilespmem:s10], [sflag:$0x2] =	stream.strided.gather [hbm4b:s5+s7], $0x800, s8, s7, $0x38;
	[tilespmem:$0x1800] =	vst v63  }
0x17: {  	_ =	swait.ge [sflag:s9], $0x800  }
0x18: {  	[sflag:s9] =	ssyncset.done $0x0  }
0x19: {  	[sflag:s9] =	ssyncadd.s32 $0xFFFFF800  }
0x1a: {  	v8 =	vld [tilespmem:$0x0]  }
0x1b: {  	v9 =	vld [tilespmem:$0x10]  }
0x1c: {  	v10 =	vld [tilespmem:$0x20]  }
0x1d: {  	v11 =	vld [tilespmem:$0x30]  }
0x1e: {  	v12 =	vld [tilespmem:$0x40]  }
0x1f: {  	v13 =	vld [tilespmem:$0x50];
	v8 =	vshll.u32 v8, $0xC  }
0x20: {  	v14 =	vld [tilespmem:$0x60];
	v9 =	vshll.u32 v9, $0xC;
	v8 =	vor.u32 v0, v8  }
0x21: {  	v26 =	vld [tilespmem:$0x70];
	v25 =	vshll.u32 v10, $0xC;
	[tilespmem:$0x1000] =	vst v8;
	v8 =	vor.u32 v1, v9  }
0x22: {  	v28 =	vld [tilespmem:$0x80];
	v27 =	vshll.u32 v11, $0xC;
	[tilespmem:$0x1010] =	vst v8;
	v8 =	vor.u32 v2, v25  }
0x23: {  	v30 =	vld [tilespmem:$0x90];
	v29 =	vshll.u32 v12, $0xC;
	[tilespmem:$0x1020] =	vst v8;
	v8 =	vor.u32 v3, v27  }
0x24: {  	v32 =	vld [tilespmem:$0xA0];
	v31 =	vshll.u32 v13, $0xC;
	[tilespmem:$0x1030] =	vst v8;
	v8 =	vor.u32 v4, v29  }
0x25: {  	v34 =	vld [tilespmem:$0xB0];
	v33 =	vshll.u32 v14, $0xC;
	[tilespmem:$0x1040] =	vst v8;
	v8 =	vor.u32 v5, v31  }
0x26: {  	v36 =	vld [tilespmem:$0xC0];
	v35 =	vshll.u32 v26, $0xC;
	[tilespmem:$0x1050] =	vst v8;
	v8 =	vor.u32 v6, v33  }
0x27: {  	v38 =	vld [tilespmem:$0xD0];
	v37 =	vshll.u32 v28, $0xC;
	[tilespmem:$0x1060] =	vst v8;
	v8 =	vor.u32 v7, v35  }
0x28: {  	v40 =	vld [tilespmem:$0xE0];
	v39 =	vshll.u32 v30, $0xC;
	[tilespmem:$0x1070] =	vst v8;
	v8 =	vor.u32 v0, v37  }
0x29: {  	v42 =	vld [tilespmem:$0xF0];
	v41 =	vshll.u32 v32, $0xC;
	[tilespmem:$0x1080] =	vst v8;
	v8 =	vor.u32 v1, v39  }
0x2a: {  	v44 =	vld [tilespmem:$0x100];
	v43 =	vshll.u32 v34, $0xC;
	[tilespmem:$0x1090] =	vst v8;
	v8 =	vor.u32 v2, v41  }
0x2b: {  	v46 =	vld [tilespmem:$0x110];
	v45 =	vshll.u32 v36, $0xC;
	[tilespmem:$0x10A0] =	vst v8;
	v8 =	vor.u32 v3, v43  }
0x2c: {  	v48 =	vld [tilespmem:$0x120];
	v47 =	vshll.u32 v38, $0xC;
	[tilespmem:$0x10B0] =	vst v8;
	v8 =	vor.u32 v4, v45  }
0x2d: {  	v50 =	vld [tilespmem:$0x130];
	v49 =	vshll.u32 v40, $0xC;
	[tilespmem:$0x10C0] =	vst v8;
	v8 =	vor.u32 v5, v47  }
0x2e: {  	v52 =	vld [tilespmem:$0x140];
	v51 =	vshll.u32 v42, $0xC;
	[tilespmem:$0x10D0] =	vst v8;
	v8 =	vor.u32 v6, v49  }
0x2f: {  	v54 =	vld [tilespmem:$0x150];
	v53 =	vshll.u32 v44, $0xC;
	[tilespmem:$0x10E0] =	vst v8;
	v8 =	vor.u32 v7, v51  }
0x30: {  	v56 =	vld [tilespmem:$0x160];
	v55 =	vshll.u32 v46, $0xC;
	[tilespmem:$0x10F0] =	vst v8;
	v8 =	vor.u32 v0, v53  }
0x31: {  	v58 =	vld [tilespmem:$0x170];
	v57 =	vshll.u32 v48, $0xC;
	[tilespmem:$0x1100] =	vst v8;
	v8 =	vor.u32 v1, v55  }
0x32: {  	v60 =	vld [tilespmem:$0x180];
	v59 =	vshll.u32 v50, $0xC;
	[tilespmem:$0x1110] =	vst v8;
	v8 =	vor.u32 v2, v57  }
0x33: {  	v62 =	vld [tilespmem:$0x190];
	v61 =	vshll.u32 v52, $0xC;
	[tilespmem:$0x1120] =	vst v8;
	v8 =	vor.u32 v3, v59  }
0x34: {  	v16 =	vld [tilespmem:$0x1A0];
	v63 =	vshll.u32 v54, $0xC;
	[tilespmem:$0x1130] =	vst v8;
	v8 =	vor.u32 v4, v61  }
0x35: {  	v18 =	vld [tilespmem:$0x1B0];
	v17 =	vshll.u32 v56, $0xC;
	[tilespmem:$0x1140] =	vst v8;
	v8 =	vor.u32 v5, v63  }
0x36: {  	v20 =	vld [tilespmem:$0x1C0];
	v19 =	vshll.u32 v58, $0xC;
	[tilespmem:$0x1150] =	vst v8;
	v8 =	vor.u32 v6, v17  }
0x37: {  	v22 =	vld [tilespmem:$0x1D0];
	v21 =	vshll.u32 v60, $0xC;
	[tilespmem:$0x1160] =	vst v8;
	v8 =	vor.u32 v7, v19  }
0x38: {  	v24 =	vld [tilespmem:$0x1E0];
	v23 =	vshll.u32 v62, $0xC;
	[tilespmem:$0x1170] =	vst v8;
	v8 =	vor.u32 v0, v21  }
0x39: {  	v26 =	vld [tilespmem:$0x1F0];
	v25 =	vshll.u32 v16, $0xC;
	[tilespmem:$0x1180] =	vst v8;
	v8 =	vor.u32 v1, v23  }
0x3a: {  	v28 =	vld [tilespmem:$0x200];
	v27 =	vshll.u32 v18, $0xC;
	[tilespmem:$0x1190] =	vst v8;
	v8 =	vor.u32 v2, v25  }
0x3b: {  	v30 =	vld [tilespmem:$0x210];
	v29 =	vshll.u32 v20, $0xC;
	[tilespmem:$0x11A0] =	vst v8;
	v8 =	vor.u32 v3, v27  }
0x3c: {  	v32 =	vld [tilespmem:$0x220];
	v31 =	vshll.u32 v22, $0xC;
	[tilespmem:$0x11B0] =	vst v8;
	v8 =	vor.u32 v4, v29  }
0x3d: {  	v34 =	vld [tilespmem:$0x230];
	v33 =	vshll.u32 v24, $0xC;
	[tilespmem:$0x11C0] =	vst v8;
	v8 =	vor.u32 v5, v31  }
0x3e: {  	v36 =	vld [tilespmem:$0x240];
	v35 =	vshll.u32 v26, $0xC;
	[tilespmem:$0x11D0] =	vst v8;
	v8 =	vor.u32 v6, v33  }
0x3f: {  	v38 =	vld [tilespmem:$0x250];
	v37 =	vshll.u32 v28, $0xC;
	[tilespmem:$0x11E0] =	vst v8;
	v8 =	vor.u32 v7, v35  }
0x40: {  	v40 =	vld [tilespmem:$0x260];
	v39 =	vshll.u32 v30, $0xC;
	[tilespmem:$0x11F0] =	vst v8;
	v8 =	vor.u32 v0, v37  }
0x41: {  	v42 =	vld [tilespmem:$0x270];
	v41 =	vshll.u32 v32, $0xC;
	[tilespmem:$0x1200] =	vst v8;
	v8 =	vor.u32 v1, v39  }
0x42: {  	v44 =	vld [tilespmem:$0x280];
	v43 =	vshll.u32 v34, $0xC;
	[tilespmem:$0x1210] =	vst v8;
	v8 =	vor.u32 v2, v41  }
0x43: {  	v46 =	vld [tilespmem:$0x290];
	v45 =	vshll.u32 v36, $0xC;
	[tilespmem:$0x1220] =	vst v8;
	v8 =	vor.u32 v3, v43  }
0x44: {  	v48 =	vld [tilespmem:$0x2A0];
	v47 =	vshll.u32 v38, $0xC;
	[tilespmem:$0x1230] =	vst v8;
	v8 =	vor.u32 v4, v45  }
0x45: {  	v50 =	vld [tilespmem:$0x2B0];
	v49 =	vshll.u32 v40, $0xC;
	[tilespmem:$0x1240] =	vst v8;
	v8 =	vor.u32 v5, v47  }
0x46: {  	v52 =	vld [tilespmem:$0x2C0];
	v51 =	vshll.u32 v42, $0xC;
	[tilespmem:$0x1250] =	vst v8;
	v8 =	vor.u32 v6, v49  }
0x47: {  	v54 =	vld [tilespmem:$0x2D0];
	v53 =	vshll.u32 v44, $0xC;
	[tilespmem:$0x1260] =	vst v8;
	v8 =	vor.u32 v7, v51  }
0x48: {  	v56 =	vld [tilespmem:$0x2E0];
	v55 =	vshll.u32 v46, $0xC;
	[tilespmem:$0x1270] =	vst v8;
	v8 =	vor.u32 v0, v53  }
0x49: {  	v58 =	vld [tilespmem:$0x2F0];
	v57 =	vshll.u32 v48, $0xC;
	[tilespmem:$0x1280] =	vst v8;
	v8 =	vor.u32 v1, v55  }
0x4a: {  	v60 =	vld [tilespmem:$0x300];
	v59 =	vshll.u32 v50, $0xC;
	[tilespmem:$0x1290] =	vst v8;
	v8 =	vor.u32 v2, v57  }
0x4b: {  	v62 =	vld [tilespmem:$0x310];
	v61 =	vshll.u32 v52, $0xC;
	[tilespmem:$0x12A0] =	vst v8;
	v8 =	vor.u32 v3, v59  }
0x4c: {  	v16 =	vld [tilespmem:$0x320];
	v63 =	vshll.u32 v54, $0xC;
	[tilespmem:$0x12B0] =	vst v8;
	v8 =	vor.u32 v4, v61  }
0x4d: {  	v18 =	vld [tilespmem:$0x330];
	v17 =	vshll.u32 v56, $0xC;
	[tilespmem:$0x12C0] =	vst v8;
	v8 =	vor.u32 v5, v63  }
0x4e: {  	v20 =	vld [tilespmem:$0x340];
	v19 =	vshll.u32 v58, $0xC;
	[tilespmem:$0x12D0] =	vst v8;
	v8 =	vor.u32 v6, v17  }
0x4f: {  	v22 =	vld [tilespmem:$0x350];
	v21 =	vshll.u32 v60, $0xC;
	[tilespmem:$0x12E0] =	vst v8;
	v8 =	vor.u32 v7, v19  }
0x50: {  	v24 =	vld [tilespmem:$0x360];
	v23 =	vshll.u32 v62, $0xC;
	[tilespmem:$0x12F0] =	vst v8;
	v8 =	vor.u32 v0, v21  }
0x51: {  	v26 =	vld [tilespmem:$0x370];
	v25 =	vshll.u32 v16, $0xC;
	[tilespmem:$0x1300] =	vst v8;
	v8 =	vor.u32 v1, v23  }
0x52: {  	v28 =	vld [tilespmem:$0x380];
	v27 =	vshll.u32 v18, $0xC;
	[tilespmem:$0x1310] =	vst v8;
	v8 =	vor.u32 v2, v25  }
0x53: {  	v30 =	vld [tilespmem:$0x390];
	v29 =	vshll.u32 v20, $0xC;
	[tilespmem:$0x1320] =	vst v8;
	v8 =	vor.u32 v3, v27  }
0x54: {  	v32 =	vld [tilespmem:$0x3A0];
	v31 =	vshll.u32 v22, $0xC;
	[tilespmem:$0x1330] =	vst v8;
	v8 =	vor.u32 v4, v29  }
0x55: {  	v34 =	vld [tilespmem:$0x3B0];
	v33 =	vshll.u32 v24, $0xC;
	[tilespmem:$0x1340] =	vst v8;
	v8 =	vor.u32 v5, v31  }
0x56: {  	v36 =	vld [tilespmem:$0x3C0];
	v35 =	vshll.u32 v26, $0xC;
	[tilespmem:$0x1350] =	vst v8;
	v8 =	vor.u32 v6, v33  }
0x57: {  	v38 =	vld [tilespmem:$0x3D0];
	v37 =	vshll.u32 v28, $0xC;
	[tilespmem:$0x1360] =	vst v8;
	v8 =	vor.u32 v7, v35  }
0x58: {  	v40 =	vld [tilespmem:$0x3E0];
	v39 =	vshll.u32 v30, $0xC;
	[tilespmem:$0x1370] =	vst v8;
	v8 =	vor.u32 v0, v37  }
0x59: {  	v42 =	vld [tilespmem:$0x3F0];
	v41 =	vshll.u32 v32, $0xC;
	[tilespmem:$0x1380] =	vst v8;
	v8 =	vor.u32 v1, v39  }
0x5a: {  	v44 =	vld [tilespmem:$0x400];
	v43 =	vshll.u32 v34, $0xC;
	[tilespmem:$0x1390] =	vst v8;
	v8 =	vor.u32 v2, v41  }
0x5b: {  	v46 =	vld [tilespmem:$0x410];
	v45 =	vshll.u32 v36, $0xC;
	[tilespmem:$0x13A0] =	vst v8;
	v8 =	vor.u32 v3, v43  }
0x5c: {  	v48 =	vld [tilespmem:$0x420];
	v47 =	vshll.u32 v38, $0xC;
	[tilespmem:$0x13B0] =	vst v8;
	v8 =	vor.u32 v4, v45  }
0x5d: {  	v50 =	vld [tilespmem:$0x430];
	v49 =	vshll.u32 v40, $0xC;
	[tilespmem:$0x13C0] =	vst v8;
	v8 =	vor.u32 v5, v47  }
0x5e: {  	v52 =	vld [tilespmem:$0x440];
	v51 =	vshll.u32 v42, $0xC;
	[tilespmem:$0x13D0] =	vst v8;
	v8 =	vor.u32 v6, v49  }
0x5f: {  	v54 =	vld [tilespmem:$0x450];
	v53 =	vshll.u32 v44, $0xC;
	[tilespmem:$0x13E0] =	vst v8;
	v8 =	vor.u32 v7, v51  }
0x60: {  	v56 =	vld [tilespmem:$0x460];
	v55 =	vshll.u32 v46, $0xC;
	[tilespmem:$0x13F0] =	vst v8;
	v8 =	vor.u32 v0, v53  }
0x61: {  	v58 =	vld [tilespmem:$0x470];
	v57 =	vshll.u32 v48, $0xC;
	[tilespmem:$0x1400] =	vst v8;
	v8 =	vor.u32 v1, v55  }
0x62: {  	v59 =	vshll.u32 v50, $0xC;
	[tilespmem:$0x1410] =	vst v8;
	v8 =	vor.u32 v2, v57  }
0x63: {  	v60 =	vshll.u32 v52, $0xC;
	[tilespmem:$0x1420] =	vst v8;
	v8 =	vor.u32 v3, v59  }
0x64: {  	v61 =	vshll.u32 v54, $0xC;
	[tilespmem:$0x1430] =	vst v8;
	v8 =	vor.u32 v4, v60  }
0x65: {  	v62 =	vshll.u32 v56, $0xC;
	[tilespmem:$0x1440] =	vst v8;
	v8 =	vor.u32 v5, v61  }
0x66: {  	v63 =	vshll.u32 v58, $0xC;
	[tilespmem:$0x1450] =	vst v8;
	v8 =	vor.u32 v6, v62  }
0x67: {  	[tilespmem:$0x1460] =	vst v8;
	v8 =	vor.u32 v7, v63  }
0x68: {  	[tilespmem:$0x1470] =	vst v8  }
0x69: {  	[hbm4b:s3+s11] =	stream.indirect.scatter [tilespmem:s10], [sflag:$0x1], $0x1, s12, s11, $0xb8;
	[tilespmem:$0x1800] =	vst v63  }
0x6a: {  	_ = 	snop  }
0x6b: {  	[hbm4b:s3+s11] =	stream.indirect.scatter [tilespmem:s14], [sflag:$0x1], $0x1, s13, s11, $0xb8;
	[tilespmem:$0x1800] =	vst v63  }
0x6c: {  	_ = 	snop  }
0x6d: {  	[hbm4b:s3+s11] =	stream.indirect.scatter [tilespmem:s16], [sflag:$0x1], $0x1, s15, s11, $0xb8;
	[tilespmem:$0x1800] =	vst v63  }
0x6e: {  	_ = 	snop  }
0x6f: {  	[hbm4b:s3+s11] =	stream.indirect.scatter [tilespmem:s18], [sflag:$0x1], $0x1, s17, s11, $0xb8;
	[tilespmem:$0x1800] =	vst v63  }
0x70: {  	_ = 	snop  }
0x71: {  	[hbm4b:s3+s11] =	stream.indirect.scatter [tilespmem:s20], [sflag:$0x1], $0x1, s19, s11, $0xb8;
	[tilespmem:$0x1800] =	vst v63  }
0x72: {  	_ = 	snop  }
0x73: {  	[hbm4b:s3+s11] =	stream.indirect.scatter [tilespmem:s22], [sflag:$0x1], $0x1, s21, s11, $0xb8;
	[tilespmem:$0x1800] =	vst v63  }
0x74: {  	_ = 	snop  }
0x75: {  	[hbm4b:s3+s11] =	stream.indirect.scatter [tilespmem:s24], [sflag:$0x1], $0x1, s23, s11, $0xb8;
	[tilespmem:$0x1800] =	vst v63  }
0x76: {  	_ = 	snop  }
0x77: {  	[hbm4b:s3+s11] =	stream.indirect.scatter [tilespmem:s26], [sflag:$0x1], $0x1, s25, s11, $0xb8;
	[tilespmem:$0x1800] =	vst v63  }
0x78: {  	_ = 	snop  }
0x79: {  	[hbm4b:s3+s11] =	stream.indirect.scatter [tilespmem:s29], [sflag:$0x1], $0x1, s28, s11, $0xb8;
	[tilespmem:$0x1800] =	vst v63  }
0x7a: {  	_ =	swait.ge [sflag:s30], $0x80  }
0x7b: {  	[sflag:s30] =	ssyncset.done $0x0  }
0x7c: {  	[sflag:s30] =	ssyncadd.s32 $0xFFFFFF80  }
0x7d: {  	_ =	swait.ge [sflag:s30], $0x80  }
0x7e: {  	[sflag:s30] =	ssyncset.done $0x0  }
0x7f: {  	[sflag:s30] =	ssyncadd.s32 $0xFFFFFF80  }
0x80: {  	_ =	swait.ge [sflag:s30], $0x80  }
0x81: {  	[sflag:s30] =	ssyncset.done $0x0  }
0x82: {  	[sflag:s30] =	ssyncadd.s32 $0xFFFFFF80  }
0x83: {  	_ =	swait.ge [sflag:s30], $0x80  }
0x84: {  	[sflag:s30] =	ssyncset.done $0x0  }
0x85: {  	[sflag:s30] =	ssyncadd.s32 $0xFFFFFF80  }
0x86: {  	_ =	swait.ge [sflag:s30], $0x80  }
0x87: {  	[sflag:s30] =	ssyncset.done $0x0  }
0x88: {  	[sflag:s30] =	ssyncadd.s32 $0xFFFFFF80  }
0x89: {  	_ =	swait.ge [sflag:s30], $0x80  }
0x8a: {  	[sflag:s30] =	ssyncset.done $0x0  }
0x8b: {  	[sflag:s30] =	ssyncadd.s32 $0xFFFFFF80  }
0x8c: {  	_ =	swait.ge [sflag:s30], $0x80  }
0x8d: {  	[sflag:s30] =	ssyncset.done $0x0  }
0x8e: {  	[sflag:s30] =	ssyncadd.s32 $0xFFFFFF80  }
0x8f: {  	p0 =	sne.s32 s6, $0x1;
	_ =	swait.ge [sflag:s30], $0x80  }
.Ltmp0:
0x90: {  	[sflag:s30] =	ssyncset.done $0x0;
	(pc) =	sbr.rel @p0 .LBB2_1-.Ltmp0, $4  }
0x91: {  	[sflag:s30] =	ssyncadd.s32 $0xFFFFFF80  }
0x92: {  	_ =	swait.ge [sflag:s30], $0x80  }
0x93: {  	[sflag:s30] =	ssyncset.done $0x0  }
0x94: {  	s6 =	sadd.s32 $0xFFFFFFFF, s6;
	[sflag:s30] =	ssyncadd.s32 $0xFFFFFF80  }
0x95: {  	_ =	sfence.sel $0x180000  }
0x96: {  	[bflag:$0x0] =	sbarrier.arrive $0xFFFF  }
0x97: {  	p0 =	sne.s32 s1, $0x0;
	_ =	strace $0x90000047  }
0x98: {  	s0 =	sadd.s32 @!p0 $0x100000, s0;
	[bflag:$0x2] =	sbarrier.arrive $0xFFFF  }
0x99: {  	[sflag:s0] =	ssyncadd.tile.s32 @!p0 $0x1;
	_ =	shalt  }
.Lfunc_end2:
_tile_overlayer_lowered:
.L_overlay_start_2:
0x9a: {  	(tag) =	ssettag $0x2  }
0x9b: {  	s0 =	rddreg [dreg:$0x0];
	s2 =	stileid.u32  }
0x9c: {  	s1 =	rddreg [dreg:$0x1];
	p0 =	sne.s32 s2, $0x0  }
0x9d: {  	s3 =	rddreg [dreg:$0x2];
	[bflag:$0x3] =	sbarrier.arrive $0xFFFF;
	s2 =	simm.s32 @!p0 $0x1C02  }
0x9e: {  	[timem:s3], [sflag:s2] =	dma.local @!p0 [hbm:s0], s1  }
0x9f: {  	s0 =	simm.s32 @!p0 $0x2  }
0xa0: {  	_ =	swait.ge @!p0 [sflag:s0], s1  }
0xa1: {  	s1 =	ssub.s32 @!p0 $0x0, s1;
	[sflag:s0] =	ssyncset.done @!p0 $0x0  }
0xa2: {  	[sflag:s0] =	ssyncadd.s32 @!p0 s1  }
0xa3: {  	[bflag:$0x3] =	sbarrier.arrive $0xFFFF  }
0xa4: {  	_ =	shalt  }

</sc_bundles>
